<compile_context>
chip_gen: v7x
topology: tpu7x:2x2x1
jax: 0.10.2.dev20260603
libtpu: 0.0.44.dev20260713+nightly
codegen_flags: <defaults>
</compile_context>

<pallas_src>
import functools

import jax
import jax.numpy as jnp
from jax import lax
from jax.experimental import pallas as pl
from jax.experimental.pallas import tpu as pltpu
from jax.experimental.pallas import tpu_sc as plsc

L = 16
KSEL = 5
NSUB = 16
TPB = 8
BLK = 32768
NBLK = 16
PAD = 128


def _insert(ms, x):
    out = []
    for m in ms:
        lo = jnp.minimum(m, x)
        x = jnp.maximum(m, x)
        out.append(lo)
    return tuple(out)


SUBV = 64
NSUB_BLK = BLK // (SUBV * L)
NACC = 8
STEPV = 32


def _scan_buf(buf, ms):

    inf_v = jnp.full((L,), jnp.inf, jnp.float32)

    def sub(u, ms):
        base = pl.multiple_of(u * (SUBV * L), SUBV * L)

        def step(q, accs):
            o = base + q * (STEPV * L)
            accs = list(accs)
            for k in range(STEPV):
                accs[k % NACC] = jnp.minimum(
                    accs[k % NACC], buf[pl.ds(o + k * L, L)]
                )
            return tuple(accs)

        accs = lax.fori_loop(0, SUBV // STEPV, step, (inf_v,) * NACC)
        bm = accs[0]
        for a in range(1, NACC):
            bm = jnp.minimum(bm, accs[a])
        need = jnp.any(bm < ms[KSEL - 1])

        def rescan(ms):
            for k in range(SUBV):
                ms = _insert(ms, buf[pl.ds(base + k * L, L)])
            return ms

        return lax.cond(need, rescan, lambda m: m, ms)

    return lax.fori_loop(0, NSUB_BLK, sub, ms)


def _sc_body(w_hbm, out_hbm, buf0, buf1, cand, gath, outv, shared,
             sem0, sem1):
    c = lax.axis_index("c")
    s = lax.axis_index("s")
    b = c * 2 + s // TPB
    p = s % TPB

    inf_v = jnp.full((L,), jnp.inf, jnp.float32)
    init = (inf_v,) * KSEL

    def dma(i, buf, sem):
        return pltpu.make_async_copy(w_hbm.at[b, p, i], buf, sem)

    dma(0, buf0, sem0).start()

    def pair_body(g, ms):
        i0 = 2 * g
        dma(i0 + 1, buf1, sem1).start()
        dma(i0, buf0, sem0).wait()
        ms = _scan_buf(buf0, ms)

        @pl.when(g < NBLK // 2 - 1)
        def _():
            dma(i0 + 2, buf0, sem0).start()

        dma(i0 + 1, buf1, sem1).wait()
        return _scan_buf(buf1, ms)

    ms = lax.fori_loop(0, NBLK // 2, pair_body, init)

    for j in range(KSEL):
        cand[pl.ds(j * L, L)] = ms[j]
    pltpu.sync_copy(cand, shared.at[s])
    plsc.subcore_barrier()

    @pl.when(p == 0)
    def _stage2():
        base = (s // TPB) * TPB
        pltpu.sync_copy(shared.at[pl.ds(base, TPB)], gath)
        cs = list(init)
        for t in range(TPB):
            for j in range(KSEL):
                cs = list(_insert(cs, gath[t, pl.ds(j * L, L)]))
        def xsort(v):
            return plsc.sort_key_val(v, v)[0]

        acc = xsort(cs[0])
        for j in range(1, KSEL):
            lo = jnp.minimum(acc, lax.rev(xsort(cs[j]), (0,)))
            acc = xsort(lo)
        outv[...] = plsc.cumsum(acc)
        pltpu.sync_copy(outv, out_hbm.at[b])


@jax.jit
def kernel(weights):
    batch = weights.shape[0]
    w = weights.reshape(batch, TPB, NBLK, BLK)
    mesh = plsc.VectorSubcoreMesh(core_axis_name="c", subcore_axis_name="s")
    run = pl.kernel(
        _sc_body,
        out_type=jax.ShapeDtypeStruct((batch, L), jnp.float32),
        mesh=mesh,
        compiler_params=pltpu.CompilerParams(needs_layout_passes=False),
        scratch_types=[
            pltpu.VMEM((BLK,), jnp.float32),
            pltpu.VMEM((BLK,), jnp.float32),
            pltpu.VMEM((PAD,), jnp.float32),
            pltpu.VMEM((TPB, PAD), jnp.float32),
            pltpu.VMEM((L,), jnp.float32),
            pltpu.VMEM_SHARED((NSUB, PAD), jnp.float32),
            pltpu.SemaphoreType.DMA,
            pltpu.SemaphoreType.DMA,
        ],
    )
    sums = run(w)
    return sums[:, KSEL - 1].sum() / batch

# --- scband reference (transcript-rebuilt; emitter-appended) ---
"""Pipeline reference for scband-l1-sparsity-103079215874 (READ-ONLY COPY).

The authoritative reference and input builder live on the scoring server;
editing this copy changes nothing except your own understanding.
"""

import jax, jax.numpy as jnp
import numpy as np

K = 5

def setup_inputs(seed: int = 0) -> dict:
    key = jax.random.key(seed)
    weights = jax.random.uniform(key, (4, 2048, 2048), dtype=jnp.float32)
    return {"weights": weights}

def reference(weights):
    batch_size = weights.shape[0]
    flat = weights.reshape(batch_size, -1)
    low_vals = jnp.sort(flat, axis=1)[:, :K]
    l1_loss = low_vals.sum(axis=-1).sum() / batch_size
    return l1_loss

if __name__ == "__main__":
    import jax
    _d = setup_inputs()
    print(jax.jit(kernel)(*tuple(_d.values())))

</pallas_src>

<mosaic_0001>
#map = affine_map<(d0, d1) -> (0, 0, 0, 0)>
#map1 = affine_map<(d0, d1) -> (0, 0)>
module attributes {stable_mosaic.version = 14 : i64} {
  func.func @_sc_body(%arg0: i32, %arg1: i32, %arg2: memref<4x8x16x32768xf32, #tpu.memory_space<hbm>>, %arg3: memref<4x16xf32, #tpu.memory_space<hbm>>, %arg4: memref<32768xf32, #tpu.memory_space<vmem>>, %arg5: memref<32768xf32, #tpu.memory_space<vmem>>, %arg6: memref<128xf32, #tpu.memory_space<vmem>>, %arg7: memref<8x128xf32, #tpu.memory_space<vmem>>, %arg8: memref<16xf32, #tpu.memory_space<vmem>>, %arg9: memref<16x128xf32, #tpu.memory_space<vmem_shared>>, %arg10: memref<!tpu.dma_semaphore, #tpu.memory_space<semaphore_mem>>, %arg11: memref<!tpu.dma_semaphore, #tpu.memory_space<semaphore_mem>>) attributes {dimension_semantics = [#tpu.dimension_semantics<core_parallel>, #tpu.dimension_semantics<subcore_parallel>], iteration_bounds = array<i64: 2, 16>, scalar_prefetch = 0 : i64, scratch_operands = 8 : i64, tpu.core_type = #tpu.core_type<sc_vector_subcore>, window_params = [{transform_indices = #map}, {transform_indices = #map1}]} {
    %mul3A = arith.constant 2 : i32
    %mul3A_0 = arith.muli %arg0, %mul3A : i32
    %jit3A = arith.constant 8 : i32
    %div3A = arith.divsi %arg1, %jit3A : i32
    %sign3A = arith.constant 0 : i32
    %sign3A_1 = arith.cmpi sgt, %arg1, %sign3A : i32
    %sign3A_2 = arith.extui %sign3A_1 : i1 to i32
    %sign3A_3 = arith.constant 0 : i32
    %sign3A_4 = arith.cmpi slt, %arg1, %sign3A_3 : i32
    %sign3A_5 = arith.extui %sign3A_4 : i1 to i32
    %sign3A_6 = arith.subi %sign3A_2, %sign3A_5 : i32
    %sign3A_7 = arith.constant 0 : i32
    %sign3A_8 = arith.cmpi sgt, %jit3A, %sign3A_7 : i32
    %sign3A_9 = arith.extui %sign3A_8 : i1 to i32
    %sign3A_10 = arith.constant 0 : i32
    %sign3A_11 = arith.cmpi slt, %jit3A, %sign3A_10 : i32
    %sign3A_12 = arith.extui %sign3A_11 : i1 to i32
    %sign3A_13 = arith.subi %sign3A_9, %sign3A_12 : i32
    %ne3A = arith.cmpi ne, %sign3A_6, %sign3A_13 : i32
    %rem3A = arith.remsi %arg1, %jit3A : i32
    %ne3A_14 = arith.constant 0 : i32
    %ne3A_15 = arith.cmpi ne, %rem3A, %ne3A_14 : i32
    %and3A = arith.andi %ne3A, %ne3A_15 : i1
    %sub3A = arith.constant 1 : i32
    %sub3A_16 = arith.subi %div3A, %sub3A : i32
    %select_n3A = arith.select %and3A, %sub3A_16, %div3A : i32
    %add3A = arith.addi %mul3A_0, %select_n3A : i32
    %jit3A_17 = arith.constant 8 : i32
    %eq3A = arith.constant 0 : i32
    %eq3A_18 = arith.cmpi eq, %jit3A_17, %eq3A : i32
    %jit3A_19 = arith.constant 1 : i32
    %select_n3A_20 = arith.select %eq3A_18, %jit3A_19, %jit3A_17 : i32
    %rem3A_21 = arith.remsi %arg1, %select_n3A_20 : i32
    %ne3A_22 = arith.constant 0 : i32
    %ne3A_23 = arith.cmpi ne, %rem3A_21, %ne3A_22 : i32
    %lt3A = arith.constant 0 : i32
    %lt3A_24 = arith.cmpi slt, %rem3A_21, %lt3A : i32
    %lt3A_25 = arith.constant 0 : i32
    %lt3A_26 = arith.cmpi slt, %select_n3A_20, %lt3A_25 : i32
    %ne3A_27 = arith.xori %lt3A_24, %lt3A_26 : i1
    %and3A_28 = arith.andi %ne3A_27, %ne3A_23 : i1
    %add3A_29 = arith.addi %rem3A_21, %select_n3A_20 : i32
    %select_n3A_30 = arith.select %and3A_28, %add3A_29, %rem3A_21 : i32
    %broadcast_in_dim3A = arith.constant 0x7F800000 : f32
    %broadcast_in_dim3A_31 = vector.broadcast %broadcast_in_dim3A : f32 to vector<16xf32>
    %dma_start3A = arith.constant 0 : i32
    %dma_start3A_32 = arith.constant 0 : i32
    %dma_start3A_33 = tpu.memref_slice %arg2[%add3A, %select_n3A_30, %dma_start3A, %dma_start3A_32] : memref<4x8x16x32768xf32, #tpu.memory_space<hbm>> -> memref<1x1x1x32768xf32, #tpu.memory_space<hbm>>
    %dma_start3A_34 = tpu.memref_squeeze %dma_start3A_33 : memref<1x1x1x32768xf32, #tpu.memory_space<hbm>> -> memref<32768xf32, #tpu.memory_space<hbm>>
    %dma_start3A_35 = arith.constant 0 : i32
    %dma_start3A_36 = tpu.memref_slice %arg2[%add3A, %select_n3A_30, %dma_start3A, %dma_start3A_35] : memref<4x8x16x32768xf32, #tpu.memory_space<hbm>> -> memref<1x1x1x32768xf32, #tpu.memory_space<hbm>>
    %dma_start3A_37 = tpu.memref_squeeze %dma_start3A_36 : memref<1x1x1x32768xf32, #tpu.memory_space<hbm>> -> memref<32768xf32, #tpu.memory_space<hbm>>
    tpu.enqueue_dma source(%dma_start3A_37 : memref<32768xf32, #tpu.memory_space<hbm>>) target(%arg4 : memref<32768xf32, #tpu.memory_space<vmem>>) target_semaphore(%arg10 : memref<!tpu.dma_semaphore, #tpu.memory_space<semaphore_mem>>)
    %scan3A = arith.constant 0 : i32
    %scan3A_38 = arith.constant 8 : i32
    %scan3A_39 = arith.addi %scan3A, %scan3A_38 : i32
    %scan3A_40 = arith.constant 1 : i32
    %scan3A_41:5 = scf.for %scan3A_55 = %scan3A to %scan3A_39 step %scan3A_40 iter_args(%scan3A_56 = %broadcast_in_dim3A_31, %scan3A_57 = %broadcast_in_dim3A_31, %scan3A_58 = %broadcast_in_dim3A_31, %scan3A_59 = %broadcast_in_dim3A_31, %scan3A_60 = %broadcast_in_dim3A_31) -> (vector<16xf32>, vector<16xf32>, vector<16xf32>, vector<16xf32>, vector<16xf32>)  : i32 {
      %mul3A_61 = arith.constant 2 : i32
      %mul3A_62 = arith.muli %mul3A_61, %scan3A_55 : i32
      %add3A_63 = arith.constant 1 : i32
      %add3A_64 = arith.addi %mul3A_62, %add3A_63 : i32
      %dma_start3A_65 = arith.constant 0 : i32
      %dma_start3A_66 = tpu.memref_slice %arg2[%add3A, %select_n3A_30, %add3A_64, %dma_start3A_65] : memref<4x8x16x32768xf32, #tpu.memory_space<hbm>> -> memref<1x1x1x32768xf32, #tpu.memory_space<hbm>>
      %dma_start3A_67 = tpu.memref_squeeze %dma_start3A_66 : memref<1x1x1x32768xf32, #tpu.memory_space<hbm>> -> memref<32768xf32, #tpu.memory_space<hbm>>
      %dma_start3A_68 = arith.constant 0 : i32
      %dma_start3A_69 = tpu.memref_slice %arg2[%add3A, %select_n3A_30, %add3A_64, %dma_start3A_68] : memref<4x8x16x32768xf32, #tpu.memory_space<hbm>> -> memref<1x1x1x32768xf32, #tpu.memory_space<hbm>>
      %dma_start3A_70 = tpu.memref_squeeze %dma_start3A_69 : memref<1x1x1x32768xf32, #tpu.memory_space<hbm>> -> memref<32768xf32, #tpu.memory_space<hbm>>
      tpu.enqueue_dma source(%dma_start3A_70 : memref<32768xf32, #tpu.memory_space<hbm>>) target(%arg5 : memref<32768xf32, #tpu.memory_space<vmem>>) target_semaphore(%arg11 : memref<!tpu.dma_semaphore, #tpu.memory_space<semaphore_mem>>)
      %dma_wait3A = arith.constant 0 : i32
      %dma_wait3A_71 = tpu.memref_slice %arg2[%add3A, %select_n3A_30, %mul3A_62, %dma_wait3A] : memref<4x8x16x32768xf32, #tpu.memory_space<hbm>> -> memref<1x1x1x32768xf32, #tpu.memory_space<hbm>>
      %dma_wait3A_72 = tpu.memref_squeeze %dma_wait3A_71 : memref<1x1x1x32768xf32, #tpu.memory_space<hbm>> -> memref<32768xf32, #tpu.memory_space<hbm>>
      %dma_wait3A_73 = arith.constant 0 : i32
      %dma_wait3A_74 = tpu.memref_slice %arg2[%add3A, %select_n3A_30, %mul3A_62, %dma_wait3A_73] : memref<4x8x16x32768xf32, #tpu.memory_space<hbm>> -> memref<1x1x1x32768xf32, #tpu.memory_space<hbm>>
      %dma_wait3A_75 = tpu.memref_squeeze %dma_wait3A_74 : memref<1x1x1x32768xf32, #tpu.memory_space<hbm>> -> memref<32768xf32, #tpu.memory_space<hbm>>
      tpu.wait_dma2 semaphore(%arg10 : memref<!tpu.dma_semaphore, #tpu.memory_space<semaphore_mem>>) src(%dma_wait3A_75 : memref<32768xf32, #tpu.memory_space<hbm>>) dst(%arg4 : memref<32768xf32, #tpu.memory_space<vmem>>)
      %broadcast_in_dim3A_76 = arith.constant 0x7F800000 : f32
      %broadcast_in_dim3A_77 = vector.broadcast %broadcast_in_dim3A_76 : f32 to vector<16xf32>
      %scan3A_78 = arith.constant 0 : i32
      %scan3A_79 = arith.constant 32 : i32
      %scan3A_80 = arith.addi %scan3A_78, %scan3A_79 : i32
      %scan3A_81 = arith.constant 1 : i32
      %scan3A_82:5 = scf.for %scan3A_105 = %scan3A_78 to %scan3A_80 step %scan3A_81 iter_args(%scan3A_106 = %scan3A_56, %scan3A_107 = %scan3A_57, %scan3A_108 = %scan3A_58, %scan3A_109 = %scan3A_59, %scan3A_110 = %scan3A_60) -> (vector<16xf32>, vector<16xf32>, vector<16xf32>, vector<16xf32>, vector<16xf32>)  : i32 {
        %mul3A_111 = arith.constant 1024 : i32
        %mul3A_112 = arith.muli %scan3A_105, %mul3A_111 : i32
        %multiple_of3A = tpu.assume_multiple %mul3A_112, 1024 : i32
        %scan3A_113 = arith.constant 0 : i32
        %scan3A_114 = arith.constant 2 : i32
        %scan3A_115 = arith.addi %scan3A_113, %scan3A_114 : i32
        %scan3A_116 = arith.constant 1 : i32
        %scan3A_117:8 = scf.for %scan3A_140 = %scan3A_113 to %scan3A_115 step %scan3A_116 iter_args(%scan3A_141 = %broadcast_in_dim3A_77, %scan3A_142 = %broadcast_in_dim3A_77, %scan3A_143 = %broadcast_in_dim3A_77, %scan3A_144 = %broadcast_in_dim3A_77, %scan3A_145 = %broadcast_in_dim3A_77, %scan3A_146 = %broadcast_in_dim3A_77, %scan3A_147 = %broadcast_in_dim3A_77, %scan3A_148 = %broadcast_in_dim3A_77) -> (vector<16xf32>, vector<16xf32>, vector<16xf32>, vector<16xf32>, vector<16xf32>, vector<16xf32>, vector<16xf32>, vector<16xf32>)  : i32 {
          %mul3A_149 = arith.constant 512 : i32
          %mul3A_150 = arith.muli %scan3A_140, %mul3A_149 : i32
          %add3A_151 = arith.addi %multiple_of3A, %mul3A_150 : i32
          %add3A_152 = arith.constant 0 : i32
          %add3A_153 = arith.addi %add3A_151, %add3A_152 : i32
          %get3A = arith.index_cast %add3A_153 : i32 to index
          %get3A_154 = tpu.vector_load %arg4[%get3A] {strides = array<i32>} : memref<32768xf32, #tpu.memory_space<vmem>>, vector<16xf32>,
          %min3A_155 = arith.minimumf %scan3A_141, %get3A_154 : vector<16xf32>
          %add3A_156 = arith.constant 16 : i32
          %add3A_157 = arith.addi %add3A_151, %add3A_156 : i32
          %get3A_158 = arith.index_cast %add3A_157 : i32 to index
          %get3A_159 = tpu.vector_load %arg4[%get3A_158] {strides = array<i32>} : memref<32768xf32, #tpu.memory_space<vmem>>, vector<16xf32>,
          %min3A_160 = arith.minimumf %scan3A_142, %get3A_159 : vector<16xf32>
          %add3A_161 = arith.constant 32 : i32
          %add3A_162 = arith.addi %add3A_151, %add3A_161 : i32
          %get3A_163 = arith.index_cast %add3A_162 : i32 to index
          %get3A_164 = tpu.vector_load %arg4[%get3A_163] {strides = array<i32>} : memref<32768xf32, #tpu.memory_space<vmem>>, vector<16xf32>,
          %min3A_165 = arith.minimumf %scan3A_143, %get3A_164 : vector<16xf32>
          %add3A_166 = arith.constant 48 : i32
          %add3A_167 = arith.addi %add3A_151, %add3A_166 : i32
          %get3A_168 = arith.index_cast %add3A_167 : i32 to index
          %get3A_169 = tpu.vector_load %arg4[%get3A_168] {strides = array<i32>} : memref<32768xf32, #tpu.memory_space<vmem>>, vector<16xf32>,
          %min3A_170 = arith.minimumf %scan3A_144, %get3A_169 : vector<16xf32>
          %add3A_171 = arith.constant 64 : i32
          %add3A_172 = arith.addi %add3A_151, %add3A_171 : i32
          %get3A_173 = arith.index_cast %add3A_172 : i32 to index
          %get3A_174 = tpu.vector_load %arg4[%get3A_173] {strides = array<i32>} : memref<32768xf32, #tpu.memory_space<vmem>>, vector<16xf32>,
          %min3A_175 = arith.minimumf %scan3A_145, %get3A_174 : vector<16xf32>
          %add3A_176 = arith.constant 80 : i32
          %add3A_177 = arith.addi %add3A_151, %add3A_176 : i32
          %get3A_178 = arith.index_cast %add3A_177 : i32 to index
          %get3A_179 = tpu.vector_load %arg4[%get3A_178] {strides = array<i32>} : memref<32768xf32, #tpu.memory_space<vmem>>, vector<16xf32>,
          %min3A_180 = arith.minimumf %scan3A_146, %get3A_179 : vector<16xf32>
          %add3A_181 = arith.constant 96 : i32
          %add3A_182 = arith.addi %add3A_151, %add3A_181 : i32
          %get3A_183 = arith.index_cast %add3A_182 : i32 to index
          %get3A_184 = tpu.vector_load %arg4[%get3A_183] {strides = array<i32>} : memref<32768xf32, #tpu.memory_space<vmem>>, vector<16xf32>,
          %min3A_185 = arith.minimumf %scan3A_147, %get3A_184 : vector<16xf32>
          %add3A_186 = arith.constant 112 : i32
          %add3A_187 = arith.addi %add3A_151, %add3A_186 : i32
          %get3A_188 = arith.index_cast %add3A_187 : i32 to index
          %get3A_189 = tpu.vector_load %arg4[%get3A_188] {strides = array<i32>} : memref<32768xf32, #tpu.memory_space<vmem>>, vector<16xf32>,
          %min3A_190 = arith.minimumf %scan3A_148, %get3A_189 : vector<16xf32>
          %add3A_191 = arith.constant 128 : i32
          %add3A_192 = arith.addi %add3A_151, %add3A_191 : i32
          %get3A_193 = arith.index_cast %add3A_192 : i32 to index
          %get3A_194 = tpu.vector_load %arg4[%get3A_193] {strides = array<i32>} : memref<32768xf32, #tpu.memory_space<vmem>>, vector<16xf32>,
          %min3A_195 = arith.minimumf %min3A_155, %get3A_194 : vector<16xf32>
          %add3A_196 = arith.constant 144 : i32
          %add3A_197 = arith.addi %add3A_151, %add3A_196 : i32
          %get3A_198 = arith.index_cast %add3A_197 : i32 to index
          %get3A_199 = tpu.vector_load %arg4[%get3A_198] {strides = array<i32>} : memref<32768xf32, #tpu.memory_space<vmem>>, vector<16xf32>,
          %min3A_200 = arith.minimumf %min3A_160, %get3A_199 : vector<16xf32>
          %add3A_201 = arith.constant 160 : i32
          %add3A_202 = arith.addi %add3A_151, %add3A_201 : i32
          %get3A_203 = arith.index_cast %add3A_202 : i32 to index
          %get3A_204 = tpu.vector_load %arg4[%get3A_203] {strides = array<i32>} : memref<32768xf32, #tpu.memory_space<vmem>>, vector<16xf32>,
          %min3A_205 = arith.minimumf %min3A_165, %get3A_204 : vector<16xf32>
          %add3A_206 = arith.constant 176 : i32
          %add3A_207 = arith.addi %add3A_151, %add3A_206 : i32
          %get3A_208 = arith.index_cast %add3A_207 : i32 to index
          %get3A_209 = tpu.vector_load %arg4[%get3A_208] {strides = array<i32>} : memref<32768xf32, #tpu.memory_space<vmem>>, vector<16xf32>,
          %min3A_210 = arith.minimumf %min3A_170, %get3A_209 : vector<16xf32>
          %add3A_211 = arith.constant 192 : i32
          %add3A_212 = arith.addi %add3A_151, %add3A_211 : i32
          %get3A_213 = arith.index_cast %add3A_212 : i32 to index
          %get3A_214 = tpu.vector_load %arg4[%get3A_213] {strides = array<i32>} : memref<32768xf32, #tpu.memory_space<vmem>>, vector<16xf32>,
          %min3A_215 = arith.minimumf %min3A_175, %get3A_214 : vector<16xf32>
          %add3A_216 = arith.constant 208 : i32
          %add3A_217 = arith.addi %add3A_151, %add3A_216 : i32
          %get3A_218 = arith.index_cast %add3A_217 : i32 to index
          %get3A_219 = tpu.vector_load %arg4[%get3A_218] {strides = array<i32>} : memref<32768xf32, #tpu.memory_space<vmem>>, vector<16xf32>,
          %min3A_220 = arith.minimumf %min3A_180, %get3A_219 : vector<16xf32>
          %add3A_221 = arith.constant 224 : i32
          %add3A_222 = arith.addi %add3A_151, %add3A_221 : i32
          %get3A_223 = arith.index_cast %add3A_222 : i32 to index
          %get3A_224 = tpu.vector_load %arg4[%get3A_223] {strides = array<i32>} : memref<32768xf32, #tpu.memory_space<vmem>>, vector<16xf32>,
          %min3A_225 = arith.minimumf %min3A_185, %get3A_224 : vector<16xf32>
          %add3A_226 = arith.constant 240 : i32
          %add3A_227 = arith.addi %add3A_151, %add3A_226 : i32
          %get3A_228 = arith.index_cast %add3A_227 : i32 to index
          %get3A_229 = tpu.vector_load %arg4[%get3A_228] {strides = array<i32>} : memref<32768xf32, #tpu.memory_space<vmem>>, vector<16xf32>,
          %min3A_230 = arith.minimumf %min3A_190, %get3A_229 : vector<16xf32>
          %add3A_231 = arith.constant 256 : i32
          %add3A_232 = arith.addi %add3A_151, %add3A_231 : i32
          %get3A_233 = arith.index_cast %add3A_232 : i32 to index
          %get3A_234 = tpu.vector_load %arg4[%get3A_233] {strides = array<i32>} : memref<32768xf32, #tpu.memory_space<vmem>>, vector<16xf32>,
          %min3A_235 = arith.minimumf %min3A_195, %get3A_234 : vector<16xf32>
          %add3A_236 = arith.constant 272 : i32
          %add3A_237 = arith.addi %add3A_151, %add3A_236 : i32
          %get3A_238 = arith.index_cast %add3A_237 : i32 to index
          %get3A_239 = tpu.vector_load %arg4[%get3A_238] {strides = array<i32>} : memref<32768xf32, #tpu.memory_space<vmem>>, vector<16xf32>,
          %min3A_240 = arith.minimumf %min3A_200, %get3A_239 : vector<16xf32>
          %add3A_241 = arith.constant 288 : i32
          %add3A_242 = arith.addi %add3A_151, %add3A_241 : i32
          %get3A_243 = arith.index_cast %add3A_242 : i32 to index
          %get3A_244 = tpu.vector_load %arg4[%get3A_243] {strides = array<i32>} : memref<32768xf32, #tpu.memory_space<vmem>>, vector<16xf32>,
          %min3A_245 = arith.minimumf %min3A_205, %get3A_244 : vector<16xf32>
          %add3A_246 = arith.constant 304 : i32
          %add3A_247 = arith.addi %add3A_151, %add3A_246 : i32
          %get3A_248 = arith.index_cast %add3A_247 : i32 to index
          %get3A_249 = tpu.vector_load %arg4[%get3A_248] {strides = array<i32>} : memref<32768xf32, #tpu.memory_space<vmem>>, vector<16xf32>,
          %min3A_250 = arith.minimumf %min3A_210, %get3A_249 : vector<16xf32>
          %add3A_251 = arith.constant 320 : i32
          %add3A_252 = arith.addi %add3A_151, %add3A_251 : i32
          %get3A_253 = arith.index_cast %add3A_252 : i32 to index
          %get3A_254 = tpu.vector_load %arg4[%get3A_253] {strides = array<i32>} : memref<32768xf32, #tpu.memory_space<vmem>>, vector<16xf32>,
          %min3A_255 = arith.minimumf %min3A_215, %get3A_254 : vector<16xf32>
          %add3A_256 = arith.constant 336 : i32
          %add3A_257 = arith.addi %add3A_151, %add3A_256 : i32
          %get3A_258 = arith.index_cast %add3A_257 : i32 to index
          %get3A_259 = tpu.vector_load %arg4[%get3A_258] {strides = array<i32>} : memref<32768xf32, #tpu.memory_space<vmem>>, vector<16xf32>,
          %min3A_260 = arith.minimumf %min3A_220, %get3A_259 : vector<16xf32>
          %add3A_261 = arith.constant 352 : i32
          %add3A_262 = arith.addi %add3A_151, %add3A_261 : i32
          %get3A_263 = arith.index_cast %add3A_262 : i32 to index
          %get3A_264 = tpu.vector_load %arg4[%get3A_263] {strides = array<i32>} : memref<32768xf32, #tpu.memory_space<vmem>>, vector<16xf32>,
          %min3A_265 = arith.minimumf %min3A_225, %get3A_264 : vector<16xf32>
          %add3A_266 = arith.constant 368 : i32
          %add3A_267 = arith.addi %add3A_151, %add3A_266 : i32
          %get3A_268 = arith.index_cast %add3A_267 : i32 to index
          %get3A_269 = tpu.vector_load %arg4[%get3A_268] {strides = array<i32>} : memref<32768xf32, #tpu.memory_space<vmem>>, vector<16xf32>,
          %min3A_270 = arith.minimumf %min3A_230, %get3A_269 : vector<16xf32>
          %add3A_271 = arith.constant 384 : i32
          %add3A_272 = arith.addi %add3A_151, %add3A_271 : i32
          %get3A_273 = arith.index_cast %add3A_272 : i32 to index
          %get3A_274 = tpu.vector_load %arg4[%get3A_273] {strides = array<i32>} : memref<32768xf32, #tpu.memory_space<vmem>>, vector<16xf32>,
          %min3A_275 = arith.minimumf %min3A_235, %get3A_274 : vector<16xf32>
          %add3A_276 = arith.constant 400 : i32
          %add3A_277 = arith.addi %add3A_151, %add3A_276 : i32
          %get3A_278 = arith.index_cast %add3A_277 : i32 to index
          %get3A_279 = tpu.vector_load %arg4[%get3A_278] {strides = array<i32>} : memref<32768xf32, #tpu.memory_space<vmem>>, vector<16xf32>,
          %min3A_280 = arith.minimumf %min3A_240, %get3A_279 : vector<16xf32>
          %add3A_281 = arith.constant 416 : i32
          %add3A_282 = arith.addi %add3A_151, %add3A_281 : i32
          %get3A_283 = arith.index_cast %add3A_282 : i32 to index
          %get3A_284 = tpu.vector_load %arg4[%get3A_283] {strides = array<i32>} : memref<32768xf32, #tpu.memory_space<vmem>>, vector<16xf32>,
          %min3A_285 = arith.minimumf %min3A_245, %get3A_284 : vector<16xf32>
          %add3A_286 = arith.constant 432 : i32
          %add3A_287 = arith.addi %add3A_151, %add3A_286 : i32
          %get3A_288 = arith.index_cast %add3A_287 : i32 to index
          %get3A_289 = tpu.vector_load %arg4[%get3A_288] {strides = array<i32>} : memref<32768xf32, #tpu.memory_space<vmem>>, vector<16xf32>,
          %min3A_290 = arith.minimumf %min3A_250, %get3A_289 : vector<16xf32>
          %add3A_291 = arith.constant 448 : i32
          %add3A_292 = arith.addi %add3A_151, %add3A_291 : i32
          %get3A_293 = arith.index_cast %add3A_292 : i32 to index
          %get3A_294 = tpu.vector_load %arg4[%get3A_293] {strides = array<i32>} : memref<32768xf32, #tpu.memory_space<vmem>>, vector<16xf32>,
          %min3A_295 = arith.minimumf %min3A_255, %get3A_294 : vector<16xf32>
          %add3A_296 = arith.constant 464 : i32
          %add3A_297 = arith.addi %add3A_151, %add3A_296 : i32
          %get3A_298 = arith.index_cast %add3A_297 : i32 to index
          %get3A_299 = tpu.vector_load %arg4[%get3A_298] {strides = array<i32>} : memref<32768xf32, #tpu.memory_space<vmem>>, vector<16xf32>,
          %min3A_300 = arith.minimumf %min3A_260, %get3A_299 : vector<16xf32>
          %add3A_301 = arith.constant 480 : i32
          %add3A_302 = arith.addi %add3A_151, %add3A_301 : i32
          %get3A_303 = arith.index_cast %add3A_302 : i32 to index
          %get3A_304 = tpu.vector_load %arg4[%get3A_303] {strides = array<i32>} : memref<32768xf32, #tpu.memory_space<vmem>>, vector<16xf32>,
          %min3A_305 = arith.minimumf %min3A_265, %get3A_304 : vector<16xf32>
          %add3A_306 = arith.constant 496 : i32
          %add3A_307 = arith.addi %add3A_151, %add3A_306 : i32
          %get3A_308 = arith.index_cast %add3A_307 : i32 to index
          %get3A_309 = tpu.vector_load %arg4[%get3A_308] {strides = array<i32>} : memref<32768xf32, #tpu.memory_space<vmem>>, vector<16xf32>,
          %min3A_310 = arith.minimumf %min3A_270, %get3A_309 : vector<16xf32>
          scf.yield %min3A_275, %min3A_280, %min3A_285, %min3A_290, %min3A_295, %min3A_300, %min3A_305, %min3A_310 : vector<16xf32>, vector<16xf32>, vector<16xf32>, vector<16xf32>, vector<16xf32>, vector<16xf32>, vector<16xf32>, vector<16xf32>
        }
        %scan3A_118 = arith.constant 2 : i32
        %min3A = arith.minimumf %scan3A_117#0, %scan3A_117#1 : vector<16xf32>
        %min3A_119 = arith.minimumf %min3A, %scan3A_117#2 : vector<16xf32>
        %min3A_120 = arith.minimumf %min3A_119, %scan3A_117#3 : vector<16xf32>
        %min3A_121 = arith.minimumf %min3A_120, %scan3A_117#4 : vector<16xf32>
        %min3A_122 = arith.minimumf %min3A_121, %scan3A_117#5 : vector<16xf32>
        %min3A_123 = arith.minimumf %min3A_122, %scan3A_117#6 : vector<16xf32>
        %min3A_124 = arith.minimumf %min3A_123, %scan3A_117#7 : vector<16xf32>
        %lt3A_125 = arith.cmpf olt, %min3A_124, %scan3A_110 : vector<16xf32>
        %reduce_or3A = arith.constant 1.000000e+00 : f32
        %reduce_or3A_126 = arith.constant 0.000000e+00 : f32
        %reduce_or3A_127 = vector.broadcast %reduce_or3A : f32 to vector<16xf32>
        %reduce_or3A_128 = vector.broadcast %reduce_or3A_126 : f32 to vector<16xf32>
        %reduce_or3A_129 = arith.select %lt3A_125, %reduce_or3A_127, %reduce_or3A_128 : vector<16xi1>, vector<16xf32>
        %reduce_or3A_130 = arith.constant true
        %reduce_or3A_131 = vector.broadcast %reduce_or3A_130 : i1 to vector<16xi1>
        %reduce_or3A_132 = tpu.scan <max>, %reduce_or3A_129 masked %reduce_or3A_131 : vector<16xf32>, vector<16xi1> -> vector<16xf32>
        %reduce_or3A_133 = vector.extract %reduce_or3A_132[15] : f32 from vector<16xf32>
        %reduce_or3A_134 = arith.constant 0.000000e+00 : f32
        %reduce_or3A_135 = arith.cmpf ogt, %reduce_or3A_133, %reduce_or3A_134 : f32
        %convert_element_type3A_136 = arith.extui %reduce_or3A_135 : i1 to i32
        %cond3A_137 = arith.constant 0 : i32
        %cond3A_138 = arith.cmpi ne, %convert_element_type3A_136, %cond3A_137 : i32
        %cond3A_139:5 = scf.if %cond3A_138 -> (vector<16xf32>, vector<16xf32>, vector<16xf32>, vector<16xf32>, vector<16xf32>) {
          %add3A_140 = arith.constant 0 : i32
          %add3A_141 = arith.addi %multiple_of3A, %add3A_140 : i32
          %get3A = arith.index_cast %add3A_141 : i32 to index
          %get3A_142 = tpu.vector_load %arg4[%get3A] {strides = array<i32>} : memref<32768xf32, #tpu.memory_space<vmem>>, vector<16xf32>,
          %min3A_143 = arith.minimumf %scan3A_106, %get3A_142 : vector<16xf32>
          %max3A = arith.maximumf %scan3A_106, %get3A_142 : vector<16xf32>
          %min3A_144 = arith.minimumf %scan3A_107, %max3A : vector<16xf32>
          %max3A_145 = arith.maximumf %scan3A_107, %max3A : vector<16xf32>
          %min3A_146 = arith.minimumf %scan3A_108, %max3A_145 : vector<16xf32>
          %max3A_147 = arith.maximumf %scan3A_108, %max3A_145 : vector<16xf32>
          %min3A_148 = arith.minimumf %scan3A_109, %max3A_147 : vector<16xf32>
          %max3A_149 = arith.maximumf %scan3A_109, %max3A_147 : vector<16xf32>
          %min3A_150 = arith.minimumf %scan3A_110, %max3A_149 : vector<16xf32>
          %max3A_151 = arith.maximumf %scan3A_110, %max3A_149 : vector<16xf32>
          %add3A_152 = arith.constant 16 : i32
          %add3A_153 = arith.addi %multiple_of3A, %add3A_152 : i32
          %get3A_154 = arith.index_cast %add3A_153 : i32 to index
          %get3A_155 = tpu.vector_load %arg4[%get3A_154] {strides = array<i32>} : memref<32768xf32, #tpu.memory_space<vmem>>, vector<16xf32>,
          %min3A_156 = arith.minimumf %min3A_143, %get3A_155 : vector<16xf32>
          %max3A_157 = arith.maximumf %min3A_143, %get3A_155 : vector<16xf32>
          %min3A_158 = arith.minimumf %min3A_144, %max3A_157 : vector<16xf32>
          %max3A_159 = arith.maximumf %min3A_144, %max3A_157 : vector<16xf32>
          %min3A_160 = arith.minimumf %min3A_146, %max3A_159 : vector<16xf32>
          %max3A_161 = arith.maximumf %min3A_146, %max3A_159 : vector<16xf32>
          %min3A_162 = arith.minimumf %min3A_148, %max3A_161 : vector<16xf32>
          %max3A_163 = arith.maximumf %min3A_148, %max3A_161 : vector<16xf32>
          %min3A_164 = arith.minimumf %min3A_150, %max3A_163 : vector<16xf32>
          %max3A_165 = arith.maximumf %min3A_150, %max3A_163 : vector<16xf32>
          %add3A_166 = arith.constant 32 : i32
          %add3A_167 = arith.addi %multiple_of3A, %add3A_166 : i32
          %get3A_168 = arith.index_cast %add3A_167 : i32 to index
          %get3A_169 = tpu.vector_load %arg4[%get3A_168] {strides = array<i32>} : memref<32768xf32, #tpu.memory_space<vmem>>, vector<16xf32>,
          %min3A_170 = arith.minimumf %min3A_156, %get3A_169 : vector<16xf32>
          %max3A_171 = arith.maximumf %min3A_156, %get3A_169 : vector<16xf32>
          %min3A_172 = arith.minimumf %min3A_158, %max3A_171 : vector<16xf32>
          %max3A_173 = arith.maximumf %min3A_158, %max3A_171 : vector<16xf32>
          %min3A_174 = arith.minimumf %min3A_160, %max3A_173 : vector<16xf32>
          %max3A_175 = arith.maximumf %min3A_160, %max3A_173 : vector<16xf32>
          %min3A_176 = arith.minimumf %min3A_162, %max3A_175 : vector<16xf32>
          %max3A_177 = arith.maximumf %min3A_162, %max3A_175 : vector<16xf32>
          %min3A_178 = arith.minimumf %min3A_164, %max3A_177 : vector<16xf32>
          %max3A_179 = arith.maximumf %min3A_164, %max3A_177 : vector<16xf32>
          %add3A_180 = arith.constant 48 : i32
          %add3A_181 = arith.addi %multiple_of3A, %add3A_180 : i32
          %get3A_182 = arith.index_cast %add3A_181 : i32 to index
          %get3A_183 = tpu.vector_load %arg4[%get3A_182] {strides = array<i32>} : memref<32768xf32, #tpu.memory_space<vmem>>, vector<16xf32>,
          %min3A_184 = arith.minimumf %min3A_170, %get3A_183 : vector<16xf32>
          %max3A_185 = arith.maximumf %min3A_170, %get3A_183 : vector<16xf32>
          %min3A_186 = arith.minimumf %min3A_172, %max3A_185 : vector<16xf32>
          %max3A_187 = arith.maximumf %min3A_172, %max3A_185 : vector<16xf32>
          %min3A_188 = arith.minimumf %min3A_174, %max3A_187 : vector<16xf32>
          %max3A_189 = arith.maximumf %min3A_174, %max3A_187 : vector<16xf32>
          %min3A_190 = arith.minimumf %min3A_176, %max3A_189 : vector<16xf32>
          %max3A_191 = arith.maximumf %min3A_176, %max3A_189 : vector<16xf32>
          %min3A_192 = arith.minimumf %min3A_178, %max3A_191 : vector<16xf32>
          %max3A_193 = arith.maximumf %min3A_178, %max3A_191 : vector<16xf32>
          %add3A_194 = arith.constant 64 : i32
          %add3A_195 = arith.addi %multiple_of3A, %add3A_194 : i32
          %get3A_196 = arith.index_cast %add3A_195 : i32 to index
          %get3A_197 = tpu.vector_load %arg4[%get3A_196] {strides = array<i32>} : memref<32768xf32, #tpu.memory_space<vmem>>, vector<16xf32>,
          %min3A_198 = arith.minimumf %min3A_184, %get3A_197 : vector<16xf32>
          %max3A_199 = arith.maximumf %min3A_184, %get3A_197 : vector<16xf32>
          %min3A_200 = arith.minimumf %min3A_186, %max3A_199 : vector<16xf32>
          %max3A_201 = arith.maximumf %min3A_186, %max3A_199 : vector<16xf32>
          %min3A_202 = arith.minimumf %min3A_188, %max3A_201 : vector<16xf32>
          %max3A_203 = arith.maximumf %min3A_188, %max3A_201 : vector<16xf32>
          %min3A_204 = arith.minimumf %min3A_190, %max3A_203 : vector<16xf32>
          %max3A_205 = arith.maximumf %min3A_190, %max3A_203 : vector<16xf32>
          %min3A_206 = arith.minimumf %min3A_192, %max3A_205 : vector<16xf32>
          %max3A_207 = arith.maximumf %min3A_192, %max3A_205 : vector<16xf32>
          %add3A_208 = arith.constant 80 : i32
          %add3A_209 = arith.addi %multiple_of3A, %add3A_208 : i32
          %get3A_210 = arith.index_cast %add3A_209 : i32 to index
          %get3A_211 = tpu.vector_load %arg4[%get3A_210] {strides = array<i32>} : memref<32768xf32, #tpu.memory_space<vmem>>, vector<16xf32>,
          %min3A_212 = arith.minimumf %min3A_198, %get3A_211 : vector<16xf32>
          %max3A_213 = arith.maximumf %min3A_198, %get3A_211 : vector<16xf32>
          %min3A_214 = arith.minimumf %min3A_200, %max3A_213 : vector<16xf32>
          %max3A_215 = arith.maximumf %min3A_200, %max3A_213 : vector<16xf32>
          %min3A_216 = arith.minimumf %min3A_202, %max3A_215 : vector<16xf32>
          %max3A_217 = arith.maximumf %min3A_202, %max3A_215 : vector<16xf32>
          %min3A_218 = arith.minimumf %min3A_204, %max3A_217 : vector<16xf32>
          %max3A_219 = arith.maximumf %min3A_204, %max3A_217 : vector<16xf32>
          %min3A_220 = arith.minimumf %min3A_206, %max3A_219 : vector<16xf32>
          %max3A_221 = arith.maximumf %min3A_206, %max3A_219 : vector<16xf32>
          %add3A_222 = arith.constant 96 : i32
          %add3A_223 = arith.addi %multiple_of3A, %add3A_222 : i32
          %get3A_224 = arith.index_cast %add3A_223 : i32 to index
          %get3A_225 = tpu.vector_load %arg4[%get3A_224] {strides = array<i32>} : memref<32768xf32, #tpu.memory_space<vmem>>, vector<16xf32>,
          %min3A_226 = arith.minimumf %min3A_212, %get3A_225 : vector<16xf32>
          %max3A_227 = arith.maximumf %min3A_212, %get3A_225 : vector<16xf32>
          %min3A_228 = arith.minimumf %min3A_214, %max3A_227 : vector<16xf32>
          %max3A_229 = arith.maximumf %min3A_214, %max3A_227 : vector<16xf32>
          %min3A_230 = arith.minimumf %min3A_216, %max3A_229 : vector<16xf32>
          %max3A_231 = arith.maximumf %min3A_216, %max3A_229 : vector<16xf32>
          %min3A_232 = arith.minimumf %min3A_218, %max3A_231 : vector<16xf32>
          %max3A_233 = arith.maximumf %min3A_218, %max3A_231 : vector<16xf32>
          %min3A_234 = arith.minimumf %min3A_220, %max3A_233 : vector<16xf32>
          %max3A_235 = arith.maximumf %min3A_220, %max3A_233 : vector<16xf32>
          %add3A_236 = arith.constant 112 : i32
          %add3A_237 = arith.addi %multiple_of3A, %add3A_236 : i32
          %get3A_238 = arith.index_cast %add3A_237 : i32 to index
          %get3A_239 = tpu.vector_load %arg4[%get3A_238] {strides = array<i32>} : memref<32768xf32, #tpu.memory_space<vmem>>, vector<16xf32>,
          %min3A_240 = arith.minimumf %min3A_226, %get3A_239 : vector<16xf32>
          %max3A_241 = arith.maximumf %min3A_226, %get3A_239 : vector<16xf32>
          %min3A_242 = arith.minimumf %min3A_228, %max3A_241 : vector<16xf32>
          %max3A_243 = arith.maximumf %min3A_228, %max3A_241 : vector<16xf32>
          %min3A_244 = arith.minimumf %min3A_230, %max3A_243 : vector<16xf32>
          %max3A_245 = arith.maximumf %min3A_230, %max3A_243 : vector<16xf32>
          %min3A_246 = arith.minimumf %min3A_232, %max3A_245 : vector<16xf32>
          %max3A_247 = arith.maximumf %min3A_232, %max3A_245 : vector<16xf32>
          %min3A_248 = arith.minimumf %min3A_234, %max3A_247 : vector<16xf32>
          %max3A_249 = arith.maximumf %min3A_234, %max3A_247 : vector<16xf32>
          %add3A_250 = arith.constant 128 : i32
          %add3A_251 = arith.addi %multiple_of3A, %add3A_250 : i32
          %get3A_252 = arith.index_cast %add3A_251 : i32 to index
          %get3A_253 = tpu.vector_load %arg4[%get3A_252] {strides = array<i32>} : memref<32768xf32, #tpu.memory_space<vmem>>, vector<16xf32>,
          %min3A_254 = arith.minimumf %min3A_240, %get3A_253 : vector<16xf32>
          %max3A_255 = arith.maximumf %min3A_240, %get3A_253 : vector<16xf32>
          %min3A_256 = arith.minimumf %min3A_242, %max3A_255 : vector<16xf32>
          %max3A_257 = arith.maximumf %min3A_242, %max3A_255 : vector<16xf32>
          %min3A_258 = arith.minimumf %min3A_244, %max3A_257 : vector<16xf32>
          %max3A_259 = arith.maximumf %min3A_244, %max3A_257 : vector<16xf32>
          %min3A_260 = arith.minimumf %min3A_246, %max3A_259 : vector<16xf32>
          %max3A_261 = arith.maximumf %min3A_246, %max3A_259 : vector<16xf32>
          %min3A_262 = arith.minimumf %min3A_248, %max3A_261 : vector<16xf32>
          %max3A_263 = arith.maximumf %min3A_248, %max3A_261 : vector<16xf32>
          %add3A_264 = arith.constant 144 : i32
          %add3A_265 = arith.addi %multiple_of3A, %add3A_264 : i32
          %get3A_266 = arith.index_cast %add3A_265 : i32 to index
          %get3A_267 = tpu.vector_load %arg4[%get3A_266] {strides = array<i32>} : memref<32768xf32, #tpu.memory_space<vmem>>, vector<16xf32>,
          %min3A_268 = arith.minimumf %min3A_254, %get3A_267 : vector<16xf32>
          %max3A_269 = arith.maximumf %min3A_254, %get3A_267 : vector<16xf32>
          %min3A_270 = arith.minimumf %min3A_256, %max3A_269 : vector<16xf32>
          %max3A_271 = arith.maximumf %min3A_256, %max3A_269 : vector<16xf32>
          %min3A_272 = arith.minimumf %min3A_258, %max3A_271 : vector<16xf32>
          %max3A_273 = arith.maximumf %min3A_258, %max3A_271 : vector<16xf32>
          %min3A_274 = arith.minimumf %min3A_260, %max3A_273 : vector<16xf32>
          %max3A_275 = arith.maximumf %min3A_260, %max3A_273 : vector<16xf32>
          %min3A_276 = arith.minimumf %min3A_262, %max3A_275 : vector<16xf32>
          %max3A_277 = arith.maximumf %min3A_262, %max3A_275 : vector<16xf32>
          %add3A_278 = arith.constant 160 : i32
          %add3A_279 = arith.addi %multiple_of3A, %add3A_278 : i32
          %get3A_280 = arith.index_cast %add3A_279 : i32 to index
          %get3A_281 = tpu.vector_load %arg4[%get3A_280] {strides = array<i32>} : memref<32768xf32, #tpu.memory_space<vmem>>, vector<16xf32>,
          %min3A_282 = arith.minimumf %min3A_268, %get3A_281 : vector<16xf32>
          %max3A_283 = arith.maximumf %min3A_268, %get3A_281 : vector<16xf32>
          %min3A_284 = arith.minimumf %min3A_270, %max3A_283 : vector<16xf32>
          %max3A_285 = arith.maximumf %min3A_270, %max3A_283 : vector<16xf32>
          %min3A_286 = arith.minimumf %min3A_272, %max3A_285 : vector<16xf32>
          %max3A_287 = arith.maximumf %min3A_272, %max3A_285 : vector<16xf32>
          %min3A_288 = arith.minimumf %min3A_274, %max3A_287 : vector<16xf32>
          %max3A_289 = arith.maximumf %min3A_274, %max3A_287 : vector<16xf32>
          %min3A_290 = arith.minimumf %min3A_276, %max3A_289 : vector<16xf32>
          %max3A_291 = arith.maximumf %min3A_276, %max3A_289 : vector<16xf32>
          %add3A_292 = arith.constant 176 : i32
          %add3A_293 = arith.addi %multiple_of3A, %add3A_292 : i32
          %get3A_294 = arith.index_cast %add3A_293 : i32 to index
          %get3A_295 = tpu.vector_load %arg4[%get3A_294] {strides = array<i32>} : memref<32768xf32, #tpu.memory_space<vmem>>, vector<16xf32>,
          %min3A_296 = arith.minimumf %min3A_282, %get3A_295 : vector<16xf32>
          %max3A_297 = arith.maximumf %min3A_282, %get3A_295 : vector<16xf32>
          %min3A_298 = arith.minimumf %min3A_284, %max3A_297 : vector<16xf32>
          %max3A_299 = arith.maximumf %min3A_284, %max3A_297 : vector<16xf32>
          %min3A_300 = arith.minimumf %min3A_286, %max3A_299 : vector<16xf32>
          %max3A_301 = arith.maximumf %min3A_286, %max3A_299 : vector<16xf32>
          %min3A_302 = arith.minimumf %min3A_288, %max3A_301 : vector<16xf32>
          %max3A_303 = arith.maximumf %min3A_288, %max3A_301 : vector<16xf32>
          %min3A_304 = arith.minimumf %min3A_290, %max3A_303 : vector<16xf32>
          %max3A_305 = arith.maximumf %min3A_290, %max3A_303 : vector<16xf32>
          %add3A_306 = arith.constant 192 : i32
          %add3A_307 = arith.addi %multiple_of3A, %add3A_306 : i32
          %get3A_308 = arith.index_cast %add3A_307 : i32 to index
          %get3A_309 = tpu.vector_load %arg4[%get3A_308] {strides = array<i32>} : memref<32768xf32, #tpu.memory_space<vmem>>, vector<16xf32>,
          %min3A_310 = arith.minimumf %min3A_296, %get3A_309 : vector<16xf32>
          %max3A_311 = arith.maximumf %min3A_296, %get3A_309 : vector<16xf32>
          %min3A_312 = arith.minimumf %min3A_298, %max3A_311 : vector<16xf32>
          %max3A_313 = arith.maximumf %min3A_298, %max3A_311 : vector<16xf32>
          %min3A_314 = arith.minimumf %min3A_300, %max3A_313 : vector<16xf32>
          %max3A_315 = arith.maximumf %min3A_300, %max3A_313 : vector<16xf32>
          %min3A_316 = arith.minimumf %min3A_302, %max3A_315 : vector<16xf32>
          %max3A_317 = arith.maximumf %min3A_302, %max3A_315 : vector<16xf32>
          %min3A_318 = arith.minimumf %min3A_304, %max3A_317 : vector<16xf32>
          %max3A_319 = arith.maximumf %min3A_304, %max3A_317 : vector<16xf32>
          %add3A_320 = arith.constant 208 : i32
          %add3A_321 = arith.addi %multiple_of3A, %add3A_320 : i32
          %get3A_322 = arith.index_cast %add3A_321 : i32 to index
          %get3A_323 = tpu.vector_load %arg4[%get3A_322] {strides = array<i32>} : memref<32768xf32, #tpu.memory_space<vmem>>, vector<16xf32>,
          %min3A_324 = arith.minimumf %min3A_310, %get3A_323 : vector<16xf32>
          %max3A_325 = arith.maximumf %min3A_310, %get3A_323 : vector<16xf32>
          %min3A_326 = arith.minimumf %min3A_312, %max3A_325 : vector<16xf32>
          %max3A_327 = arith.maximumf %min3A_312, %max3A_325 : vector<16xf32>
          %min3A_328 = arith.minimumf %min3A_314, %max3A_327 : vector<16xf32>
          %max3A_329 = arith.maximumf %min3A_314, %max3A_327 : vector<16xf32>
          %min3A_330 = arith.minimumf %min3A_316, %max3A_329 : vector<16xf32>
          %max3A_331 = arith.maximumf %min3A_316, %max3A_329 : vector<16xf32>
          %min3A_332 = arith.minimumf %min3A_318, %max3A_331 : vector<16xf32>
          %max3A_333 = arith.maximumf %min3A_318, %max3A_331 : vector<16xf32>
          %add3A_334 = arith.constant 224 : i32
          %add3A_335 = arith.addi %multiple_of3A, %add3A_334 : i32
          %get3A_336 = arith.index_cast %add3A_335 : i32 to index
          %get3A_337 = tpu.vector_load %arg4[%get3A_336] {strides = array<i32>} : memref<32768xf32, #tpu.memory_space<vmem>>, vector<16xf32>,
          %min3A_338 = arith.minimumf %min3A_324, %get3A_337 : vector<16xf32>
          %max3A_339 = arith.maximumf %min3A_324, %get3A_337 : vector<16xf32>
          %min3A_340 = arith.minimumf %min3A_326, %max3A_339 : vector<16xf32>
          %max3A_341 = arith.maximumf %min3A_326, %max3A_339 : vector<16xf32>
          %min3A_342 = arith.minimumf %min3A_328, %max3A_341 : vector<16xf32>
          %max3A_343 = arith.maximumf %min3A_328, %max3A_341 : vector<16xf32>
          %min3A_344 = arith.minimumf %min3A_330, %max3A_343 : vector<16xf32>
          %max3A_345 = arith.maximumf %min3A_330, %max3A_343 : vector<16xf32>
          %min3A_346 = arith.minimumf %min3A_332, %max3A_345 : vector<16xf32>
          %max3A_347 = arith.maximumf %min3A_332, %max3A_345 : vector<16xf32>
          %add3A_348 = arith.constant 240 : i32
          %add3A_349 = arith.addi %multiple_of3A, %add3A_348 : i32
          %get3A_350 = arith.index_cast %add3A_349 : i32 to index
          %get3A_351 = tpu.vector_load %arg4[%get3A_350] {strides = array<i32>} : memref<32768xf32, #tpu.memory_space<vmem>>, vector<16xf32>,
          %min3A_352 = arith.minimumf %min3A_338, %get3A_351 : vector<16xf32>
          %max3A_353 = arith.maximumf %min3A_338, %get3A_351 : vector<16xf32>
          %min3A_354 = arith.minimumf %min3A_340, %max3A_353 : vector<16xf32>
          %max3A_355 = arith.maximumf %min3A_340, %max3A_353 : vector<16xf32>
          %min3A_356 = arith.minimumf %min3A_342, %max3A_355 : vector<16xf32>
          %max3A_357 = arith.maximumf %min3A_342, %max3A_355 : vector<16xf32>
          %min3A_358 = arith.minimumf %min3A_344, %max3A_357 : vector<16xf32>
          %max3A_359 = arith.maximumf %min3A_344, %max3A_357 : vector<16xf32>
          %min3A_360 = arith.minimumf %min3A_346, %max3A_359 : vector<16xf32>
          %max3A_361 = arith.maximumf %min3A_346, %max3A_359 : vector<16xf32>
          %add3A_362 = arith.constant 256 : i32
          %add3A_363 = arith.addi %multiple_of3A, %add3A_362 : i32
          %get3A_364 = arith.index_cast %add3A_363 : i32 to index
          %get3A_365 = tpu.vector_load %arg4[%get3A_364] {strides = array<i32>} : memref<32768xf32, #tpu.memory_space<vmem>>, vector<16xf32>,
          %min3A_366 = arith.minimumf %min3A_352, %get3A_365 : vector<16xf32>
          %max3A_367 = arith.maximumf %min3A_352, %get3A_365 : vector<16xf32>
          %min3A_368 = arith.minimumf %min3A_354, %max3A_367 : vector<16xf32>
          %max3A_369 = arith.maximumf %min3A_354, %max3A_367 : vector<16xf32>
          %min3A_370 = arith.minimumf %min3A_356, %max3A_369 : vector<16xf32>
          %max3A_371 = arith.maximumf %min3A_356, %max3A_369 : vector<16xf32>
          %min3A_372 = arith.minimumf %min3A_358, %max3A_371 : vector<16xf32>
          %max3A_373 = arith.maximumf %min3A_358, %max3A_371 : vector<16xf32>
          %min3A_374 = arith.minimumf %min3A_360, %max3A_373 : vector<16xf32>
          %max3A_375 = arith.maximumf %min3A_360, %max3A_373 : vector<16xf32>
          %add3A_376 = arith.constant 272 : i32
          %add3A_377 = arith.addi %multiple_of3A, %add3A_376 : i32
          %get3A_378 = arith.index_cast %add3A_377 : i32 to index
          %get3A_379 = tpu.vector_load %arg4[%get3A_378] {strides = array<i32>} : memref<32768xf32, #tpu.memory_space<vmem>>, vector<16xf32>,
          %min3A_380 = arith.minimumf %min3A_366, %get3A_379 : vector<16xf32>
          %max3A_381 = arith.maximumf %min3A_366, %get3A_379 : vector<16xf32>
          %min3A_382 = arith.minimumf %min3A_368, %max3A_381 : vector<16xf32>
          %max3A_383 = arith.maximumf %min3A_368, %max3A_381 : vector<16xf32>
          %min3A_384 = arith.minimumf %min3A_370, %max3A_383 : vector<16xf32>
          %max3A_385 = arith.maximumf %min3A_370, %max3A_383 : vector<16xf32>
          %min3A_386 = arith.minimumf %min3A_372, %max3A_385 : vector<16xf32>
          %max3A_387 = arith.maximumf %min3A_372, %max3A_385 : vector<16xf32>
          %min3A_388 = arith.minimumf %min3A_374, %max3A_387 : vector<16xf32>
          %max3A_389 = arith.maximumf %min3A_374, %max3A_387 : vector<16xf32>
          %add3A_390 = arith.constant 288 : i32
          %add3A_391 = arith.addi %multiple_of3A, %add3A_390 : i32
          %get3A_392 = arith.index_cast %add3A_391 : i32 to index
          %get3A_393 = tpu.vector_load %arg4[%get3A_392] {strides = array<i32>} : memref<32768xf32, #tpu.memory_space<vmem>>, vector<16xf32>,
          %min3A_394 = arith.minimumf %min3A_380, %get3A_393 : vector<16xf32>
          %max3A_395 = arith.maximumf %min3A_380, %get3A_393 : vector<16xf32>
          %min3A_396 = arith.minimumf %min3A_382, %max3A_395 : vector<16xf32>
          %max3A_397 = arith.maximumf %min3A_382, %max3A_395 : vector<16xf32>
          %min3A_398 = arith.minimumf %min3A_384, %max3A_397 : vector<16xf32>
          %max3A_399 = arith.maximumf %min3A_384, %max3A_397 : vector<16xf32>
          %min3A_400 = arith.minimumf %min3A_386, %max3A_399 : vector<16xf32>
          %max3A_401 = arith.maximumf %min3A_386, %max3A_399 : vector<16xf32>
          %min3A_402 = arith.minimumf %min3A_388, %max3A_401 : vector<16xf32>
          %max3A_403 = arith.maximumf %min3A_388, %max3A_401 : vector<16xf32>
          %add3A_404 = arith.constant 304 : i32
          %add3A_405 = arith.addi %multiple_of3A, %add3A_404 : i32
          %get3A_406 = arith.index_cast %add3A_405 : i32 to index
          %get3A_407 = tpu.vector_load %arg4[%get3A_406] {strides = array<i32>} : memref<32768xf32, #tpu.memory_space<vmem>>, vector<16xf32>,
          %min3A_408 = arith.minimumf %min3A_394, %get3A_407 : vector<16xf32>
          %max3A_409 = arith.maximumf %min3A_394, %get3A_407 : vector<16xf32>
          %min3A_410 = arith.minimumf %min3A_396, %max3A_409 : vector<16xf32>
          %max3A_411 = arith.maximumf %min3A_396, %max3A_409 : vector<16xf32>
          %min3A_412 = arith.minimumf %min3A_398, %max3A_411 : vector<16xf32>
          %max3A_413 = arith.maximumf %min3A_398, %max3A_411 : vector<16xf32>
          %min3A_414 = arith.minimumf %min3A_400, %max3A_413 : vector<16xf32>
          %max3A_415 = arith.maximumf %min3A_400, %max3A_413 : vector<16xf32>
          %min3A_416 = arith.minimumf %min3A_402, %max3A_415 : vector<16xf32>
          %max3A_417 = arith.maximumf %min3A_402, %max3A_415 : vector<16xf32>
          %add3A_418 = arith.constant 320 : i32
          %add3A_419 = arith.addi %multiple_of3A, %add3A_418 : i32
          %get3A_420 = arith.index_cast %add3A_419 : i32 to index
          %get3A_421 = tpu.vector_load %arg4[%get3A_420] {strides = array<i32>} : memref<32768xf32, #tpu.memory_space<vmem>>, vector<16xf32>,
          %min3A_422 = arith.minimumf %min3A_408, %get3A_421 : vector<16xf32>
          %max3A_423 = arith.maximumf %min3A_408, %get3A_421 : vector<16xf32>
          %min3A_424 = arith.minimumf %min3A_410, %max3A_423 : vector<16xf32>
          %max3A_425 = arith.maximumf %min3A_410, %max3A_423 : vector<16xf32>
          %min3A_426 = arith.minimumf %min3A_412, %max3A_425 : vector<16xf32>
          %max3A_427 = arith.maximumf %min3A_412, %max3A_425 : vector<16xf32>
          %min3A_428 = arith.minimumf %min3A_414, %max3A_427 : vector<16xf32>
          %max3A_429 = arith.maximumf %min3A_414, %max3A_427 : vector<16xf32>
          %min3A_430 = arith.minimumf %min3A_416, %max3A_429 : vector<16xf32>
          %max3A_431 = arith.maximumf %min3A_416, %max3A_429 : vector<16xf32>
          %add3A_432 = arith.constant 336 : i32
          %add3A_433 = arith.addi %multiple_of3A, %add3A_432 : i32
          %get3A_434 = arith.index_cast %add3A_433 : i32 to index
          %get3A_435 = tpu.vector_load %arg4[%get3A_434] {strides = array<i32>} : memref<32768xf32, #tpu.memory_space<vmem>>, vector<16xf32>,
          %min3A_436 = arith.minimumf %min3A_422, %get3A_435 : vector<16xf32>
          %max3A_437 = arith.maximumf %min3A_422, %get3A_435 : vector<16xf32>
          %min3A_438 = arith.minimumf %min3A_424, %max3A_437 : vector<16xf32>
          %max3A_439 = arith.maximumf %min3A_424, %max3A_437 : vector<16xf32>
          %min3A_440 = arith.minimumf %min3A_426, %max3A_439 : vector<16xf32>
          %max3A_441 = arith.maximumf %min3A_426, %max3A_439 : vector<16xf32>
          %min3A_442 = arith.minimumf %min3A_428, %max3A_441 : vector<16xf32>
          %max3A_443 = arith.maximumf %min3A_428, %max3A_441 : vector<16xf32>
          %min3A_444 = arith.minimumf %min3A_430, %max3A_443 : vector<16xf32>
          %max3A_445 = arith.maximumf %min3A_430, %max3A_443 : vector<16xf32>
          %add3A_446 = arith.constant 352 : i32
          %add3A_447 = arith.addi %multiple_of3A, %add3A_446 : i32
          %get3A_448 = arith.index_cast %add3A_447 : i32 to index
          %get3A_449 = tpu.vector_load %arg4[%get3A_448] {strides = array<i32>} : memref<32768xf32, #tpu.memory_space<vmem>>, vector<16xf32>,
          %min3A_450 = arith.minimumf %min3A_436, %get3A_449 : vector<16xf32>
          %max3A_451 = arith.maximumf %min3A_436, %get3A_449 : vector<16xf32>
          %min3A_452 = arith.minimumf %min3A_438, %max3A_451 : vector<16xf32>
          %max3A_453 = arith.maximumf %min3A_438, %max3A_451 : vector<16xf32>
          %min3A_454 = arith.minimumf %min3A_440, %max3A_453 : vector<16xf32>
          %max3A_455 = arith.maximumf %min3A_440, %max3A_453 : vector<16xf32>
          %min3A_456 = arith.minimumf %min3A_442, %max3A_455 : vector<16xf32>
          %max3A_457 = arith.maximumf %min3A_442, %max3A_455 : vector<16xf32>
          %min3A_458 = arith.minimumf %min3A_444, %max3A_457 : vector<16xf32>
          %max3A_459 = arith.maximumf %min3A_444, %max3A_457 : vector<16xf32>
          %add3A_460 = arith.constant 368 : i32
          %add3A_461 = arith.addi %multiple_of3A, %add3A_460 : i32
          %get3A_462 = arith.index_cast %add3A_461 : i32 to index
          %get3A_463 = tpu.vector_load %arg4[%get3A_462] {strides = array<i32>} : memref<32768xf32, #tpu.memory_space<vmem>>, vector<16xf32>,
          %min3A_464 = arith.minimumf %min3A_450, %get3A_463 : vector<16xf32>
          %max3A_465 = arith.maximumf %min3A_450, %get3A_463 : vector<16xf32>
          %min3A_466 = arith.minimumf %min3A_452, %max3A_465 : vector<16xf32>
          %max3A_467 = arith.maximumf %min3A_452, %max3A_465 : vector<16xf32>
          %min3A_468 = arith.minimumf %min3A_454, %max3A_467 : vector<16xf32>
          %max3A_469 = arith.maximumf %min3A_454, %max3A_467 : vector<16xf32>
          %min3A_470 = arith.minimumf %min3A_456, %max3A_469 : vector<16xf32>
          %max3A_471 = arith.maximumf %min3A_456, %max3A_469 : vector<16xf32>
          %min3A_472 = arith.minimumf %min3A_458, %max3A_471 : vector<16xf32>
          %max3A_473 = arith.maximumf %min3A_458, %max3A_471 : vector<16xf32>
          %add3A_474 = arith.constant 384 : i32
          %add3A_475 = arith.addi %multiple_of3A, %add3A_474 : i32
          %get3A_476 = arith.index_cast %add3A_475 : i32 to index
          %get3A_477 = tpu.vector_load %arg4[%get3A_476] {strides = array<i32>} : memref<32768xf32, #tpu.memory_space<vmem>>, vector<16xf32>,
          %min3A_478 = arith.minimumf %min3A_464, %get3A_477 : vector<16xf32>
          %max3A_479 = arith.maximumf %min3A_464, %get3A_477 : vector<16xf32>
          %min3A_480 = arith.minimumf %min3A_466, %max3A_479 : vector<16xf32>
          %max3A_481 = arith.maximumf %min3A_466, %max3A_479 : vector<16xf32>
          %min3A_482 = arith.minimumf %min3A_468, %max3A_481 : vector<16xf32>
          %max3A_483 = arith.maximumf %min3A_468, %max3A_481 : vector<16xf32>
          %min3A_484 = arith.minimumf %min3A_470, %max3A_483 : vector<16xf32>
          %max3A_485 = arith.maximumf %min3A_470, %max3A_483 : vector<16xf32>
          %min3A_486 = arith.minimumf %min3A_472, %max3A_485 : vector<16xf32>
          %max3A_487 = arith.maximumf %min3A_472, %max3A_485 : vector<16xf32>
          %add3A_488 = arith.constant 400 : i32
          %add3A_489 = arith.addi %multiple_of3A, %add3A_488 : i32
          %get3A_490 = arith.index_cast %add3A_489 : i32 to index
          %get3A_491 = tpu.vector_load %arg4[%get3A_490] {strides = array<i32>} : memref<32768xf32, #tpu.memory_space<vmem>>, vector<16xf32>,
          %min3A_492 = arith.minimumf %min3A_478, %get3A_491 : vector<16xf32>
          %max3A_493 = arith.maximumf %min3A_478, %get3A_491 : vector<16xf32>
          %min3A_494 = arith.minimumf %min3A_480, %max3A_493 : vector<16xf32>
          %max3A_495 = arith.maximumf %min3A_480, %max3A_493 : vector<16xf32>
          %min3A_496 = arith.minimumf %min3A_482, %max3A_495 : vector<16xf32>
          %max3A_497 = arith.maximumf %min3A_482, %max3A_495 : vector<16xf32>
          %min3A_498 = arith.minimumf %min3A_484, %max3A_497 : vector<16xf32>
          %max3A_499 = arith.maximumf %min3A_484, %max3A_497 : vector<16xf32>
          %min3A_500 = arith.minimumf %min3A_486, %max3A_499 : vector<16xf32>
          %max3A_501 = arith.maximumf %min3A_486, %max3A_499 : vector<16xf32>
          %add3A_502 = arith.constant 416 : i32
          %add3A_503 = arith.addi %multiple_of3A, %add3A_502 : i32
          %get3A_504 = arith.index_cast %add3A_503 : i32 to index
          %get3A_505 = tpu.vector_load %arg4[%get3A_504] {strides = array<i32>} : memref<32768xf32, #tpu.memory_space<vmem>>, vector<16xf32>,
          %min3A_506 = arith.minimumf %min3A_492, %get3A_505 : vector<16xf32>
          %max3A_507 = arith.maximumf %min3A_492, %get3A_505 : vector<16xf32>
          %min3A_508 = arith.minimumf %min3A_494, %max3A_507 : vector<16xf32>
          %max3A_509 = arith.maximumf %min3A_494, %max3A_507 : vector<16xf32>
          %min3A_510 = arith.minimumf %min3A_496, %max3A_509 : vector<16xf32>
          %max3A_511 = arith.maximumf %min3A_496, %max3A_509 : vector<16xf32>
          %min3A_512 = arith.minimumf %min3A_498, %max3A_511 : vector<16xf32>
          %max3A_513 = arith.maximumf %min3A_498, %max3A_511 : vector<16xf32>
          %min3A_514 = arith.minimumf %min3A_500, %max3A_513 : vector<16xf32>
          %max3A_515 = arith.maximumf %min3A_500, %max3A_513 : vector<16xf32>
          %add3A_516 = arith.constant 432 : i32
          %add3A_517 = arith.addi %multiple_of3A, %add3A_516 : i32
          %get3A_518 = arith.index_cast %add3A_517 : i32 to index
          %get3A_519 = tpu.vector_load %arg4[%get3A_518] {strides = array<i32>} : memref<32768xf32, #tpu.memory_space<vmem>>, vector<16xf32>,
          %min3A_520 = arith.minimumf %min3A_506, %get3A_519 : vector<16xf32>
          %max3A_521 = arith.maximumf %min3A_506, %get3A_519 : vector<16xf32>
          %min3A_522 = arith.minimumf %min3A_508, %max3A_521 : vector<16xf32>
          %max3A_523 = arith.maximumf %min3A_508, %max3A_521 : vector<16xf32>
          %min3A_524 = arith.minimumf %min3A_510, %max3A_523 : vector<16xf32>
          %max3A_525 = arith.maximumf %min3A_510, %max3A_523 : vector<16xf32>
          %min3A_526 = arith.minimumf %min3A_512, %max3A_525 : vector<16xf32>
          %max3A_527 = arith.maximumf %min3A_512, %max3A_525 : vector<16xf32>
          %min3A_528 = arith.minimumf %min3A_514, %max3A_527 : vector<16xf32>
          %max3A_529 = arith.maximumf %min3A_514, %max3A_527 : vector<16xf32>
          %add3A_530 = arith.constant 448 : i32
          %add3A_531 = arith.addi %multiple_of3A, %add3A_530 : i32
          %get3A_532 = arith.index_cast %add3A_531 : i32 to index
          %get3A_533 = tpu.vector_load %arg4[%get3A_532] {strides = array<i32>} : memref<32768xf32, #tpu.memory_space<vmem>>, vector<16xf32>,
          %min3A_534 = arith.minimumf %min3A_520, %get3A_533 : vector<16xf32>
          %max3A_535 = arith.maximumf %min3A_520, %get3A_533 : vector<16xf32>
          %min3A_536 = arith.minimumf %min3A_522, %max3A_535 : vector<16xf32>
          %max3A_537 = arith.maximumf %min3A_522, %max3A_535 : vector<16xf32>
          %min3A_538 = arith.minimumf %min3A_524, %max3A_537 : vector<16xf32>
          %max3A_539 = arith.maximumf %min3A_524, %max3A_537 : vector<16xf32>
          %min3A_540 = arith.minimumf %min3A_526, %max3A_539 : vector<16xf32>
          %max3A_541 = arith.maximumf %min3A_526, %max3A_539 : vector<16xf32>
          %min3A_542 = arith.minimumf %min3A_528, %max3A_541 : vector<16xf32>
          %max3A_543 = arith.maximumf %min3A_528, %max3A_541 : vector<16xf32>
          %add3A_544 = arith.constant 464 : i32
          %add3A_545 = arith.addi %multiple_of3A, %add3A_544 : i32
          %get3A_546 = arith.index_cast %add3A_545 : i32 to index
          %get3A_547 = tpu.vector_load %arg4[%get3A_546] {strides = array<i32>} : memref<32768xf32, #tpu.memory_space<vmem>>, vector<16xf32>,
          %min3A_548 = arith.minimumf %min3A_534, %get3A_547 : vector<16xf32>
          %max3A_549 = arith.maximumf %min3A_534, %get3A_547 : vector<16xf32>
          %min3A_550 = arith.minimumf %min3A_536, %max3A_549 : vector<16xf32>
          %max3A_551 = arith.maximumf %min3A_536, %max3A_549 : vector<16xf32>
          %min3A_552 = arith.minimumf %min3A_538, %max3A_551 : vector<16xf32>
          %max3A_553 = arith.maximumf %min3A_538, %max3A_551 : vector<16xf32>
          %min3A_554 = arith.minimumf %min3A_540, %max3A_553 : vector<16xf32>
          %max3A_555 = arith.maximumf %min3A_540, %max3A_553 : vector<16xf32>
          %min3A_556 = arith.minimumf %min3A_542, %max3A_555 : vector<16xf32>
          %max3A_557 = arith.maximumf %min3A_542, %max3A_555 : vector<16xf32>
          %add3A_558 = arith.constant 480 : i32
          %add3A_559 = arith.addi %multiple_of3A, %add3A_558 : i32
          %get3A_560 = arith.index_cast %add3A_559 : i32 to index
          %get3A_561 = tpu.vector_load %arg4[%get3A_560] {strides = array<i32>} : memref<32768xf32, #tpu.memory_space<vmem>>, vector<16xf32>,
          %min3A_562 = arith.minimumf %min3A_548, %get3A_561 : vector<16xf32>
          %max3A_563 = arith.maximumf %min3A_548, %get3A_561 : vector<16xf32>
          %min3A_564 = arith.minimumf %min3A_550, %max3A_563 : vector<16xf32>
          %max3A_565 = arith.maximumf %min3A_550, %max3A_563 : vector<16xf32>
          %min3A_566 = arith.minimumf %min3A_552, %max3A_565 : vector<16xf32>
          %max3A_567 = arith.maximumf %min3A_552, %max3A_565 : vector<16xf32>
          %min3A_568 = arith.minimumf %min3A_554, %max3A_567 : vector<16xf32>
          %max3A_569 = arith.maximumf %min3A_554, %max3A_567 : vector<16xf32>
          %min3A_570 = arith.minimumf %min3A_556, %max3A_569 : vector<16xf32>
          %max3A_571 = arith.maximumf %min3A_556, %max3A_569 : vector<16xf32>
          %add3A_572 = arith.constant 496 : i32
          %add3A_573 = arith.addi %multiple_of3A, %add3A_572 : i32
          %get3A_574 = arith.index_cast %add3A_573 : i32 to index
          %get3A_575 = tpu.vector_load %arg4[%get3A_574] {strides = array<i32>} : memref<32768xf32, #tpu.memory_space<vmem>>, vector<16xf32>,
          %min3A_576 = arith.minimumf %min3A_562, %get3A_575 : vector<16xf32>
          %max3A_577 = arith.maximumf %min3A_562, %get3A_575 : vector<16xf32>
          %min3A_578 = arith.minimumf %min3A_564, %max3A_577 : vector<16xf32>
          %max3A_579 = arith.maximumf %min3A_564, %max3A_577 : vector<16xf32>
          %min3A_580 = arith.minimumf %min3A_566, %max3A_579 : vector<16xf32>
          %max3A_581 = arith.maximumf %min3A_566, %max3A_579 : vector<16xf32>
          %min3A_582 = arith.minimumf %min3A_568, %max3A_581 : vector<16xf32>
          %max3A_583 = arith.maximumf %min3A_568, %max3A_581 : vector<16xf32>
          %min3A_584 = arith.minimumf %min3A_570, %max3A_583 : vector<16xf32>
          %max3A_585 = arith.maximumf %min3A_570, %max3A_583 : vector<16xf32>
          %add3A_586 = arith.constant 512 : i32
          %add3A_587 = arith.addi %multiple_of3A, %add3A_586 : i32
          %get3A_588 = arith.index_cast %add3A_587 : i32 to index
          %get3A_589 = tpu.vector_load %arg4[%get3A_588] {strides = array<i32>} : memref<32768xf32, #tpu.memory_space<vmem>>, vector<16xf32>,
          %min3A_590 = arith.minimumf %min3A_576, %get3A_589 : vector<16xf32>
          %max3A_591 = arith.maximumf %min3A_576, %get3A_589 : vector<16xf32>
          %min3A_592 = arith.minimumf %min3A_578, %max3A_591 : vector<16xf32>
          %max3A_593 = arith.maximumf %min3A_578, %max3A_591 : vector<16xf32>
          %min3A_594 = arith.minimumf %min3A_580, %max3A_593 : vector<16xf32>
          %max3A_595 = arith.maximumf %min3A_580, %max3A_593 : vector<16xf32>
          %min3A_596 = arith.minimumf %min3A_582, %max3A_595 : vector<16xf32>
          %max3A_597 = arith.maximumf %min3A_582, %max3A_595 : vector<16xf32>
          %min3A_598 = arith.minimumf %min3A_584, %max3A_597 : vector<16xf32>
          %max3A_599 = arith.maximumf %min3A_584, %max3A_597 : vector<16xf32>
          %add3A_600 = arith.constant 528 : i32
          %add3A_601 = arith.addi %multiple_of3A, %add3A_600 : i32
          %get3A_602 = arith.index_cast %add3A_601 : i32 to index
          %get3A_603 = tpu.vector_load %arg4[%get3A_602] {strides = array<i32>} : memref<32768xf32, #tpu.memory_space<vmem>>, vector<16xf32>,
          %min3A_604 = arith.minimumf %min3A_590, %get3A_603 : vector<16xf32>
          %max3A_605 = arith.maximumf %min3A_590, %get3A_603 : vector<16xf32>
          %min3A_606 = arith.minimumf %min3A_592, %max3A_605 : vector<16xf32>
          %max3A_607 = arith.maximumf %min3A_592, %max3A_605 : vector<16xf32>
          %min3A_608 = arith.minimumf %min3A_594, %max3A_607 : vector<16xf32>
          %max3A_609 = arith.maximumf %min3A_594, %max3A_607 : vector<16xf32>
          %min3A_610 = arith.minimumf %min3A_596, %max3A_609 : vector<16xf32>
          %max3A_611 = arith.maximumf %min3A_596, %max3A_609 : vector<16xf32>
          %min3A_612 = arith.minimumf %min3A_598, %max3A_611 : vector<16xf32>
          %max3A_613 = arith.maximumf %min3A_598, %max3A_611 : vector<16xf32>
          %add3A_614 = arith.constant 544 : i32
          %add3A_615 = arith.addi %multiple_of3A, %add3A_614 : i32
          %get3A_616 = arith.index_cast %add3A_615 : i32 to index
          %get3A_617 = tpu.vector_load %arg4[%get3A_616] {strides = array<i32>} : memref<32768xf32, #tpu.memory_space<vmem>>, vector<16xf32>,
          %min3A_618 = arith.minimumf %min3A_604, %get3A_617 : vector<16xf32>
          %max3A_619 = arith.maximumf %min3A_604, %get3A_617 : vector<16xf32>
          %min3A_620 = arith.minimumf %min3A_606, %max3A_619 : vector<16xf32>
          %max3A_621 = arith.maximumf %min3A_606, %max3A_619 : vector<16xf32>
          %min3A_622 = arith.minimumf %min3A_608, %max3A_621 : vector<16xf32>
          %max3A_623 = arith.maximumf %min3A_608, %max3A_621 : vector<16xf32>
          %min3A_624 = arith.minimumf %min3A_610, %max3A_623 : vector<16xf32>
          %max3A_625 = arith.maximumf %min3A_610, %max3A_623 : vector<16xf32>
          %min3A_626 = arith.minimumf %min3A_612, %max3A_625 : vector<16xf32>
          %max3A_627 = arith.maximumf %min3A_612, %max3A_625 : vector<16xf32>
          %add3A_628 = arith.constant 560 : i32
          %add3A_629 = arith.addi %multiple_of3A, %add3A_628 : i32
          %get3A_630 = arith.index_cast %add3A_629 : i32 to index
          %get3A_631 = tpu.vector_load %arg4[%get3A_630] {strides = array<i32>} : memref<32768xf32, #tpu.memory_space<vmem>>, vector<16xf32>,
          %min3A_632 = arith.minimumf %min3A_618, %get3A_631 : vector<16xf32>
          %max3A_633 = arith.maximumf %min3A_618, %get3A_631 : vector<16xf32>
          %min3A_634 = arith.minimumf %min3A_620, %max3A_633 : vector<16xf32>
          %max3A_635 = arith.maximumf %min3A_620, %max3A_633 : vector<16xf32>
          %min3A_636 = arith.minimumf %min3A_622, %max3A_635 : vector<16xf32>
          %max3A_637 = arith.maximumf %min3A_622, %max3A_635 : vector<16xf32>
          %min3A_638 = arith.minimumf %min3A_624, %max3A_637 : vector<16xf32>
          %max3A_639 = arith.maximumf %min3A_624, %max3A_637 : vector<16xf32>
          %min3A_640 = arith.minimumf %min3A_626, %max3A_639 : vector<16xf32>
          %max3A_641 = arith.maximumf %min3A_626, %max3A_639 : vector<16xf32>
          %add3A_642 = arith.constant 576 : i32
          %add3A_643 = arith.addi %multiple_of3A, %add3A_642 : i32
          %get3A_644 = arith.index_cast %add3A_643 : i32 to index
          %get3A_645 = tpu.vector_load %arg4[%get3A_644] {strides = array<i32>} : memref<32768xf32, #tpu.memory_space<vmem>>, vector<16xf32>,
          %min3A_646 = arith.minimumf %min3A_632, %get3A_645 : vector<16xf32>
          %max3A_647 = arith.maximumf %min3A_632, %get3A_645 : vector<16xf32>
          %min3A_648 = arith.minimumf %min3A_634, %max3A_647 : vector<16xf32>
          %max3A_649 = arith.maximumf %min3A_634, %max3A_647 : vector<16xf32>
          %min3A_650 = arith.minimumf %min3A_636, %max3A_649 : vector<16xf32>
          %max3A_651 = arith.maximumf %min3A_636, %max3A_649 : vector<16xf32>
          %min3A_652 = arith.minimumf %min3A_638, %max3A_651 : vector<16xf32>
          %max3A_653 = arith.maximumf %min3A_638, %max3A_651 : vector<16xf32>
          %min3A_654 = arith.minimumf %min3A_640, %max3A_653 : vector<16xf32>
          %max3A_655 = arith.maximumf %min3A_640, %max3A_653 : vector<16xf32>
          %add3A_656 = arith.constant 592 : i32
          %add3A_657 = arith.addi %multiple_of3A, %add3A_656 : i32
          %get3A_658 = arith.index_cast %add3A_657 : i32 to index
          %get3A_659 = tpu.vector_load %arg4[%get3A_658] {strides = array<i32>} : memref<32768xf32, #tpu.memory_space<vmem>>, vector<16xf32>,
          %min3A_660 = arith.minimumf %min3A_646, %get3A_659 : vector<16xf32>
          %max3A_661 = arith.maximumf %min3A_646, %get3A_659 : vector<16xf32>
          %min3A_662 = arith.minimumf %min3A_648, %max3A_661 : vector<16xf32>
          %max3A_663 = arith.maximumf %min3A_648, %max3A_661 : vector<16xf32>
          %min3A_664 = arith.minimumf %min3A_650, %max3A_663 : vector<16xf32>
          %max3A_665 = arith.maximumf %min3A_650, %max3A_663 : vector<16xf32>
          %min3A_666 = arith.minimumf %min3A_652, %max3A_665 : vector<16xf32>
          %max3A_667 = arith.maximumf %min3A_652, %max3A_665 : vector<16xf32>
          %min3A_668 = arith.minimumf %min3A_654, %max3A_667 : vector<16xf32>
          %max3A_669 = arith.maximumf %min3A_654, %max3A_667 : vector<16xf32>
          %add3A_670 = arith.constant 608 : i32
          %add3A_671 = arith.addi %multiple_of3A, %add3A_670 : i32
          %get3A_672 = arith.index_cast %add3A_671 : i32 to index
          %get3A_673 = tpu.vector_load %arg4[%get3A_672] {strides = array<i32>} : memref<32768xf32, #tpu.memory_space<vmem>>, vector<16xf32>,
          %min3A_674 = arith.minimumf %min3A_660, %get3A_673 : vector<16xf32>
          %max3A_675 = arith.maximumf %min3A_660, %get3A_673 : vector<16xf32>
          %min3A_676 = arith.minimumf %min3A_662, %max3A_675 : vector<16xf32>
          %max3A_677 = arith.maximumf %min3A_662, %max3A_675 : vector<16xf32>
          %min3A_678 = arith.minimumf %min3A_664, %max3A_677 : vector<16xf32>
          %max3A_679 = arith.maximumf %min3A_664, %max3A_677 : vector<16xf32>
          %min3A_680 = arith.minimumf %min3A_666, %max3A_679 : vector<16xf32>
          %max3A_681 = arith.maximumf %min3A_666, %max3A_679 : vector<16xf32>
          %min3A_682 = arith.minimumf %min3A_668, %max3A_681 : vector<16xf32>
          %max3A_683 = arith.maximumf %min3A_668, %max3A_681 : vector<16xf32>
          %add3A_684 = arith.constant 624 : i32
          %add3A_685 = arith.addi %multiple_of3A, %add3A_684 : i32
          %get3A_686 = arith.index_cast %add3A_685 : i32 to index
          %get3A_687 = tpu.vector_load %arg4[%get3A_686] {strides = array<i32>} : memref<32768xf32, #tpu.memory_space<vmem>>, vector<16xf32>,
          %min3A_688 = arith.minimumf %min3A_674, %get3A_687 : vector<16xf32>
          %max3A_689 = arith.maximumf %min3A_674, %get3A_687 : vector<16xf32>
          %min3A_690 = arith.minimumf %min3A_676, %max3A_689 : vector<16xf32>
          %max3A_691 = arith.maximumf %min3A_676, %max3A_689 : vector<16xf32>
          %min3A_692 = arith.minimumf %min3A_678, %max3A_691 : vector<16xf32>
          %max3A_693 = arith.maximumf %min3A_678, %max3A_691 : vector<16xf32>
          %min3A_694 = arith.minimumf %min3A_680, %max3A_693 : vector<16xf32>
          %max3A_695 = arith.maximumf %min3A_680, %max3A_693 : vector<16xf32>
          %min3A_696 = arith.minimumf %min3A_682, %max3A_695 : vector<16xf32>
          %max3A_697 = arith.maximumf %min3A_682, %max3A_695 : vector<16xf32>
          %add3A_698 = arith.constant 640 : i32
          %add3A_699 = arith.addi %multiple_of3A, %add3A_698 : i32
          %get3A_700 = arith.index_cast %add3A_699 : i32 to index
          %get3A_701 = tpu.vector_load %arg4[%get3A_700] {strides = array<i32>} : memref<32768xf32, #tpu.memory_space<vmem>>, vector<16xf32>,
          %min3A_702 = arith.minimumf %min3A_688, %get3A_701 : vector<16xf32>
          %max3A_703 = arith.maximumf %min3A_688, %get3A_701 : vector<16xf32>
          %min3A_704 = arith.minimumf %min3A_690, %max3A_703 : vector<16xf32>
          %max3A_705 = arith.maximumf %min3A_690, %max3A_703 : vector<16xf32>
          %min3A_706 = arith.minimumf %min3A_692, %max3A_705 : vector<16xf32>
          %max3A_707 = arith.maximumf %min3A_692, %max3A_705 : vector<16xf32>
          %min3A_708 = arith.minimumf %min3A_694, %max3A_707 : vector<16xf32>
          %max3A_709 = arith.maximumf %min3A_694, %max3A_707 : vector<16xf32>
          %min3A_710 = arith.minimumf %min3A_696, %max3A_709 : vector<16xf32>
          %max3A_711 = arith.maximumf %min3A_696, %max3A_709 : vector<16xf32>
          %add3A_712 = arith.constant 656 : i32
          %add3A_713 = arith.addi %multiple_of3A, %add3A_712 : i32
          %get3A_714 = arith.index_cast %add3A_713 : i32 to index
          %get3A_715 = tpu.vector_load %arg4[%get3A_714] {strides = array<i32>} : memref<32768xf32, #tpu.memory_space<vmem>>, vector<16xf32>,
          %min3A_716 = arith.minimumf %min3A_702, %get3A_715 : vector<16xf32>
          %max3A_717 = arith.maximumf %min3A_702, %get3A_715 : vector<16xf32>
          %min3A_718 = arith.minimumf %min3A_704, %max3A_717 : vector<16xf32>
          %max3A_719 = arith.maximumf %min3A_704, %max3A_717 : vector<16xf32>
          %min3A_720 = arith.minimumf %min3A_706, %max3A_719 : vector<16xf32>
          %max3A_721 = arith.maximumf %min3A_706, %max3A_719 : vector<16xf32>
          %min3A_722 = arith.minimumf %min3A_708, %max3A_721 : vector<16xf32>
          %max3A_723 = arith.maximumf %min3A_708, %max3A_721 : vector<16xf32>
          %min3A_724 = arith.minimumf %min3A_710, %max3A_723 : vector<16xf32>
          %max3A_725 = arith.maximumf %min3A_710, %max3A_723 : vector<16xf32>
          %add3A_726 = arith.constant 672 : i32
          %add3A_727 = arith.addi %multiple_of3A, %add3A_726 : i32
          %get3A_728 = arith.index_cast %add3A_727 : i32 to index
          %get3A_729 = tpu.vector_load %arg4[%get3A_728] {strides = array<i32>} : memref<32768xf32, #tpu.memory_space<vmem>>, vector<16xf32>,
          %min3A_730 = arith.minimumf %min3A_716, %get3A_729 : vector<16xf32>
          %max3A_731 = arith.maximumf %min3A_716, %get3A_729 : vector<16xf32>
          %min3A_732 = arith.minimumf %min3A_718, %max3A_731 : vector<16xf32>
          %max3A_733 = arith.maximumf %min3A_718, %max3A_731 : vector<16xf32>
          %min3A_734 = arith.minimumf %min3A_720, %max3A_733 : vector<16xf32>
          %max3A_735 = arith.maximumf %min3A_720, %max3A_733 : vector<16xf32>
          %min3A_736 = arith.minimumf %min3A_722, %max3A_735 : vector<16xf32>
          %max3A_737 = arith.maximumf %min3A_722, %max3A_735 : vector<16xf32>
          %min3A_738 = arith.minimumf %min3A_724, %max3A_737 : vector<16xf32>
          %max3A_739 = arith.maximumf %min3A_724, %max3A_737 : vector<16xf32>
          %add3A_740 = arith.constant 688 : i32
          %add3A_741 = arith.addi %multiple_of3A, %add3A_740 : i32
          %get3A_742 = arith.index_cast %add3A_741 : i32 to index
          %get3A_743 = tpu.vector_load %arg4[%get3A_742] {strides = array<i32>} : memref<32768xf32, #tpu.memory_space<vmem>>, vector<16xf32>,
          %min3A_744 = arith.minimumf %min3A_730, %get3A_743 : vector<16xf32>
          %max3A_745 = arith.maximumf %min3A_730, %get3A_743 : vector<16xf32>
          %min3A_746 = arith.minimumf %min3A_732, %max3A_745 : vector<16xf32>
          %max3A_747 = arith.maximumf %min3A_732, %max3A_745 : vector<16xf32>
          %min3A_748 = arith.minimumf %min3A_734, %max3A_747 : vector<16xf32>
          %max3A_749 = arith.maximumf %min3A_734, %max3A_747 : vector<16xf32>
          %min3A_750 = arith.minimumf %min3A_736, %max3A_749 : vector<16xf32>
          %max3A_751 = arith.maximumf %min3A_736, %max3A_749 : vector<16xf32>
          %min3A_752 = arith.minimumf %min3A_738, %max3A_751 : vector<16xf32>
          %max3A_753 = arith.maximumf %min3A_738, %max3A_751 : vector<16xf32>
          %add3A_754 = arith.constant 704 : i32
          %add3A_755 = arith.addi %multiple_of3A, %add3A_754 : i32
          %get3A_756 = arith.index_cast %add3A_755 : i32 to index
          %get3A_757 = tpu.vector_load %arg4[%get3A_756] {strides = array<i32>} : memref<32768xf32, #tpu.memory_space<vmem>>, vector<16xf32>,
          %min3A_758 = arith.minimumf %min3A_744, %get3A_757 : vector<16xf32>
          %max3A_759 = arith.maximumf %min3A_744, %get3A_757 : vector<16xf32>
          %min3A_760 = arith.minimumf %min3A_746, %max3A_759 : vector<16xf32>
          %max3A_761 = arith.maximumf %min3A_746, %max3A_759 : vector<16xf32>
          %min3A_762 = arith.minimumf %min3A_748, %max3A_761 : vector<16xf32>
          %max3A_763 = arith.maximumf %min3A_748, %max3A_761 : vector<16xf32>
          %min3A_764 = arith.minimumf %min3A_750, %max3A_763 : vector<16xf32>
          %max3A_765 = arith.maximumf %min3A_750, %max3A_763 : vector<16xf32>
          %min3A_766 = arith.minimumf %min3A_752, %max3A_765 : vector<16xf32>
          %max3A_767 = arith.maximumf %min3A_752, %max3A_765 : vector<16xf32>
          %add3A_768 = arith.constant 720 : i32
          %add3A_769 = arith.addi %multiple_of3A, %add3A_768 : i32
          %get3A_770 = arith.index_cast %add3A_769 : i32 to index
          %get3A_771 = tpu.vector_load %arg4[%get3A_770] {strides = array<i32>} : memref<32768xf32, #tpu.memory_space<vmem>>, vector<16xf32>,
          %min3A_772 = arith.minimumf %min3A_758, %get3A_771 : vector<16xf32>
          %max3A_773 = arith.maximumf %min3A_758, %get3A_771 : vector<16xf32>
          %min3A_774 = arith.minimumf %min3A_760, %max3A_773 : vector<16xf32>
          %max3A_775 = arith.maximumf %min3A_760, %max3A_773 : vector<16xf32>
          %min3A_776 = arith.minimumf %min3A_762, %max3A_775 : vector<16xf32>
          %max3A_777 = arith.maximumf %min3A_762, %max3A_775 : vector<16xf32>
          %min3A_778 = arith.minimumf %min3A_764, %max3A_777 : vector<16xf32>
          %max3A_779 = arith.maximumf %min3A_764, %max3A_777 : vector<16xf32>
          %min3A_780 = arith.minimumf %min3A_766, %max3A_779 : vector<16xf32>
          %max3A_781 = arith.maximumf %min3A_766, %max3A_779 : vector<16xf32>
          %add3A_782 = arith.constant 736 : i32
          %add3A_783 = arith.addi %multiple_of3A, %add3A_782 : i32
          %get3A_784 = arith.index_cast %add3A_783 : i32 to index
          %get3A_785 = tpu.vector_load %arg4[%get3A_784] {strides = array<i32>} : memref<32768xf32, #tpu.memory_space<vmem>>, vector<16xf32>,
          %min3A_786 = arith.minimumf %min3A_772, %get3A_785 : vector<16xf32>
          %max3A_787 = arith.maximumf %min3A_772, %get3A_785 : vector<16xf32>
          %min3A_788 = arith.minimumf %min3A_774, %max3A_787 : vector<16xf32>
          %max3A_789 = arith.maximumf %min3A_774, %max3A_787 : vector<16xf32>
          %min3A_790 = arith.minimumf %min3A_776, %max3A_789 : vector<16xf32>
          %max3A_791 = arith.maximumf %min3A_776, %max3A_789 : vector<16xf32>
          %min3A_792 = arith.minimumf %min3A_778, %max3A_791 : vector<16xf32>
          %max3A_793 = arith.maximumf %min3A_778, %max3A_791 : vector<16xf32>
          %min3A_794 = arith.minimumf %min3A_780, %max3A_793 : vector<16xf32>
          %max3A_795 = arith.maximumf %min3A_780, %max3A_793 : vector<16xf32>
          %add3A_796 = arith.constant 752 : i32
          %add3A_797 = arith.addi %multiple_of3A, %add3A_796 : i32
          %get3A_798 = arith.index_cast %add3A_797 : i32 to index
          %get3A_799 = tpu.vector_load %arg4[%get3A_798] {strides = array<i32>} : memref<32768xf32, #tpu.memory_space<vmem>>, vector<16xf32>,
          %min3A_800 = arith.minimumf %min3A_786, %get3A_799 : vector<16xf32>
          %max3A_801 = arith.maximumf %min3A_786, %get3A_799 : vector<16xf32>
          %min3A_802 = arith.minimumf %min3A_788, %max3A_801 : vector<16xf32>
          %max3A_803 = arith.maximumf %min3A_788, %max3A_801 : vector<16xf32>
          %min3A_804 = arith.minimumf %min3A_790, %max3A_803 : vector<16xf32>
          %max3A_805 = arith.maximumf %min3A_790, %max3A_803 : vector<16xf32>
          %min3A_806 = arith.minimumf %min3A_792, %max3A_805 : vector<16xf32>
          %max3A_807 = arith.maximumf %min3A_792, %max3A_805 : vector<16xf32>
          %min3A_808 = arith.minimumf %min3A_794, %max3A_807 : vector<16xf32>
          %max3A_809 = arith.maximumf %min3A_794, %max3A_807 : vector<16xf32>
          %add3A_810 = arith.constant 768 : i32
          %add3A_811 = arith.addi %multiple_of3A, %add3A_810 : i32
          %get3A_812 = arith.index_cast %add3A_811 : i32 to index
          %get3A_813 = tpu.vector_load %arg4[%get3A_812] {strides = array<i32>} : memref<32768xf32, #tpu.memory_space<vmem>>, vector<16xf32>,
          %min3A_814 = arith.minimumf %min3A_800, %get3A_813 : vector<16xf32>
          %max3A_815 = arith.maximumf %min3A_800, %get3A_813 : vector<16xf32>
          %min3A_816 = arith.minimumf %min3A_802, %max3A_815 : vector<16xf32>
          %max3A_817 = arith.maximumf %min3A_802, %max3A_815 : vector<16xf32>
          %min3A_818 = arith.minimumf %min3A_804, %max3A_817 : vector<16xf32>
          %max3A_819 = arith.maximumf %min3A_804, %max3A_817 : vector<16xf32>
          %min3A_820 = arith.minimumf %min3A_806, %max3A_819 : vector<16xf32>
          %max3A_821 = arith.maximumf %min3A_806, %max3A_819 : vector<16xf32>
          %min3A_822 = arith.minimumf %min3A_808, %max3A_821 : vector<16xf32>
          %max3A_823 = arith.maximumf %min3A_808, %max3A_821 : vector<16xf32>
          %add3A_824 = arith.constant 784 : i32
          %add3A_825 = arith.addi %multiple_of3A, %add3A_824 : i32
          %get3A_826 = arith.index_cast %add3A_825 : i32 to index
          %get3A_827 = tpu.vector_load %arg4[%get3A_826] {strides = array<i32>} : memref<32768xf32, #tpu.memory_space<vmem>>, vector<16xf32>,
          %min3A_828 = arith.minimumf %min3A_814, %get3A_827 : vector<16xf32>
          %max3A_829 = arith.maximumf %min3A_814, %get3A_827 : vector<16xf32>
          %min3A_830 = arith.minimumf %min3A_816, %max3A_829 : vector<16xf32>
          %max3A_831 = arith.maximumf %min3A_816, %max3A_829 : vector<16xf32>
          %min3A_832 = arith.minimumf %min3A_818, %max3A_831 : vector<16xf32>
          %max3A_833 = arith.maximumf %min3A_818, %max3A_831 : vector<16xf32>
          %min3A_834 = arith.minimumf %min3A_820, %max3A_833 : vector<16xf32>
          %max3A_835 = arith.maximumf %min3A_820, %max3A_833 : vector<16xf32>
          %min3A_836 = arith.minimumf %min3A_822, %max3A_835 : vector<16xf32>
          %max3A_837 = arith.maximumf %min3A_822, %max3A_835 : vector<16xf32>
          %add3A_838 = arith.constant 800 : i32
          %add3A_839 = arith.addi %multiple_of3A, %add3A_838 : i32
          %get3A_840 = arith.index_cast %add3A_839 : i32 to index
          %get3A_841 = tpu.vector_load %arg4[%get3A_840] {strides = array<i32>} : memref<32768xf32, #tpu.memory_space<vmem>>, vector<16xf32>,
          %min3A_842 = arith.minimumf %min3A_828, %get3A_841 : vector<16xf32>
          %max3A_843 = arith.maximumf %min3A_828, %get3A_841 : vector<16xf32>
          %min3A_844 = arith.minimumf %min3A_830, %max3A_843 : vector<16xf32>
          %max3A_845 = arith.maximumf %min3A_830, %max3A_843 : vector<16xf32>
          %min3A_846 = arith.minimumf %min3A_832, %max3A_845 : vector<16xf32>
          %max3A_847 = arith.maximumf %min3A_832, %max3A_845 : vector<16xf32>
          %min3A_848 = arith.minimumf %min3A_834, %max3A_847 : vector<16xf32>
          %max3A_849 = arith.maximumf %min3A_834, %max3A_847 : vector<16xf32>
          %min3A_850 = arith.minimumf %min3A_836, %max3A_849 : vector<16xf32>
          %max3A_851 = arith.maximumf %min3A_836, %max3A_849 : vector<16xf32>
          %add3A_852 = arith.constant 816 : i32
          %add3A_853 = arith.addi %multiple_of3A, %add3A_852 : i32
          %get3A_854 = arith.index_cast %add3A_853 : i32 to index
          %get3A_855 = tpu.vector_load %arg4[%get3A_854] {strides = array<i32>} : memref<32768xf32, #tpu.memory_space<vmem>>, vector<16xf32>,
          %min3A_856 = arith.minimumf %min3A_842, %get3A_855 : vector<16xf32>
          %max3A_857 = arith.maximumf %min3A_842, %get3A_855 : vector<16xf32>
          %min3A_858 = arith.minimumf %min3A_844, %max3A_857 : vector<16xf32>
          %max3A_859 = arith.maximumf %min3A_844, %max3A_857 : vector<16xf32>
          %min3A_860 = arith.minimumf %min3A_846, %max3A_859 : vector<16xf32>
          %max3A_861 = arith.maximumf %min3A_846, %max3A_859 : vector<16xf32>
          %min3A_862 = arith.minimumf %min3A_848, %max3A_861 : vector<16xf32>
          %max3A_863 = arith.maximumf %min3A_848, %max3A_861 : vector<16xf32>
          %min3A_864 = arith.minimumf %min3A_850, %max3A_863 : vector<16xf32>
          %max3A_865 = arith.maximumf %min3A_850, %max3A_863 : vector<16xf32>
          %add3A_866 = arith.constant 832 : i32
          %add3A_867 = arith.addi %multiple_of3A, %add3A_866 : i32
          %get3A_868 = arith.index_cast %add3A_867 : i32 to index
          %get3A_869 = tpu.vector_load %arg4[%get3A_868] {strides = array<i32>} : memref<32768xf32, #tpu.memory_space<vmem>>, vector<16xf32>,
          %min3A_870 = arith.minimumf %min3A_856, %get3A_869 : vector<16xf32>
          %max3A_871 = arith.maximumf %min3A_856, %get3A_869 : vector<16xf32>
          %min3A_872 = arith.minimumf %min3A_858, %max3A_871 : vector<16xf32>
          %max3A_873 = arith.maximumf %min3A_858, %max3A_871 : vector<16xf32>
          %min3A_874 = arith.minimumf %min3A_860, %max3A_873 : vector<16xf32>
          %max3A_875 = arith.maximumf %min3A_860, %max3A_873 : vector<16xf32>
          %min3A_876 = arith.minimumf %min3A_862, %max3A_875 : vector<16xf32>
          %max3A_877 = arith.maximumf %min3A_862, %max3A_875 : vector<16xf32>
          %min3A_878 = arith.minimumf %min3A_864, %max3A_877 : vector<16xf32>
          %max3A_879 = arith.maximumf %min3A_864, %max3A_877 : vector<16xf32>
          %add3A_880 = arith.constant 848 : i32
          %add3A_881 = arith.addi %multiple_of3A, %add3A_880 : i32
          %get3A_882 = arith.index_cast %add3A_881 : i32 to index
          %get3A_883 = tpu.vector_load %arg4[%get3A_882] {strides = array<i32>} : memref<32768xf32, #tpu.memory_space<vmem>>, vector<16xf32>,
          %min3A_884 = arith.minimumf %min3A_870, %get3A_883 : vector<16xf32>
          %max3A_885 = arith.maximumf %min3A_870, %get3A_883 : vector<16xf32>
          %min3A_886 = arith.minimumf %min3A_872, %max3A_885 : vector<16xf32>
          %max3A_887 = arith.maximumf %min3A_872, %max3A_885 : vector<16xf32>
          %min3A_888 = arith.minimumf %min3A_874, %max3A_887 : vector<16xf32>
          %max3A_889 = arith.maximumf %min3A_874, %max3A_887 : vector<16xf32>
          %min3A_890 = arith.minimumf %min3A_876, %max3A_889 : vector<16xf32>
          %max3A_891 = arith.maximumf %min3A_876, %max3A_889 : vector<16xf32>
          %min3A_892 = arith.minimumf %min3A_878, %max3A_891 : vector<16xf32>
          %max3A_893 = arith.maximumf %min3A_878, %max3A_891 : vector<16xf32>
          %add3A_894 = arith.constant 864 : i32
          %add3A_895 = arith.addi %multiple_of3A, %add3A_894 : i32
          %get3A_896 = arith.index_cast %add3A_895 : i32 to index
          %get3A_897 = tpu.vector_load %arg4[%get3A_896] {strides = array<i32>} : memref<32768xf32, #tpu.memory_space<vmem>>, vector<16xf32>,
          %min3A_898 = arith.minimumf %min3A_884, %get3A_897 : vector<16xf32>
          %max3A_899 = arith.maximumf %min3A_884, %get3A_897 : vector<16xf32>
          %min3A_900 = arith.minimumf %min3A_886, %max3A_899 : vector<16xf32>
          %max3A_901 = arith.maximumf %min3A_886, %max3A_899 : vector<16xf32>
          %min3A_902 = arith.minimumf %min3A_888, %max3A_901 : vector<16xf32>
          %max3A_903 = arith.maximumf %min3A_888, %max3A_901 : vector<16xf32>
          %min3A_904 = arith.minimumf %min3A_890, %max3A_903 : vector<16xf32>
          %max3A_905 = arith.maximumf %min3A_890, %max3A_903 : vector<16xf32>
          %min3A_906 = arith.minimumf %min3A_892, %max3A_905 : vector<16xf32>
          %max3A_907 = arith.maximumf %min3A_892, %max3A_905 : vector<16xf32>
          %add3A_908 = arith.constant 880 : i32
          %add3A_909 = arith.addi %multiple_of3A, %add3A_908 : i32
          %get3A_910 = arith.index_cast %add3A_909 : i32 to index
          %get3A_911 = tpu.vector_load %arg4[%get3A_910] {strides = array<i32>} : memref<32768xf32, #tpu.memory_space<vmem>>, vector<16xf32>,
          %min3A_912 = arith.minimumf %min3A_898, %get3A_911 : vector<16xf32>
          %max3A_913 = arith.maximumf %min3A_898, %get3A_911 : vector<16xf32>
          %min3A_914 = arith.minimumf %min3A_900, %max3A_913 : vector<16xf32>
          %max3A_915 = arith.maximumf %min3A_900, %max3A_913 : vector<16xf32>
          %min3A_916 = arith.minimumf %min3A_902, %max3A_915 : vector<16xf32>
          %max3A_917 = arith.maximumf %min3A_902, %max3A_915 : vector<16xf32>
          %min3A_918 = arith.minimumf %min3A_904, %max3A_917 : vector<16xf32>
          %max3A_919 = arith.maximumf %min3A_904, %max3A_917 : vector<16xf32>
          %min3A_920 = arith.minimumf %min3A_906, %max3A_919 : vector<16xf32>
          %max3A_921 = arith.maximumf %min3A_906, %max3A_919 : vector<16xf32>
          %add3A_922 = arith.constant 896 : i32
          %add3A_923 = arith.addi %multiple_of3A, %add3A_922 : i32
          %get3A_924 = arith.index_cast %add3A_923 : i32 to index
          %get3A_925 = tpu.vector_load %arg4[%get3A_924] {strides = array<i32>} : memref<32768xf32, #tpu.memory_space<vmem>>, vector<16xf32>,
          %min3A_926 = arith.minimumf %min3A_912, %get3A_925 : vector<16xf32>
          %max3A_927 = arith.maximumf %min3A_912, %get3A_925 : vector<16xf32>
          %min3A_928 = arith.minimumf %min3A_914, %max3A_927 : vector<16xf32>
          %max3A_929 = arith.maximumf %min3A_914, %max3A_927 : vector<16xf32>
          %min3A_930 = arith.minimumf %min3A_916, %max3A_929 : vector<16xf32>
          %max3A_931 = arith.maximumf %min3A_916, %max3A_929 : vector<16xf32>
          %min3A_932 = arith.minimumf %min3A_918, %max3A_931 : vector<16xf32>
          %max3A_933 = arith.maximumf %min3A_918, %max3A_931 : vector<16xf32>
          %min3A_934 = arith.minimumf %min3A_920, %max3A_933 : vector<16xf32>
          %max3A_935 = arith.maximumf %min3A_920, %max3A_933 : vector<16xf32>
          %add3A_936 = arith.constant 912 : i32
          %add3A_937 = arith.addi %multiple_of3A, %add3A_936 : i32
          %get3A_938 = arith.index_cast %add3A_937 : i32 to index
          %get3A_939 = tpu.vector_load %arg4[%get3A_938] {strides = array<i32>} : memref<32768xf32, #tpu.memory_space<vmem>>, vector<16xf32>,
          %min3A_940 = arith.minimumf %min3A_926, %get3A_939 : vector<16xf32>
          %max3A_941 = arith.maximumf %min3A_926, %get3A_939 : vector<16xf32>
          %min3A_942 = arith.minimumf %min3A_928, %max3A_941 : vector<16xf32>
          %max3A_943 = arith.maximumf %min3A_928, %max3A_941 : vector<16xf32>
          %min3A_944 = arith.minimumf %min3A_930, %max3A_943 : vector<16xf32>
          %max3A_945 = arith.maximumf %min3A_930, %max3A_943 : vector<16xf32>
          %min3A_946 = arith.minimumf %min3A_932, %max3A_945 : vector<16xf32>
          %max3A_947 = arith.maximumf %min3A_932, %max3A_945 : vector<16xf32>
          %min3A_948 = arith.minimumf %min3A_934, %max3A_947 : vector<16xf32>
          %max3A_949 = arith.maximumf %min3A_934, %max3A_947 : vector<16xf32>
          %add3A_950 = arith.constant 928 : i32
          %add3A_951 = arith.addi %multiple_of3A, %add3A_950 : i32
          %get3A_952 = arith.index_cast %add3A_951 : i32 to index
          %get3A_953 = tpu.vector_load %arg4[%get3A_952] {strides = array<i32>} : memref<32768xf32, #tpu.memory_space<vmem>>, vector<16xf32>,
          %min3A_954 = arith.minimumf %min3A_940, %get3A_953 : vector<16xf32>
          %max3A_955 = arith.maximumf %min3A_940, %get3A_953 : vector<16xf32>
          %min3A_956 = arith.minimumf %min3A_942, %max3A_955 : vector<16xf32>
          %max3A_957 = arith.maximumf %min3A_942, %max3A_955 : vector<16xf32>
          %min3A_958 = arith.minimumf %min3A_944, %max3A_957 : vector<16xf32>
          %max3A_959 = arith.maximumf %min3A_944, %max3A_957 : vector<16xf32>
          %min3A_960 = arith.minimumf %min3A_946, %max3A_959 : vector<16xf32>
          %max3A_961 = arith.maximumf %min3A_946, %max3A_959 : vector<16xf32>
          %min3A_962 = arith.minimumf %min3A_948, %max3A_961 : vector<16xf32>
          %max3A_963 = arith.maximumf %min3A_948, %max3A_961 : vector<16xf32>
          %add3A_964 = arith.constant 944 : i32
          %add3A_965 = arith.addi %multiple_of3A, %add3A_964 : i32
          %get3A_966 = arith.index_cast %add3A_965 : i32 to index
          %get3A_967 = tpu.vector_load %arg4[%get3A_966] {strides = array<i32>} : memref<32768xf32, #tpu.memory_space<vmem>>, vector<16xf32>,
          %min3A_968 = arith.minimumf %min3A_954, %get3A_967 : vector<16xf32>
          %max3A_969 = arith.maximumf %min3A_954, %get3A_967 : vector<16xf32>
          %min3A_970 = arith.minimumf %min3A_956, %max3A_969 : vector<16xf32>
          %max3A_971 = arith.maximumf %min3A_956, %max3A_969 : vector<16xf32>
          %min3A_972 = arith.minimumf %min3A_958, %max3A_971 : vector<16xf32>
          %max3A_973 = arith.maximumf %min3A_958, %max3A_971 : vector<16xf32>
          %min3A_974 = arith.minimumf %min3A_960, %max3A_973 : vector<16xf32>
          %max3A_975 = arith.maximumf %min3A_960, %max3A_973 : vector<16xf32>
          %min3A_976 = arith.minimumf %min3A_962, %max3A_975 : vector<16xf32>
          %max3A_977 = arith.maximumf %min3A_962, %max3A_975 : vector<16xf32>
          %add3A_978 = arith.constant 960 : i32
          %add3A_979 = arith.addi %multiple_of3A, %add3A_978 : i32
          %get3A_980 = arith.index_cast %add3A_979 : i32 to index
          %get3A_981 = tpu.vector_load %arg4[%get3A_980] {strides = array<i32>} : memref<32768xf32, #tpu.memory_space<vmem>>, vector<16xf32>,
          %min3A_982 = arith.minimumf %min3A_968, %get3A_981 : vector<16xf32>
          %max3A_983 = arith.maximumf %min3A_968, %get3A_981 : vector<16xf32>
          %min3A_984 = arith.minimumf %min3A_970, %max3A_983 : vector<16xf32>
          %max3A_985 = arith.maximumf %min3A_970, %max3A_983 : vector<16xf32>
          %min3A_986 = arith.minimumf %min3A_972, %max3A_985 : vector<16xf32>
          %max3A_987 = arith.maximumf %min3A_972, %max3A_985 : vector<16xf32>
          %min3A_988 = arith.minimumf %min3A_974, %max3A_987 : vector<16xf32>
          %max3A_989 = arith.maximumf %min3A_974, %max3A_987 : vector<16xf32>
          %min3A_990 = arith.minimumf %min3A_976, %max3A_989 : vector<16xf32>
          %max3A_991 = arith.maximumf %min3A_976, %max3A_989 : vector<16xf32>
          %add3A_992 = arith.constant 976 : i32
          %add3A_993 = arith.addi %multiple_of3A, %add3A_992 : i32
          %get3A_994 = arith.index_cast %add3A_993 : i32 to index
          %get3A_995 = tpu.vector_load %arg4[%get3A_994] {strides = array<i32>} : memref<32768xf32, #tpu.memory_space<vmem>>, vector<16xf32>,
          %min3A_996 = arith.minimumf %min3A_982, %get3A_995 : vector<16xf32>
          %max3A_997 = arith.maximumf %min3A_982, %get3A_995 : vector<16xf32>
          %min3A_998 = arith.minimumf %min3A_984, %max3A_997 : vector<16xf32>
          %max3A_999 = arith.maximumf %min3A_984, %max3A_997 : vector<16xf32>
          %min3A_1000 = arith.minimumf %min3A_986, %max3A_999 : vector<16xf32>
          %max3A_1001 = arith.maximumf %min3A_986, %max3A_999 : vector<16xf32>
          %min3A_1002 = arith.minimumf %min3A_988, %max3A_1001 : vector<16xf32>
          %max3A_1003 = arith.maximumf %min3A_988, %max3A_1001 : vector<16xf32>
          %min3A_1004 = arith.minimumf %min3A_990, %max3A_1003 : vector<16xf32>
          %max3A_1005 = arith.maximumf %min3A_990, %max3A_1003 : vector<16xf32>
          %add3A_1006 = arith.constant 992 : i32
          %add3A_1007 = arith.addi %multiple_of3A, %add3A_1006 : i32
          %get3A_1008 = arith.index_cast %add3A_1007 : i32 to index
          %get3A_1009 = tpu.vector_load %arg4[%get3A_1008] {strides = array<i32>} : memref<32768xf32, #tpu.memory_space<vmem>>, vector<16xf32>,
          %min3A_1010 = arith.minimumf %min3A_996, %get3A_1009 : vector<16xf32>
          %max3A_1011 = arith.maximumf %min3A_996, %get3A_1009 : vector<16xf32>
          %min3A_1012 = arith.minimumf %min3A_998, %max3A_1011 : vector<16xf32>
          %max3A_1013 = arith.maximumf %min3A_998, %max3A_1011 : vector<16xf32>
          %min3A_1014 = arith.minimumf %min3A_1000, %max3A_1013 : vector<16xf32>
          %max3A_1015 = arith.maximumf %min3A_1000, %max3A_1013 : vector<16xf32>
          %min3A_1016 = arith.minimumf %min3A_1002, %max3A_1015 : vector<16xf32>
          %max3A_1017 = arith.maximumf %min3A_1002, %max3A_1015 : vector<16xf32>
          %min3A_1018 = arith.minimumf %min3A_1004, %max3A_1017 : vector<16xf32>
          %max3A_1019 = arith.maximumf %min3A_1004, %max3A_1017 : vector<16xf32>
          %add3A_1020 = arith.constant 1008 : i32
          %add3A_1021 = arith.addi %multiple_of3A, %add3A_1020 : i32
          %get3A_1022 = arith.index_cast %add3A_1021 : i32 to index
          %get3A_1023 = tpu.vector_load %arg4[%get3A_1022] {strides = array<i32>} : memref<32768xf32, #tpu.memory_space<vmem>>, vector<16xf32>,
          %min3A_1024 = arith.minimumf %min3A_1010, %get3A_1023 : vector<16xf32>
          %max3A_1025 = arith.maximumf %min3A_1010, %get3A_1023 : vector<16xf32>
          %min3A_1026 = arith.minimumf %min3A_1012, %max3A_1025 : vector<16xf32>
          %max3A_1027 = arith.maximumf %min3A_1012, %max3A_1025 : vector<16xf32>
          %min3A_1028 = arith.minimumf %min3A_1014, %max3A_1027 : vector<16xf32>
          %max3A_1029 = arith.maximumf %min3A_1014, %max3A_1027 : vector<16xf32>
          %min3A_1030 = arith.minimumf %min3A_1016, %max3A_1029 : vector<16xf32>
          %max3A_1031 = arith.maximumf %min3A_1016, %max3A_1029 : vector<16xf32>
          %min3A_1032 = arith.minimumf %min3A_1018, %max3A_1031 : vector<16xf32>
          %max3A_1033 = arith.maximumf %min3A_1018, %max3A_1031 : vector<16xf32>
          scf.yield %min3A_1024, %min3A_1026, %min3A_1028, %min3A_1030, %min3A_1032 : vector<16xf32>, vector<16xf32>, vector<16xf32>, vector<16xf32>, vector<16xf32>
        } else {
          scf.yield %scan3A_106, %scan3A_107, %scan3A_108, %scan3A_109, %scan3A_110 : vector<16xf32>, vector<16xf32>, vector<16xf32>, vector<16xf32>, vector<16xf32>
        }
        scf.yield %cond3A_139#0, %cond3A_139#1, %cond3A_139#2, %cond3A_139#3, %cond3A_139#4 : vector<16xf32>, vector<16xf32>, vector<16xf32>, vector<16xf32>, vector<16xf32>
      }
      %scan3A_83 = arith.constant 32 : i32
      %lt3A_84 = arith.constant 7 : i32
      %lt3A_85 = arith.cmpi slt, %scan3A_55, %lt3A_84 : i32
      %convert_element_type3A_86 = arith.extui %lt3A_85 : i1 to i32
      %cond3A_87 = arith.constant 0 : i32
      %cond3A_88 = arith.cmpi ne, %convert_element_type3A_86, %cond3A_87 : i32
      scf.if %cond3A_88 {
        %add3A_105 = arith.constant 2 : i32
        %add3A_106 = arith.addi %mul3A_62, %add3A_105 : i32
        %dma_start3A_107 = arith.constant 0 : i32
        %dma_start3A_108 = tpu.memref_slice %arg2[%add3A, %select_n3A_30, %add3A_106, %dma_start3A_107] : memref<4x8x16x32768xf32, #tpu.memory_space<hbm>> -> memref<1x1x1x32768xf32, #tpu.memory_space<hbm>>
        %dma_start3A_109 = tpu.memref_squeeze %dma_start3A_108 : memref<1x1x1x32768xf32, #tpu.memory_space<hbm>> -> memref<32768xf32, #tpu.memory_space<hbm>>
        %dma_start3A_110 = arith.constant 0 : i32
        %dma_start3A_111 = tpu.memref_slice %arg2[%add3A, %select_n3A_30, %add3A_106, %dma_start3A_110] : memref<4x8x16x32768xf32, #tpu.memory_space<hbm>> -> memref<1x1x1x32768xf32, #tpu.memory_space<hbm>>
        %dma_start3A_112 = tpu.memref_squeeze %dma_start3A_111 : memref<1x1x1x32768xf32, #tpu.memory_space<hbm>> -> memref<32768xf32, #tpu.memory_space<hbm>>
        tpu.enqueue_dma source(%dma_start3A_112 : memref<32768xf32, #tpu.memory_space<hbm>>) target(%arg4 : memref<32768xf32, #tpu.memory_space<vmem>>) target_semaphore(%arg10 : memref<!tpu.dma_semaphore, #tpu.memory_space<semaphore_mem>>)
      } else {
      }
      %add3A_89 = arith.constant 1 : i32
      %add3A_90 = arith.addi %mul3A_62, %add3A_89 : i32
      %dma_wait3A_91 = arith.constant 0 : i32
      %dma_wait3A_92 = tpu.memref_slice %arg2[%add3A, %select_n3A_30, %add3A_90, %dma_wait3A_91] : memref<4x8x16x32768xf32, #tpu.memory_space<hbm>> -> memref<1x1x1x32768xf32, #tpu.memory_space<hbm>>
      %dma_wait3A_93 = tpu.memref_squeeze %dma_wait3A_92 : memref<1x1x1x32768xf32, #tpu.memory_space<hbm>> -> memref<32768xf32, #tpu.memory_space<hbm>>
      %dma_wait3A_94 = arith.constant 0 : i32
      %dma_wait3A_95 = tpu.memref_slice %arg2[%add3A, %select_n3A_30, %add3A_90, %dma_wait3A_94] : memref<4x8x16x32768xf32, #tpu.memory_space<hbm>> -> memref<1x1x1x32768xf32, #tpu.memory_space<hbm>>
      %dma_wait3A_96 = tpu.memref_squeeze %dma_wait3A_95 : memref<1x1x1x32768xf32, #tpu.memory_space<hbm>> -> memref<32768xf32, #tpu.memory_space<hbm>>
      tpu.wait_dma2 semaphore(%arg11 : memref<!tpu.dma_semaphore, #tpu.memory_space<semaphore_mem>>) src(%dma_wait3A_96 : memref<32768xf32, #tpu.memory_space<hbm>>) dst(%arg5 : memref<32768xf32, #tpu.memory_space<vmem>>)
      %broadcast_in_dim3A_97 = arith.constant 0x7F800000 : f32
      %broadcast_in_dim3A_98 = vector.broadcast %broadcast_in_dim3A_97 : f32 to vector<16xf32>
      %scan3A_99 = arith.constant 0 : i32
      %scan3A_100 = arith.constant 32 : i32
      %scan3A_101 = arith.addi %scan3A_99, %scan3A_100 : i32
      %scan3A_102 = arith.constant 1 : i32
      %scan3A_103:5 = scf.for %scan3A_105 = %scan3A_99 to %scan3A_101 step %scan3A_102 iter_args(%scan3A_106 = %scan3A_82#0, %scan3A_107 = %scan3A_82#1, %scan3A_108 = %scan3A_82#2, %scan3A_109 = %scan3A_82#3, %scan3A_110 = %scan3A_82#4) -> (vector<16xf32>, vector<16xf32>, vector<16xf32>, vector<16xf32>, vector<16xf32>)  : i32 {
        %mul3A_111 = arith.constant 1024 : i32
        %mul3A_112 = arith.muli %scan3A_105, %mul3A_111 : i32
        %multiple_of3A = tpu.assume_multiple %mul3A_112, 1024 : i32
        %scan3A_113 = arith.constant 0 : i32
        %scan3A_114 = arith.constant 2 : i32
        %scan3A_115 = arith.addi %scan3A_113, %scan3A_114 : i32
        %scan3A_116 = arith.constant 1 : i32
        %scan3A_117:8 = scf.for %scan3A_140 = %scan3A_113 to %scan3A_115 step %scan3A_116 iter_args(%scan3A_141 = %broadcast_in_dim3A_98, %scan3A_142 = %broadcast_in_dim3A_98, %scan3A_143 = %broadcast_in_dim3A_98, %scan3A_144 = %broadcast_in_dim3A_98, %scan3A_145 = %broadcast_in_dim3A_98, %scan3A_146 = %broadcast_in_dim3A_98, %scan3A_147 = %broadcast_in_dim3A_98, %scan3A_148 = %broadcast_in_dim3A_98) -> (vector<16xf32>, vector<16xf32>, vector<16xf32>, vector<16xf32>, vector<16xf32>, vector<16xf32>, vector<16xf32>, vector<16xf32>)  : i32 {
          %mul3A_149 = arith.constant 512 : i32
          %mul3A_150 = arith.muli %scan3A_140, %mul3A_149 : i32
          %add3A_151 = arith.addi %multiple_of3A, %mul3A_150 : i32
          %add3A_152 = arith.constant 0 : i32
          %add3A_153 = arith.addi %add3A_151, %add3A_152 : i32
          %get3A = arith.index_cast %add3A_153 : i32 to index
          %get3A_154 = tpu.vector_load %arg5[%get3A] {strides = array<i32>} : memref<32768xf32, #tpu.memory_space<vmem>>, vector<16xf32>,
          %min3A_155 = arith.minimumf %scan3A_141, %get3A_154 : vector<16xf32>
          %add3A_156 = arith.constant 16 : i32
          %add3A_157 = arith.addi %add3A_151, %add3A_156 : i32
          %get3A_158 = arith.index_cast %add3A_157 : i32 to index
          %get3A_159 = tpu.vector_load %arg5[%get3A_158] {strides = array<i32>} : memref<32768xf32, #tpu.memory_space<vmem>>, vector<16xf32>,
          %min3A_160 = arith.minimumf %scan3A_142, %get3A_159 : vector<16xf32>
          %add3A_161 = arith.constant 32 : i32
          %add3A_162 = arith.addi %add3A_151, %add3A_161 : i32
          %get3A_163 = arith.index_cast %add3A_162 : i32 to index
          %get3A_164 = tpu.vector_load %arg5[%get3A_163] {strides = array<i32>} : memref<32768xf32, #tpu.memory_space<vmem>>, vector<16xf32>,
          %min3A_165 = arith.minimumf %scan3A_143, %get3A_164 : vector<16xf32>
          %add3A_166 = arith.constant 48 : i32
          %add3A_167 = arith.addi %add3A_151, %add3A_166 : i32
          %get3A_168 = arith.index_cast %add3A_167 : i32 to index
          %get3A_169 = tpu.vector_load %arg5[%get3A_168] {strides = array<i32>} : memref<32768xf32, #tpu.memory_space<vmem>>, vector<16xf32>,
          %min3A_170 = arith.minimumf %scan3A_144, %get3A_169 : vector<16xf32>
          %add3A_171 = arith.constant 64 : i32
          %add3A_172 = arith.addi %add3A_151, %add3A_171 : i32
          %get3A_173 = arith.index_cast %add3A_172 : i32 to index
          %get3A_174 = tpu.vector_load %arg5[%get3A_173] {strides = array<i32>} : memref<32768xf32, #tpu.memory_space<vmem>>, vector<16xf32>,
          %min3A_175 = arith.minimumf %scan3A_145, %get3A_174 : vector<16xf32>
          %add3A_176 = arith.constant 80 : i32
          %add3A_177 = arith.addi %add3A_151, %add3A_176 : i32
          %get3A_178 = arith.index_cast %add3A_177 : i32 to index
          %get3A_179 = tpu.vector_load %arg5[%get3A_178] {strides = array<i32>} : memref<32768xf32, #tpu.memory_space<vmem>>, vector<16xf32>,
          %min3A_180 = arith.minimumf %scan3A_146, %get3A_179 : vector<16xf32>
          %add3A_181 = arith.constant 96 : i32
          %add3A_182 = arith.addi %add3A_151, %add3A_181 : i32
          %get3A_183 = arith.index_cast %add3A_182 : i32 to index
          %get3A_184 = tpu.vector_load %arg5[%get3A_183] {strides = array<i32>} : memref<32768xf32, #tpu.memory_space<vmem>>, vector<16xf32>,
          %min3A_185 = arith.minimumf %scan3A_147, %get3A_184 : vector<16xf32>
          %add3A_186 = arith.constant 112 : i32
          %add3A_187 = arith.addi %add3A_151, %add3A_186 : i32
          %get3A_188 = arith.index_cast %add3A_187 : i32 to index
          %get3A_189 = tpu.vector_load %arg5[%get3A_188] {strides = array<i32>} : memref<32768xf32, #tpu.memory_space<vmem>>, vector<16xf32>,
          %min3A_190 = arith.minimumf %scan3A_148, %get3A_189 : vector<16xf32>
          %add3A_191 = arith.constant 128 : i32
          %add3A_192 = arith.addi %add3A_151, %add3A_191 : i32
          %get3A_193 = arith.index_cast %add3A_192 : i32 to index
          %get3A_194 = tpu.vector_load %arg5[%get3A_193] {strides = array<i32>} : memref<32768xf32, #tpu.memory_space<vmem>>, vector<16xf32>,
          %min3A_195 = arith.minimumf %min3A_155, %get3A_194 : vector<16xf32>
          %add3A_196 = arith.constant 144 : i32
          %add3A_197 = arith.addi %add3A_151, %add3A_196 : i32
          %get3A_198 = arith.index_cast %add3A_197 : i32 to index
          %get3A_199 = tpu.vector_load %arg5[%get3A_198] {strides = array<i32>} : memref<32768xf32, #tpu.memory_space<vmem>>, vector<16xf32>,
          %min3A_200 = arith.minimumf %min3A_160, %get3A_199 : vector<16xf32>
          %add3A_201 = arith.constant 160 : i32
          %add3A_202 = arith.addi %add3A_151, %add3A_201 : i32
          %get3A_203 = arith.index_cast %add3A_202 : i32 to index
          %get3A_204 = tpu.vector_load %arg5[%get3A_203] {strides = array<i32>} : memref<32768xf32, #tpu.memory_space<vmem>>, vector<16xf32>,
          %min3A_205 = arith.minimumf %min3A_165, %get3A_204 : vector<16xf32>
          %add3A_206 = arith.constant 176 : i32
          %add3A_207 = arith.addi %add3A_151, %add3A_206 : i32
          %get3A_208 = arith.index_cast %add3A_207 : i32 to index
          %get3A_209 = tpu.vector_load %arg5[%get3A_208] {strides = array<i32>} : memref<32768xf32, #tpu.memory_space<vmem>>, vector<16xf32>,
          %min3A_210 = arith.minimumf %min3A_170, %get3A_209 : vector<16xf32>
          %add3A_211 = arith.constant 192 : i32
          %add3A_212 = arith.addi %add3A_151, %add3A_211 : i32
          %get3A_213 = arith.index_cast %add3A_212 : i32 to index
          %get3A_214 = tpu.vector_load %arg5[%get3A_213] {strides = array<i32>} : memref<32768xf32, #tpu.memory_space<vmem>>, vector<16xf32>,
          %min3A_215 = arith.minimumf %min3A_175, %get3A_214 : vector<16xf32>
          %add3A_216 = arith.constant 208 : i32
          %add3A_217 = arith.addi %add3A_151, %add3A_216 : i32
          %get3A_218 = arith.index_cast %add3A_217 : i32 to index
          %get3A_219 = tpu.vector_load %arg5[%get3A_218] {strides = array<i32>} : memref<32768xf32, #tpu.memory_space<vmem>>, vector<16xf32>,
          %min3A_220 = arith.minimumf %min3A_180, %get3A_219 : vector<16xf32>
          %add3A_221 = arith.constant 224 : i32
          %add3A_222 = arith.addi %add3A_151, %add3A_221 : i32
          %get3A_223 = arith.index_cast %add3A_222 : i32 to index
          %get3A_224 = tpu.vector_load %arg5[%get3A_223] {strides = array<i32>} : memref<32768xf32, #tpu.memory_space<vmem>>, vector<16xf32>,
          %min3A_225 = arith.minimumf %min3A_185, %get3A_224 : vector<16xf32>
          %add3A_226 = arith.constant 240 : i32
          %add3A_227 = arith.addi %add3A_151, %add3A_226 : i32
          %get3A_228 = arith.index_cast %add3A_227 : i32 to index
          %get3A_229 = tpu.vector_load %arg5[%get3A_228] {strides = array<i32>} : memref<32768xf32, #tpu.memory_space<vmem>>, vector<16xf32>,
          %min3A_230 = arith.minimumf %min3A_190, %get3A_229 : vector<16xf32>
          %add3A_231 = arith.constant 256 : i32
          %add3A_232 = arith.addi %add3A_151, %add3A_231 : i32
          %get3A_233 = arith.index_cast %add3A_232 : i32 to index
          %get3A_234 = tpu.vector_load %arg5[%get3A_233] {strides = array<i32>} : memref<32768xf32, #tpu.memory_space<vmem>>, vector<16xf32>,
          %min3A_235 = arith.minimumf %min3A_195, %get3A_234 : vector<16xf32>
          %add3A_236 = arith.constant 272 : i32
          %add3A_237 = arith.addi %add3A_151, %add3A_236 : i32
          %get3A_238 = arith.index_cast %add3A_237 : i32 to index
          %get3A_239 = tpu.vector_load %arg5[%get3A_238] {strides = array<i32>} : memref<32768xf32, #tpu.memory_space<vmem>>, vector<16xf32>,
          %min3A_240 = arith.minimumf %min3A_200, %get3A_239 : vector<16xf32>
          %add3A_241 = arith.constant 288 : i32
          %add3A_242 = arith.addi %add3A_151, %add3A_241 : i32
          %get3A_243 = arith.index_cast %add3A_242 : i32 to index
          %get3A_244 = tpu.vector_load %arg5[%get3A_243] {strides = array<i32>} : memref<32768xf32, #tpu.memory_space<vmem>>, vector<16xf32>,
          %min3A_245 = arith.minimumf %min3A_205, %get3A_244 : vector<16xf32>
          %add3A_246 = arith.constant 304 : i32
          %add3A_247 = arith.addi %add3A_151, %add3A_246 : i32
          %get3A_248 = arith.index_cast %add3A_247 : i32 to index
          %get3A_249 = tpu.vector_load %arg5[%get3A_248] {strides = array<i32>} : memref<32768xf32, #tpu.memory_space<vmem>>, vector<16xf32>,
          %min3A_250 = arith.minimumf %min3A_210, %get3A_249 : vector<16xf32>
          %add3A_251 = arith.constant 320 : i32
          %add3A_252 = arith.addi %add3A_151, %add3A_251 : i32
          %get3A_253 = arith.index_cast %add3A_252 : i32 to index
          %get3A_254 = tpu.vector_load %arg5[%get3A_253] {strides = array<i32>} : memref<32768xf32, #tpu.memory_space<vmem>>, vector<16xf32>,
          %min3A_255 = arith.minimumf %min3A_215, %get3A_254 : vector<16xf32>
          %add3A_256 = arith.constant 336 : i32
          %add3A_257 = arith.addi %add3A_151, %add3A_256 : i32
          %get3A_258 = arith.index_cast %add3A_257 : i32 to index
          %get3A_259 = tpu.vector_load %arg5[%get3A_258] {strides = array<i32>} : memref<32768xf32, #tpu.memory_space<vmem>>, vector<16xf32>,
          %min3A_260 = arith.minimumf %min3A_220, %get3A_259 : vector<16xf32>
          %add3A_261 = arith.constant 352 : i32
          %add3A_262 = arith.addi %add3A_151, %add3A_261 : i32
          %get3A_263 = arith.index_cast %add3A_262 : i32 to index
          %get3A_264 = tpu.vector_load %arg5[%get3A_263] {strides = array<i32>} : memref<32768xf32, #tpu.memory_space<vmem>>, vector<16xf32>,
          %min3A_265 = arith.minimumf %min3A_225, %get3A_264 : vector<16xf32>
          %add3A_266 = arith.constant 368 : i32
          %add3A_267 = arith.addi %add3A_151, %add3A_266 : i32
          %get3A_268 = arith.index_cast %add3A_267 : i32 to index
          %get3A_269 = tpu.vector_load %arg5[%get3A_268] {strides = array<i32>} : memref<32768xf32, #tpu.memory_space<vmem>>, vector<16xf32>,
          %min3A_270 = arith.minimumf %min3A_230, %get3A_269 : vector<16xf32>
          %add3A_271 = arith.constant 384 : i32
          %add3A_272 = arith.addi %add3A_151, %add3A_271 : i32
          %get3A_273 = arith.index_cast %add3A_272 : i32 to index
          %get3A_274 = tpu.vector_load %arg5[%get3A_273] {strides = array<i32>} : memref<32768xf32, #tpu.memory_space<vmem>>, vector<16xf32>,
          %min3A_275 = arith.minimumf %min3A_235, %get3A_274 : vector<16xf32>
          %add3A_276 = arith.constant 400 : i32
          %add3A_277 = arith.addi %add3A_151, %add3A_276 : i32
          %get3A_278 = arith.index_cast %add3A_277 : i32 to index
          %get3A_279 = tpu.vector_load %arg5[%get3A_278] {strides = array<i32>} : memref<32768xf32, #tpu.memory_space<vmem>>, vector<16xf32>,
          %min3A_280 = arith.minimumf %min3A_240, %get3A_279 : vector<16xf32>
          %add3A_281 = arith.constant 416 : i32
          %add3A_282 = arith.addi %add3A_151, %add3A_281 : i32
          %get3A_283 = arith.index_cast %add3A_282 : i32 to index
          %get3A_284 = tpu.vector_load %arg5[%get3A_283] {strides = array<i32>} : memref<32768xf32, #tpu.memory_space<vmem>>, vector<16xf32>,
          %min3A_285 = arith.minimumf %min3A_245, %get3A_284 : vector<16xf32>
          %add3A_286 = arith.constant 432 : i32
          %add3A_287 = arith.addi %add3A_151, %add3A_286 : i32
          %get3A_288 = arith.index_cast %add3A_287 : i32 to index
          %get3A_289 = tpu.vector_load %arg5[%get3A_288] {strides = array<i32>} : memref<32768xf32, #tpu.memory_space<vmem>>, vector<16xf32>,
          %min3A_290 = arith.minimumf %min3A_250, %get3A_289 : vector<16xf32>
          %add3A_291 = arith.constant 448 : i32
          %add3A_292 = arith.addi %add3A_151, %add3A_291 : i32
          %get3A_293 = arith.index_cast %add3A_292 : i32 to index
          %get3A_294 = tpu.vector_load %arg5[%get3A_293] {strides = array<i32>} : memref<32768xf32, #tpu.memory_space<vmem>>, vector<16xf32>,
          %min3A_295 = arith.minimumf %min3A_255, %get3A_294 : vector<16xf32>
          %add3A_296 = arith.constant 464 : i32
          %add3A_297 = arith.addi %add3A_151, %add3A_296 : i32
          %get3A_298 = arith.index_cast %add3A_297 : i32 to index
          %get3A_299 = tpu.vector_load %arg5[%get3A_298] {strides = array<i32>} : memref<32768xf32, #tpu.memory_space<vmem>>, vector<16xf32>,
          %min3A_300 = arith.minimumf %min3A_260, %get3A_299 : vector<16xf32>
          %add3A_301 = arith.constant 480 : i32
          %add3A_302 = arith.addi %add3A_151, %add3A_301 : i32
          %get3A_303 = arith.index_cast %add3A_302 : i32 to index
          %get3A_304 = tpu.vector_load %arg5[%get3A_303] {strides = array<i32>} : memref<32768xf32, #tpu.memory_space<vmem>>, vector<16xf32>,
          %min3A_305 = arith.minimumf %min3A_265, %get3A_304 : vector<16xf32>
          %add3A_306 = arith.constant 496 : i32
          %add3A_307 = arith.addi %add3A_151, %add3A_306 : i32
          %get3A_308 = arith.index_cast %add3A_307 : i32 to index
          %get3A_309 = tpu.vector_load %arg5[%get3A_308] {strides = array<i32>} : memref<32768xf32, #tpu.memory_space<vmem>>, vector<16xf32>,
          %min3A_310 = arith.minimumf %min3A_270, %get3A_309 : vector<16xf32>
          scf.yield %min3A_275, %min3A_280, %min3A_285, %min3A_290, %min3A_295, %min3A_300, %min3A_305, %min3A_310 : vector<16xf32>, vector<16xf32>, vector<16xf32>, vector<16xf32>, vector<16xf32>, vector<16xf32>, vector<16xf32>, vector<16xf32>
        }
        %scan3A_118 = arith.constant 2 : i32
        %min3A = arith.minimumf %scan3A_117#0, %scan3A_117#1 : vector<16xf32>
        %min3A_119 = arith.minimumf %min3A, %scan3A_117#2 : vector<16xf32>
        %min3A_120 = arith.minimumf %min3A_119, %scan3A_117#3 : vector<16xf32>
        %min3A_121 = arith.minimumf %min3A_120, %scan3A_117#4 : vector<16xf32>
        %min3A_122 = arith.minimumf %min3A_121, %scan3A_117#5 : vector<16xf32>
        %min3A_123 = arith.minimumf %min3A_122, %scan3A_117#6 : vector<16xf32>
        %min3A_124 = arith.minimumf %min3A_123, %scan3A_117#7 : vector<16xf32>
        %lt3A_125 = arith.cmpf olt, %min3A_124, %scan3A_110 : vector<16xf32>
        %reduce_or3A = arith.constant 1.000000e+00 : f32
        %reduce_or3A_126 = arith.constant 0.000000e+00 : f32
        %reduce_or3A_127 = vector.broadcast %reduce_or3A : f32 to vector<16xf32>
        %reduce_or3A_128 = vector.broadcast %reduce_or3A_126 : f32 to vector<16xf32>
        %reduce_or3A_129 = arith.select %lt3A_125, %reduce_or3A_127, %reduce_or3A_128 : vector<16xi1>, vector<16xf32>
        %reduce_or3A_130 = arith.constant true
        %reduce_or3A_131 = vector.broadcast %reduce_or3A_130 : i1 to vector<16xi1>
        %reduce_or3A_132 = tpu.scan <max>, %reduce_or3A_129 masked %reduce_or3A_131 : vector<16xf32>, vector<16xi1> -> vector<16xf32>
        %reduce_or3A_133 = vector.extract %reduce_or3A_132[15] : f32 from vector<16xf32>
        %reduce_or3A_134 = arith.constant 0.000000e+00 : f32
        %reduce_or3A_135 = arith.cmpf ogt, %reduce_or3A_133, %reduce_or3A_134 : f32
        %convert_element_type3A_136 = arith.extui %reduce_or3A_135 : i1 to i32
        %cond3A_137 = arith.constant 0 : i32
        %cond3A_138 = arith.cmpi ne, %convert_element_type3A_136, %cond3A_137 : i32
        %cond3A_139:5 = scf.if %cond3A_138 -> (vector<16xf32>, vector<16xf32>, vector<16xf32>, vector<16xf32>, vector<16xf32>) {
          %add3A_140 = arith.constant 0 : i32
          %add3A_141 = arith.addi %multiple_of3A, %add3A_140 : i32
          %get3A = arith.index_cast %add3A_141 : i32 to index
          %get3A_142 = tpu.vector_load %arg5[%get3A] {strides = array<i32>} : memref<32768xf32, #tpu.memory_space<vmem>>, vector<16xf32>,
          %min3A_143 = arith.minimumf %scan3A_106, %get3A_142 : vector<16xf32>
          %max3A = arith.maximumf %scan3A_106, %get3A_142 : vector<16xf32>
          %min3A_144 = arith.minimumf %scan3A_107, %max3A : vector<16xf32>
          %max3A_145 = arith.maximumf %scan3A_107, %max3A : vector<16xf32>
          %min3A_146 = arith.minimumf %scan3A_108, %max3A_145 : vector<16xf32>
          %max3A_147 = arith.maximumf %scan3A_108, %max3A_145 : vector<16xf32>
          %min3A_148 = arith.minimumf %scan3A_109, %max3A_147 : vector<16xf32>
          %max3A_149 = arith.maximumf %scan3A_109, %max3A_147 : vector<16xf32>
          %min3A_150 = arith.minimumf %scan3A_110, %max3A_149 : vector<16xf32>
          %max3A_151 = arith.maximumf %scan3A_110, %max3A_149 : vector<16xf32>
          %add3A_152 = arith.constant 16 : i32
          %add3A_153 = arith.addi %multiple_of3A, %add3A_152 : i32
          %get3A_154 = arith.index_cast %add3A_153 : i32 to index
          %get3A_155 = tpu.vector_load %arg5[%get3A_154] {strides = array<i32>} : memref<32768xf32, #tpu.memory_space<vmem>>, vector<16xf32>,
          %min3A_156 = arith.minimumf %min3A_143, %get3A_155 : vector<16xf32>
          %max3A_157 = arith.maximumf %min3A_143, %get3A_155 : vector<16xf32>
          %min3A_158 = arith.minimumf %min3A_144, %max3A_157 : vector<16xf32>
          %max3A_159 = arith.maximumf %min3A_144, %max3A_157 : vector<16xf32>
          %min3A_160 = arith.minimumf %min3A_146, %max3A_159 : vector<16xf32>
          %max3A_161 = arith.maximumf %min3A_146, %max3A_159 : vector<16xf32>
          %min3A_162 = arith.minimumf %min3A_148, %max3A_161 : vector<16xf32>
          %max3A_163 = arith.maximumf %min3A_148, %max3A_161 : vector<16xf32>
          %min3A_164 = arith.minimumf %min3A_150, %max3A_163 : vector<16xf32>
          %max3A_165 = arith.maximumf %min3A_150, %max3A_163 : vector<16xf32>
          %add3A_166 = arith.constant 32 : i32
          %add3A_167 = arith.addi %multiple_of3A, %add3A_166 : i32
          %get3A_168 = arith.index_cast %add3A_167 : i32 to index
          %get3A_169 = tpu.vector_load %arg5[%get3A_168] {strides = array<i32>} : memref<32768xf32, #tpu.memory_space<vmem>>, vector<16xf32>,
          %min3A_170 = arith.minimumf %min3A_156, %get3A_169 : vector<16xf32>
          %max3A_171 = arith.maximumf %min3A_156, %get3A_169 : vector<16xf32>
          %min3A_172 = arith.minimumf %min3A_158, %max3A_171 : vector<16xf32>
          %max3A_173 = arith.maximumf %min3A_158, %max3A_171 : vector<16xf32>
          %min3A_174 = arith.minimumf %min3A_160, %max3A_173 : vector<16xf32>
          %max3A_175 = arith.maximumf %min3A_160, %max3A_173 : vector<16xf32>
          %min3A_176 = arith.minimumf %min3A_162, %max3A_175 : vector<16xf32>
          %max3A_177 = arith.maximumf %min3A_162, %max3A_175 : vector<16xf32>
          %min3A_178 = arith.minimumf %min3A_164, %max3A_177 : vector<16xf32>
          %max3A_179 = arith.maximumf %min3A_164, %max3A_177 : vector<16xf32>
          %add3A_180 = arith.constant 48 : i32
          %add3A_181 = arith.addi %multiple_of3A, %add3A_180 : i32
          %get3A_182 = arith.index_cast %add3A_181 : i32 to index
          %get3A_183 = tpu.vector_load %arg5[%get3A_182] {strides = array<i32>} : memref<32768xf32, #tpu.memory_space<vmem>>, vector<16xf32>,
          %min3A_184 = arith.minimumf %min3A_170, %get3A_183 : vector<16xf32>
          %max3A_185 = arith.maximumf %min3A_170, %get3A_183 : vector<16xf32>
          %min3A_186 = arith.minimumf %min3A_172, %max3A_185 : vector<16xf32>
          %max3A_187 = arith.maximumf %min3A_172, %max3A_185 : vector<16xf32>
          %min3A_188 = arith.minimumf %min3A_174, %max3A_187 : vector<16xf32>
          %max3A_189 = arith.maximumf %min3A_174, %max3A_187 : vector<16xf32>
          %min3A_190 = arith.minimumf %min3A_176, %max3A_189 : vector<16xf32>
          %max3A_191 = arith.maximumf %min3A_176, %max3A_189 : vector<16xf32>
          %min3A_192 = arith.minimumf %min3A_178, %max3A_191 : vector<16xf32>
          %max3A_193 = arith.maximumf %min3A_178, %max3A_191 : vector<16xf32>
          %add3A_194 = arith.constant 64 : i32
          %add3A_195 = arith.addi %multiple_of3A, %add3A_194 : i32
          %get3A_196 = arith.index_cast %add3A_195 : i32 to index
          %get3A_197 = tpu.vector_load %arg5[%get3A_196] {strides = array<i32>} : memref<32768xf32, #tpu.memory_space<vmem>>, vector<16xf32>,
          %min3A_198 = arith.minimumf %min3A_184, %get3A_197 : vector<16xf32>
          %max3A_199 = arith.maximumf %min3A_184, %get3A_197 : vector<16xf32>
          %min3A_200 = arith.minimumf %min3A_186, %max3A_199 : vector<16xf32>
          %max3A_201 = arith.maximumf %min3A_186, %max3A_199 : vector<16xf32>
          %min3A_202 = arith.minimumf %min3A_188, %max3A_201 : vector<16xf32>
          %max3A_203 = arith.maximumf %min3A_188, %max3A_201 : vector<16xf32>
          %min3A_204 = arith.minimumf %min3A_190, %max3A_203 : vector<16xf32>
          %max3A_205 = arith.maximumf %min3A_190, %max3A_203 : vector<16xf32>
          %min3A_206 = arith.minimumf %min3A_192, %max3A_205 : vector<16xf32>
          %max3A_207 = arith.maximumf %min3A_192, %max3A_205 : vector<16xf32>
          %add3A_208 = arith.constant 80 : i32
          %add3A_209 = arith.addi %multiple_of3A, %add3A_208 : i32
          %get3A_210 = arith.index_cast %add3A_209 : i32 to index
          %get3A_211 = tpu.vector_load %arg5[%get3A_210] {strides = array<i32>} : memref<32768xf32, #tpu.memory_space<vmem>>, vector<16xf32>,
          %min3A_212 = arith.minimumf %min3A_198, %get3A_211 : vector<16xf32>
          %max3A_213 = arith.maximumf %min3A_198, %get3A_211 : vector<16xf32>
          %min3A_214 = arith.minimumf %min3A_200, %max3A_213 : vector<16xf32>
          %max3A_215 = arith.maximumf %min3A_200, %max3A_213 : vector<16xf32>
          %min3A_216 = arith.minimumf %min3A_202, %max3A_215 : vector<16xf32>
          %max3A_217 = arith.maximumf %min3A_202, %max3A_215 : vector<16xf32>
          %min3A_218 = arith.minimumf %min3A_204, %max3A_217 : vector<16xf32>
          %max3A_219 = arith.maximumf %min3A_204, %max3A_217 : vector<16xf32>
          %min3A_220 = arith.minimumf %min3A_206, %max3A_219 : vector<16xf32>
          %max3A_221 = arith.maximumf %min3A_206, %max3A_219 : vector<16xf32>
          %add3A_222 = arith.constant 96 : i32
          %add3A_223 = arith.addi %multiple_of3A, %add3A_222 : i32
          %get3A_224 = arith.index_cast %add3A_223 : i32 to index
          %get3A_225 = tpu.vector_load %arg5[%get3A_224] {strides = array<i32>} : memref<32768xf32, #tpu.memory_space<vmem>>, vector<16xf32>,
          %min3A_226 = arith.minimumf %min3A_212, %get3A_225 : vector<16xf32>
          %max3A_227 = arith.maximumf %min3A_212, %get3A_225 : vector<16xf32>
          %min3A_228 = arith.minimumf %min3A_214, %max3A_227 : vector<16xf32>
          %max3A_229 = arith.maximumf %min3A_214, %max3A_227 : vector<16xf32>
          %min3A_230 = arith.minimumf %min3A_216, %max3A_229 : vector<16xf32>
          %max3A_231 = arith.maximumf %min3A_216, %max3A_229 : vector<16xf32>
          %min3A_232 = arith.minimumf %min3A_218, %max3A_231 : vector<16xf32>
          %max3A_233 = arith.maximumf %min3A_218, %max3A_231 : vector<16xf32>
          %min3A_234 = arith.minimumf %min3A_220, %max3A_233 : vector<16xf32>
          %max3A_235 = arith.maximumf %min3A_220, %max3A_233 : vector<16xf32>
          %add3A_236 = arith.constant 112 : i32
          %add3A_237 = arith.addi %multiple_of3A, %add3A_236 : i32
          %get3A_238 = arith.index_cast %add3A_237 : i32 to index
          %get3A_239 = tpu.vector_load %arg5[%get3A_238] {strides = array<i32>} : memref<32768xf32, #tpu.memory_space<vmem>>, vector<16xf32>,
          %min3A_240 = arith.minimumf %min3A_226, %get3A_239 : vector<16xf32>
          %max3A_241 = arith.maximumf %min3A_226, %get3A_239 : vector<16xf32>
          %min3A_242 = arith.minimumf %min3A_228, %max3A_241 : vector<16xf32>
          %max3A_243 = arith.maximumf %min3A_228, %max3A_241 : vector<16xf32>
          %min3A_244 = arith.minimumf %min3A_230, %max3A_243 : vector<16xf32>
          %max3A_245 = arith.maximumf %min3A_230, %max3A_243 : vector<16xf32>
          %min3A_246 = arith.minimumf %min3A_232, %max3A_245 : vector<16xf32>
          %max3A_247 = arith.maximumf %min3A_232, %max3A_245 : vector<16xf32>
          %min3A_248 = arith.minimumf %min3A_234, %max3A_247 : vector<16xf32>
          %max3A_249 = arith.maximumf %min3A_234, %max3A_247 : vector<16xf32>
          %add3A_250 = arith.constant 128 : i32
          %add3A_251 = arith.addi %multiple_of3A, %add3A_250 : i32
          %get3A_252 = arith.index_cast %add3A_251 : i32 to index
          %get3A_253 = tpu.vector_load %arg5[%get3A_252] {strides = array<i32>} : memref<32768xf32, #tpu.memory_space<vmem>>, vector<16xf32>,
          %min3A_254 = arith.minimumf %min3A_240, %get3A_253 : vector<16xf32>
          %max3A_255 = arith.maximumf %min3A_240, %get3A_253 : vector<16xf32>
          %min3A_256 = arith.minimumf %min3A_242, %max3A_255 : vector<16xf32>
          %max3A_257 = arith.maximumf %min3A_242, %max3A_255 : vector<16xf32>
          %min3A_258 = arith.minimumf %min3A_244, %max3A_257 : vector<16xf32>
          %max3A_259 = arith.maximumf %min3A_244, %max3A_257 : vector<16xf32>
          %min3A_260 = arith.minimumf %min3A_246, %max3A_259 : vector<16xf32>
          %max3A_261 = arith.maximumf %min3A_246, %max3A_259 : vector<16xf32>
          %min3A_262 = arith.minimumf %min3A_248, %max3A_261 : vector<16xf32>
          %max3A_263 = arith.maximumf %min3A_248, %max3A_261 : vector<16xf32>
          %add3A_264 = arith.constant 144 : i32
          %add3A_265 = arith.addi %multiple_of3A, %add3A_264 : i32
          %get3A_266 = arith.index_cast %add3A_265 : i32 to index
          %get3A_267 = tpu.vector_load %arg5[%get3A_266] {strides = array<i32>} : memref<32768xf32, #tpu.memory_space<vmem>>, vector<16xf32>,
          %min3A_268 = arith.minimumf %min3A_254, %get3A_267 : vector<16xf32>
          %max3A_269 = arith.maximumf %min3A_254, %get3A_267 : vector<16xf32>
          %min3A_270 = arith.minimumf %min3A_256, %max3A_269 : vector<16xf32>
          %max3A_271 = arith.maximumf %min3A_256, %max3A_269 : vector<16xf32>
          %min3A_272 = arith.minimumf %min3A_258, %max3A_271 : vector<16xf32>
          %max3A_273 = arith.maximumf %min3A_258, %max3A_271 : vector<16xf32>
          %min3A_274 = arith.minimumf %min3A_260, %max3A_273 : vector<16xf32>
          %max3A_275 = arith.maximumf %min3A_260, %max3A_273 : vector<16xf32>
          %min3A_276 = arith.minimumf %min3A_262, %max3A_275 : vector<16xf32>
          %max3A_277 = arith.maximumf %min3A_262, %max3A_275 : vector<16xf32>
          %add3A_278 = arith.constant 160 : i32
          %add3A_279 = arith.addi %multiple_of3A, %add3A_278 : i32
          %get3A_280 = arith.index_cast %add3A_279 : i32 to index
          %get3A_281 = tpu.vector_load %arg5[%get3A_280] {strides = array<i32>} : memref<32768xf32, #tpu.memory_space<vmem>>, vector<16xf32>,
          %min3A_282 = arith.minimumf %min3A_268, %get3A_281 : vector<16xf32>
          %max3A_283 = arith.maximumf %min3A_268, %get3A_281 : vector<16xf32>
          %min3A_284 = arith.minimumf %min3A_270, %max3A_283 : vector<16xf32>
          %max3A_285 = arith.maximumf %min3A_270, %max3A_283 : vector<16xf32>
          %min3A_286 = arith.minimumf %min3A_272, %max3A_285 : vector<16xf32>
          %max3A_287 = arith.maximumf %min3A_272, %max3A_285 : vector<16xf32>
          %min3A_288 = arith.minimumf %min3A_274, %max3A_287 : vector<16xf32>
          %max3A_289 = arith.maximumf %min3A_274, %max3A_287 : vector<16xf32>
          %min3A_290 = arith.minimumf %min3A_276, %max3A_289 : vector<16xf32>
          %max3A_291 = arith.maximumf %min3A_276, %max3A_289 : vector<16xf32>
          %add3A_292 = arith.constant 176 : i32
          %add3A_293 = arith.addi %multiple_of3A, %add3A_292 : i32
          %get3A_294 = arith.index_cast %add3A_293 : i32 to index
          %get3A_295 = tpu.vector_load %arg5[%get3A_294] {strides = array<i32>} : memref<32768xf32, #tpu.memory_space<vmem>>, vector<16xf32>,
          %min3A_296 = arith.minimumf %min3A_282, %get3A_295 : vector<16xf32>
          %max3A_297 = arith.maximumf %min3A_282, %get3A_295 : vector<16xf32>
          %min3A_298 = arith.minimumf %min3A_284, %max3A_297 : vector<16xf32>
          %max3A_299 = arith.maximumf %min3A_284, %max3A_297 : vector<16xf32>
          %min3A_300 = arith.minimumf %min3A_286, %max3A_299 : vector<16xf32>
          %max3A_301 = arith.maximumf %min3A_286, %max3A_299 : vector<16xf32>
          %min3A_302 = arith.minimumf %min3A_288, %max3A_301 : vector<16xf32>
          %max3A_303 = arith.maximumf %min3A_288, %max3A_301 : vector<16xf32>
          %min3A_304 = arith.minimumf %min3A_290, %max3A_303 : vector<16xf32>
          %max3A_305 = arith.maximumf %min3A_290, %max3A_303 : vector<16xf32>
          %add3A_306 = arith.constant 192 : i32
          %add3A_307 = arith.addi %multiple_of3A, %add3A_306 : i32
          %get3A_308 = arith.index_cast %add3A_307 : i32 to index
          %get3A_309 = tpu.vector_load %arg5[%get3A_308] {strides = array<i32>} : memref<32768xf32, #tpu.memory_space<vmem>>, vector<16xf32>,
          %min3A_310 = arith.minimumf %min3A_296, %get3A_309 : vector<16xf32>
          %max3A_311 = arith.maximumf %min3A_296, %get3A_309 : vector<16xf32>
          %min3A_312 = arith.minimumf %min3A_298, %max3A_311 : vector<16xf32>
          %max3A_313 = arith.maximumf %min3A_298, %max3A_311 : vector<16xf32>
          %min3A_314 = arith.minimumf %min3A_300, %max3A_313 : vector<16xf32>
          %max3A_315 = arith.maximumf %min3A_300, %max3A_313 : vector<16xf32>
          %min3A_316 = arith.minimumf %min3A_302, %max3A_315 : vector<16xf32>
          %max3A_317 = arith.maximumf %min3A_302, %max3A_315 : vector<16xf32>
          %min3A_318 = arith.minimumf %min3A_304, %max3A_317 : vector<16xf32>
          %max3A_319 = arith.maximumf %min3A_304, %max3A_317 : vector<16xf32>
          %add3A_320 = arith.constant 208 : i32
          %add3A_321 = arith.addi %multiple_of3A, %add3A_320 : i32
          %get3A_322 = arith.index_cast %add3A_321 : i32 to index
          %get3A_323 = tpu.vector_load %arg5[%get3A_322] {strides = array<i32>} : memref<32768xf32, #tpu.memory_space<vmem>>, vector<16xf32>,
          %min3A_324 = arith.minimumf %min3A_310, %get3A_323 : vector<16xf32>
          %max3A_325 = arith.maximumf %min3A_310, %get3A_323 : vector<16xf32>
          %min3A_326 = arith.minimumf %min3A_312, %max3A_325 : vector<16xf32>
          %max3A_327 = arith.maximumf %min3A_312, %max3A_325 : vector<16xf32>
          %min3A_328 = arith.minimumf %min3A_314, %max3A_327 : vector<16xf32>
          %max3A_329 = arith.maximumf %min3A_314, %max3A_327 : vector<16xf32>
          %min3A_330 = arith.minimumf %min3A_316, %max3A_329 : vector<16xf32>
          %max3A_331 = arith.maximumf %min3A_316, %max3A_329 : vector<16xf32>
          %min3A_332 = arith.minimumf %min3A_318, %max3A_331 : vector<16xf32>
          %max3A_333 = arith.maximumf %min3A_318, %max3A_331 : vector<16xf32>
          %add3A_334 = arith.constant 224 : i32
          %add3A_335 = arith.addi %multiple_of3A, %add3A_334 : i32
          %get3A_336 = arith.index_cast %add3A_335 : i32 to index
          %get3A_337 = tpu.vector_load %arg5[%get3A_336] {strides = array<i32>} : memref<32768xf32, #tpu.memory_space<vmem>>, vector<16xf32>,
          %min3A_338 = arith.minimumf %min3A_324, %get3A_337 : vector<16xf32>
          %max3A_339 = arith.maximumf %min3A_324, %get3A_337 : vector<16xf32>
          %min3A_340 = arith.minimumf %min3A_326, %max3A_339 : vector<16xf32>
          %max3A_341 = arith.maximumf %min3A_326, %max3A_339 : vector<16xf32>
          %min3A_342 = arith.minimumf %min3A_328, %max3A_341 : vector<16xf32>
          %max3A_343 = arith.maximumf %min3A_328, %max3A_341 : vector<16xf32>
          %min3A_344 = arith.minimumf %min3A_330, %max3A_343 : vector<16xf32>
          %max3A_345 = arith.maximumf %min3A_330, %max3A_343 : vector<16xf32>
          %min3A_346 = arith.minimumf %min3A_332, %max3A_345 : vector<16xf32>
          %max3A_347 = arith.maximumf %min3A_332, %max3A_345 : vector<16xf32>
          %add3A_348 = arith.constant 240 : i32
          %add3A_349 = arith.addi %multiple_of3A, %add3A_348 : i32
          %get3A_350 = arith.index_cast %add3A_349 : i32 to index
          %get3A_351 = tpu.vector_load %arg5[%get3A_350] {strides = array<i32>} : memref<32768xf32, #tpu.memory_space<vmem>>, vector<16xf32>,
          %min3A_352 = arith.minimumf %min3A_338, %get3A_351 : vector<16xf32>
          %max3A_353 = arith.maximumf %min3A_338, %get3A_351 : vector<16xf32>
          %min3A_354 = arith.minimumf %min3A_340, %max3A_353 : vector<16xf32>
          %max3A_355 = arith.maximumf %min3A_340, %max3A_353 : vector<16xf32>
          %min3A_356 = arith.minimumf %min3A_342, %max3A_355 : vector<16xf32>
          %max3A_357 = arith.maximumf %min3A_342, %max3A_355 : vector<16xf32>
          %min3A_358 = arith.minimumf %min3A_344, %max3A_357 : vector<16xf32>
          %max3A_359 = arith.maximumf %min3A_344, %max3A_357 : vector<16xf32>
          %min3A_360 = arith.minimumf %min3A_346, %max3A_359 : vector<16xf32>
          %max3A_361 = arith.maximumf %min3A_346, %max3A_359 : vector<16xf32>
          %add3A_362 = arith.constant 256 : i32
          %add3A_363 = arith.addi %multiple_of3A, %add3A_362 : i32
          %get3A_364 = arith.index_cast %add3A_363 : i32 to index
          %get3A_365 = tpu.vector_load %arg5[%get3A_364] {strides = array<i32>} : memref<32768xf32, #tpu.memory_space<vmem>>, vector<16xf32>,
          %min3A_366 = arith.minimumf %min3A_352, %get3A_365 : vector<16xf32>
          %max3A_367 = arith.maximumf %min3A_352, %get3A_365 : vector<16xf32>
          %min3A_368 = arith.minimumf %min3A_354, %max3A_367 : vector<16xf32>
          %max3A_369 = arith.maximumf %min3A_354, %max3A_367 : vector<16xf32>
          %min3A_370 = arith.minimumf %min3A_356, %max3A_369 : vector<16xf32>
          %max3A_371 = arith.maximumf %min3A_356, %max3A_369 : vector<16xf32>
          %min3A_372 = arith.minimumf %min3A_358, %max3A_371 : vector<16xf32>
          %max3A_373 = arith.maximumf %min3A_358, %max3A_371 : vector<16xf32>
          %min3A_374 = arith.minimumf %min3A_360, %max3A_373 : vector<16xf32>
          %max3A_375 = arith.maximumf %min3A_360, %max3A_373 : vector<16xf32>
          %add3A_376 = arith.constant 272 : i32
          %add3A_377 = arith.addi %multiple_of3A, %add3A_376 : i32
          %get3A_378 = arith.index_cast %add3A_377 : i32 to index
          %get3A_379 = tpu.vector_load %arg5[%get3A_378] {strides = array<i32>} : memref<32768xf32, #tpu.memory_space<vmem>>, vector<16xf32>,
          %min3A_380 = arith.minimumf %min3A_366, %get3A_379 : vector<16xf32>
          %max3A_381 = arith.maximumf %min3A_366, %get3A_379 : vector<16xf32>
          %min3A_382 = arith.minimumf %min3A_368, %max3A_381 : vector<16xf32>
          %max3A_383 = arith.maximumf %min3A_368, %max3A_381 : vector<16xf32>
          %min3A_384 = arith.minimumf %min3A_370, %max3A_383 : vector<16xf32>
          %max3A_385 = arith.maximumf %min3A_370, %max3A_383 : vector<16xf32>
          %min3A_386 = arith.minimumf %min3A_372, %max3A_385 : vector<16xf32>
          %max3A_387 = arith.maximumf %min3A_372, %max3A_385 : vector<16xf32>
          %min3A_388 = arith.minimumf %min3A_374, %max3A_387 : vector<16xf32>
          %max3A_389 = arith.maximumf %min3A_374, %max3A_387 : vector<16xf32>
          %add3A_390 = arith.constant 288 : i32
          %add3A_391 = arith.addi %multiple_of3A, %add3A_390 : i32
          %get3A_392 = arith.index_cast %add3A_391 : i32 to index
          %get3A_393 = tpu.vector_load %arg5[%get3A_392] {strides = array<i32>} : memref<32768xf32, #tpu.memory_space<vmem>>, vector<16xf32>,
          %min3A_394 = arith.minimumf %min3A_380, %get3A_393 : vector<16xf32>
          %max3A_395 = arith.maximumf %min3A_380, %get3A_393 : vector<16xf32>
          %min3A_396 = arith.minimumf %min3A_382, %max3A_395 : vector<16xf32>
          %max3A_397 = arith.maximumf %min3A_382, %max3A_395 : vector<16xf32>
          %min3A_398 = arith.minimumf %min3A_384, %max3A_397 : vector<16xf32>
          %max3A_399 = arith.maximumf %min3A_384, %max3A_397 : vector<16xf32>
          %min3A_400 = arith.minimumf %min3A_386, %max3A_399 : vector<16xf32>
          %max3A_401 = arith.maximumf %min3A_386, %max3A_399 : vector<16xf32>
          %min3A_402 = arith.minimumf %min3A_388, %max3A_401 : vector<16xf32>
          %max3A_403 = arith.maximumf %min3A_388, %max3A_401 : vector<16xf32>
          %add3A_404 = arith.constant 304 : i32
          %add3A_405 = arith.addi %multiple_of3A, %add3A_404 : i32
          %get3A_406 = arith.index_cast %add3A_405 : i32 to index
          %get3A_407 = tpu.vector_load %arg5[%get3A_406] {strides = array<i32>} : memref<32768xf32, #tpu.memory_space<vmem>>, vector<16xf32>,
          %min3A_408 = arith.minimumf %min3A_394, %get3A_407 : vector<16xf32>
          %max3A_409 = arith.maximumf %min3A_394, %get3A_407 : vector<16xf32>
          %min3A_410 = arith.minimumf %min3A_396, %max3A_409 : vector<16xf32>
          %max3A_411 = arith.maximumf %min3A_396, %max3A_409 : vector<16xf32>
          %min3A_412 = arith.minimumf %min3A_398, %max3A_411 : vector<16xf32>
          %max3A_413 = arith.maximumf %min3A_398, %max3A_411 : vector<16xf32>
          %min3A_414 = arith.minimumf %min3A_400, %max3A_413 : vector<16xf32>
          %max3A_415 = arith.maximumf %min3A_400, %max3A_413 : vector<16xf32>
          %min3A_416 = arith.minimumf %min3A_402, %max3A_415 : vector<16xf32>
          %max3A_417 = arith.maximumf %min3A_402, %max3A_415 : vector<16xf32>
          %add3A_418 = arith.constant 320 : i32
          %add3A_419 = arith.addi %multiple_of3A, %add3A_418 : i32
          %get3A_420 = arith.index_cast %add3A_419 : i32 to index
          %get3A_421 = tpu.vector_load %arg5[%get3A_420] {strides = array<i32>} : memref<32768xf32, #tpu.memory_space<vmem>>, vector<16xf32>,
          %min3A_422 = arith.minimumf %min3A_408, %get3A_421 : vector<16xf32>
          %max3A_423 = arith.maximumf %min3A_408, %get3A_421 : vector<16xf32>
          %min3A_424 = arith.minimumf %min3A_410, %max3A_423 : vector<16xf32>
          %max3A_425 = arith.maximumf %min3A_410, %max3A_423 : vector<16xf32>
          %min3A_426 = arith.minimumf %min3A_412, %max3A_425 : vector<16xf32>
          %max3A_427 = arith.maximumf %min3A_412, %max3A_425 : vector<16xf32>
          %min3A_428 = arith.minimumf %min3A_414, %max3A_427 : vector<16xf32>
          %max3A_429 = arith.maximumf %min3A_414, %max3A_427 : vector<16xf32>
          %min3A_430 = arith.minimumf %min3A_416, %max3A_429 : vector<16xf32>
          %max3A_431 = arith.maximumf %min3A_416, %max3A_429 : vector<16xf32>
          %add3A_432 = arith.constant 336 : i32
          %add3A_433 = arith.addi %multiple_of3A, %add3A_432 : i32
          %get3A_434 = arith.index_cast %add3A_433 : i32 to index
          %get3A_435 = tpu.vector_load %arg5[%get3A_434] {strides = array<i32>} : memref<32768xf32, #tpu.memory_space<vmem>>, vector<16xf32>,
          %min3A_436 = arith.minimumf %min3A_422, %get3A_435 : vector<16xf32>
          %max3A_437 = arith.maximumf %min3A_422, %get3A_435 : vector<16xf32>
          %min3A_438 = arith.minimumf %min3A_424, %max3A_437 : vector<16xf32>
          %max3A_439 = arith.maximumf %min3A_424, %max3A_437 : vector<16xf32>
          %min3A_440 = arith.minimumf %min3A_426, %max3A_439 : vector<16xf32>
          %max3A_441 = arith.maximumf %min3A_426, %max3A_439 : vector<16xf32>
          %min3A_442 = arith.minimumf %min3A_428, %max3A_441 : vector<16xf32>
          %max3A_443 = arith.maximumf %min3A_428, %max3A_441 : vector<16xf32>
          %min3A_444 = arith.minimumf %min3A_430, %max3A_443 : vector<16xf32>
          %max3A_445 = arith.maximumf %min3A_430, %max3A_443 : vector<16xf32>
          %add3A_446 = arith.constant 352 : i32
          %add3A_447 = arith.addi %multiple_of3A, %add3A_446 : i32
          %get3A_448 = arith.index_cast %add3A_447 : i32 to index
          %get3A_449 = tpu.vector_load %arg5[%get3A_448] {strides = array<i32>} : memref<32768xf32, #tpu.memory_space<vmem>>, vector<16xf32>,
          %min3A_450 = arith.minimumf %min3A_436, %get3A_449 : vector<16xf32>
          %max3A_451 = arith.maximumf %min3A_436, %get3A_449 : vector<16xf32>
          %min3A_452 = arith.minimumf %min3A_438, %max3A_451 : vector<16xf32>
          %max3A_453 = arith.maximumf %min3A_438, %max3A_451 : vector<16xf32>
          %min3A_454 = arith.minimumf %min3A_440, %max3A_453 : vector<16xf32>
          %max3A_455 = arith.maximumf %min3A_440, %max3A_453 : vector<16xf32>
          %min3A_456 = arith.minimumf %min3A_442, %max3A_455 : vector<16xf32>
          %max3A_457 = arith.maximumf %min3A_442, %max3A_455 : vector<16xf32>
          %min3A_458 = arith.minimumf %min3A_444, %max3A_457 : vector<16xf32>
          %max3A_459 = arith.maximumf %min3A_444, %max3A_457 : vector<16xf32>
          %add3A_460 = arith.constant 368 : i32
          %add3A_461 = arith.addi %multiple_of3A, %add3A_460 : i32
          %get3A_462 = arith.index_cast %add3A_461 : i32 to index
          %get3A_463 = tpu.vector_load %arg5[%get3A_462] {strides = array<i32>} : memref<32768xf32, #tpu.memory_space<vmem>>, vector<16xf32>,
          %min3A_464 = arith.minimumf %min3A_450, %get3A_463 : vector<16xf32>
          %max3A_465 = arith.maximumf %min3A_450, %get3A_463 : vector<16xf32>
          %min3A_466 = arith.minimumf %min3A_452, %max3A_465 : vector<16xf32>
          %max3A_467 = arith.maximumf %min3A_452, %max3A_465 : vector<16xf32>
          %min3A_468 = arith.minimumf %min3A_454, %max3A_467 : vector<16xf32>
          %max3A_469 = arith.maximumf %min3A_454, %max3A_467 : vector<16xf32>
          %min3A_470 = arith.minimumf %min3A_456, %max3A_469 : vector<16xf32>
          %max3A_471 = arith.maximumf %min3A_456, %max3A_469 : vector<16xf32>
          %min3A_472 = arith.minimumf %min3A_458, %max3A_471 : vector<16xf32>
          %max3A_473 = arith.maximumf %min3A_458, %max3A_471 : vector<16xf32>
          %add3A_474 = arith.constant 384 : i32
          %add3A_475 = arith.addi %multiple_of3A, %add3A_474 : i32
          %get3A_476 = arith.index_cast %add3A_475 : i32 to index
          %get3A_477 = tpu.vector_load %arg5[%get3A_476] {strides = array<i32>} : memref<32768xf32, #tpu.memory_space<vmem>>, vector<16xf32>,
          %min3A_478 = arith.minimumf %min3A_464, %get3A_477 : vector<16xf32>
          %max3A_479 = arith.maximumf %min3A_464, %get3A_477 : vector<16xf32>
          %min3A_480 = arith.minimumf %min3A_466, %max3A_479 : vector<16xf32>
          %max3A_481 = arith.maximumf %min3A_466, %max3A_479 : vector<16xf32>
          %min3A_482 = arith.minimumf %min3A_468, %max3A_481 : vector<16xf32>
          %max3A_483 = arith.maximumf %min3A_468, %max3A_481 : vector<16xf32>
          %min3A_484 = arith.minimumf %min3A_470, %max3A_483 : vector<16xf32>
          %max3A_485 = arith.maximumf %min3A_470, %max3A_483 : vector<16xf32>
          %min3A_486 = arith.minimumf %min3A_472, %max3A_485 : vector<16xf32>
          %max3A_487 = arith.maximumf %min3A_472, %max3A_485 : vector<16xf32>
          %add3A_488 = arith.constant 400 : i32
          %add3A_489 = arith.addi %multiple_of3A, %add3A_488 : i32
          %get3A_490 = arith.index_cast %add3A_489 : i32 to index
          %get3A_491 = tpu.vector_load %arg5[%get3A_490] {strides = array<i32>} : memref<32768xf32, #tpu.memory_space<vmem>>, vector<16xf32>,
          %min3A_492 = arith.minimumf %min3A_478, %get3A_491 : vector<16xf32>
          %max3A_493 = arith.maximumf %min3A_478, %get3A_491 : vector<16xf32>
          %min3A_494 = arith.minimumf %min3A_480, %max3A_493 : vector<16xf32>
          %max3A_495 = arith.maximumf %min3A_480, %max3A_493 : vector<16xf32>
          %min3A_496 = arith.minimumf %min3A_482, %max3A_495 : vector<16xf32>
          %max3A_497 = arith.maximumf %min3A_482, %max3A_495 : vector<16xf32>
          %min3A_498 = arith.minimumf %min3A_484, %max3A_497 : vector<16xf32>
          %max3A_499 = arith.maximumf %min3A_484, %max3A_497 : vector<16xf32>
          %min3A_500 = arith.minimumf %min3A_486, %max3A_499 : vector<16xf32>
          %max3A_501 = arith.maximumf %min3A_486, %max3A_499 : vector<16xf32>
          %add3A_502 = arith.constant 416 : i32
          %add3A_503 = arith.addi %multiple_of3A, %add3A_502 : i32
          %get3A_504 = arith.index_cast %add3A_503 : i32 to index
          %get3A_505 = tpu.vector_load %arg5[%get3A_504] {strides = array<i32>} : memref<32768xf32, #tpu.memory_space<vmem>>, vector<16xf32>,
          %min3A_506 = arith.minimumf %min3A_492, %get3A_505 : vector<16xf32>
          %max3A_507 = arith.maximumf %min3A_492, %get3A_505 : vector<16xf32>
          %min3A_508 = arith.minimumf %min3A_494, %max3A_507 : vector<16xf32>
          %max3A_509 = arith.maximumf %min3A_494, %max3A_507 : vector<16xf32>
          %min3A_510 = arith.minimumf %min3A_496, %max3A_509 : vector<16xf32>
          %max3A_511 = arith.maximumf %min3A_496, %max3A_509 : vector<16xf32>
          %min3A_512 = arith.minimumf %min3A_498, %max3A_511 : vector<16xf32>
          %max3A_513 = arith.maximumf %min3A_498, %max3A_511 : vector<16xf32>
          %min3A_514 = arith.minimumf %min3A_500, %max3A_513 : vector<16xf32>
          %max3A_515 = arith.maximumf %min3A_500, %max3A_513 : vector<16xf32>
          %add3A_516 = arith.constant 432 : i32
          %add3A_517 = arith.addi %multiple_of3A, %add3A_516 : i32
          %get3A_518 = arith.index_cast %add3A_517 : i32 to index
          %get3A_519 = tpu.vector_load %arg5[%get3A_518] {strides = array<i32>} : memref<32768xf32, #tpu.memory_space<vmem>>, vector<16xf32>,
          %min3A_520 = arith.minimumf %min3A_506, %get3A_519 : vector<16xf32>
          %max3A_521 = arith.maximumf %min3A_506, %get3A_519 : vector<16xf32>
          %min3A_522 = arith.minimumf %min3A_508, %max3A_521 : vector<16xf32>
          %max3A_523 = arith.maximumf %min3A_508, %max3A_521 : vector<16xf32>
          %min3A_524 = arith.minimumf %min3A_510, %max3A_523 : vector<16xf32>
          %max3A_525 = arith.maximumf %min3A_510, %max3A_523 : vector<16xf32>
          %min3A_526 = arith.minimumf %min3A_512, %max3A_525 : vector<16xf32>
          %max3A_527 = arith.maximumf %min3A_512, %max3A_525 : vector<16xf32>
          %min3A_528 = arith.minimumf %min3A_514, %max3A_527 : vector<16xf32>
          %max3A_529 = arith.maximumf %min3A_514, %max3A_527 : vector<16xf32>
          %add3A_530 = arith.constant 448 : i32
          %add3A_531 = arith.addi %multiple_of3A, %add3A_530 : i32
          %get3A_532 = arith.index_cast %add3A_531 : i32 to index
          %get3A_533 = tpu.vector_load %arg5[%get3A_532] {strides = array<i32>} : memref<32768xf32, #tpu.memory_space<vmem>>, vector<16xf32>,
          %min3A_534 = arith.minimumf %min3A_520, %get3A_533 : vector<16xf32>
          %max3A_535 = arith.maximumf %min3A_520, %get3A_533 : vector<16xf32>
          %min3A_536 = arith.minimumf %min3A_522, %max3A_535 : vector<16xf32>
          %max3A_537 = arith.maximumf %min3A_522, %max3A_535 : vector<16xf32>
          %min3A_538 = arith.minimumf %min3A_524, %max3A_537 : vector<16xf32>
          %max3A_539 = arith.maximumf %min3A_524, %max3A_537 : vector<16xf32>
          %min3A_540 = arith.minimumf %min3A_526, %max3A_539 : vector<16xf32>
          %max3A_541 = arith.maximumf %min3A_526, %max3A_539 : vector<16xf32>
          %min3A_542 = arith.minimumf %min3A_528, %max3A_541 : vector<16xf32>
          %max3A_543 = arith.maximumf %min3A_528, %max3A_541 : vector<16xf32>
          %add3A_544 = arith.constant 464 : i32
          %add3A_545 = arith.addi %multiple_of3A, %add3A_544 : i32
          %get3A_546 = arith.index_cast %add3A_545 : i32 to index
          %get3A_547 = tpu.vector_load %arg5[%get3A_546] {strides = array<i32>} : memref<32768xf32, #tpu.memory_space<vmem>>, vector<16xf32>,
          %min3A_548 = arith.minimumf %min3A_534, %get3A_547 : vector<16xf32>
          %max3A_549 = arith.maximumf %min3A_534, %get3A_547 : vector<16xf32>
          %min3A_550 = arith.minimumf %min3A_536, %max3A_549 : vector<16xf32>
          %max3A_551 = arith.maximumf %min3A_536, %max3A_549 : vector<16xf32>
          %min3A_552 = arith.minimumf %min3A_538, %max3A_551 : vector<16xf32>
          %max3A_553 = arith.maximumf %min3A_538, %max3A_551 : vector<16xf32>
          %min3A_554 = arith.minimumf %min3A_540, %max3A_553 : vector<16xf32>
          %max3A_555 = arith.maximumf %min3A_540, %max3A_553 : vector<16xf32>
          %min3A_556 = arith.minimumf %min3A_542, %max3A_555 : vector<16xf32>
          %max3A_557 = arith.maximumf %min3A_542, %max3A_555 : vector<16xf32>
          %add3A_558 = arith.constant 480 : i32
          %add3A_559 = arith.addi %multiple_of3A, %add3A_558 : i32
          %get3A_560 = arith.index_cast %add3A_559 : i32 to index
          %get3A_561 = tpu.vector_load %arg5[%get3A_560] {strides = array<i32>} : memref<32768xf32, #tpu.memory_space<vmem>>, vector<16xf32>,
          %min3A_562 = arith.minimumf %min3A_548, %get3A_561 : vector<16xf32>
          %max3A_563 = arith.maximumf %min3A_548, %get3A_561 : vector<16xf32>
          %min3A_564 = arith.minimumf %min3A_550, %max3A_563 : vector<16xf32>
          %max3A_565 = arith.maximumf %min3A_550, %max3A_563 : vector<16xf32>
          %min3A_566 = arith.minimumf %min3A_552, %max3A_565 : vector<16xf32>
          %max3A_567 = arith.maximumf %min3A_552, %max3A_565 : vector<16xf32>
          %min3A_568 = arith.minimumf %min3A_554, %max3A_567 : vector<16xf32>
          %max3A_569 = arith.maximumf %min3A_554, %max3A_567 : vector<16xf32>
          %min3A_570 = arith.minimumf %min3A_556, %max3A_569 : vector<16xf32>
          %max3A_571 = arith.maximumf %min3A_556, %max3A_569 : vector<16xf32>
          %add3A_572 = arith.constant 496 : i32
          %add3A_573 = arith.addi %multiple_of3A, %add3A_572 : i32
          %get3A_574 = arith.index_cast %add3A_573 : i32 to index
          %get3A_575 = tpu.vector_load %arg5[%get3A_574] {strides = array<i32>} : memref<32768xf32, #tpu.memory_space<vmem>>, vector<16xf32>,
          %min3A_576 = arith.minimumf %min3A_562, %get3A_575 : vector<16xf32>
          %max3A_577 = arith.maximumf %min3A_562, %get3A_575 : vector<16xf32>
          %min3A_578 = arith.minimumf %min3A_564, %max3A_577 : vector<16xf32>
          %max3A_579 = arith.maximumf %min3A_564, %max3A_577 : vector<16xf32>
          %min3A_580 = arith.minimumf %min3A_566, %max3A_579 : vector<16xf32>
          %max3A_581 = arith.maximumf %min3A_566, %max3A_579 : vector<16xf32>
          %min3A_582 = arith.minimumf %min3A_568, %max3A_581 : vector<16xf32>
          %max3A_583 = arith.maximumf %min3A_568, %max3A_581 : vector<16xf32>
          %min3A_584 = arith.minimumf %min3A_570, %max3A_583 : vector<16xf32>
          %max3A_585 = arith.maximumf %min3A_570, %max3A_583 : vector<16xf32>
          %add3A_586 = arith.constant 512 : i32
          %add3A_587 = arith.addi %multiple_of3A, %add3A_586 : i32
          %get3A_588 = arith.index_cast %add3A_587 : i32 to index
          %get3A_589 = tpu.vector_load %arg5[%get3A_588] {strides = array<i32>} : memref<32768xf32, #tpu.memory_space<vmem>>, vector<16xf32>,
          %min3A_590 = arith.minimumf %min3A_576, %get3A_589 : vector<16xf32>
          %max3A_591 = arith.maximumf %min3A_576, %get3A_589 : vector<16xf32>
          %min3A_592 = arith.minimumf %min3A_578, %max3A_591 : vector<16xf32>
          %max3A_593 = arith.maximumf %min3A_578, %max3A_591 : vector<16xf32>
          %min3A_594 = arith.minimumf %min3A_580, %max3A_593 : vector<16xf32>
          %max3A_595 = arith.maximumf %min3A_580, %max3A_593 : vector<16xf32>
          %min3A_596 = arith.minimumf %min3A_582, %max3A_595 : vector<16xf32>
          %max3A_597 = arith.maximumf %min3A_582, %max3A_595 : vector<16xf32>
          %min3A_598 = arith.minimumf %min3A_584, %max3A_597 : vector<16xf32>
          %max3A_599 = arith.maximumf %min3A_584, %max3A_597 : vector<16xf32>
          %add3A_600 = arith.constant 528 : i32
          %add3A_601 = arith.addi %multiple_of3A, %add3A_600 : i32
          %get3A_602 = arith.index_cast %add3A_601 : i32 to index
          %get3A_603 = tpu.vector_load %arg5[%get3A_602] {strides = array<i32>} : memref<32768xf32, #tpu.memory_space<vmem>>, vector<16xf32>,
          %min3A_604 = arith.minimumf %min3A_590, %get3A_603 : vector<16xf32>
          %max3A_605 = arith.maximumf %min3A_590, %get3A_603 : vector<16xf32>
          %min3A_606 = arith.minimumf %min3A_592, %max3A_605 : vector<16xf32>
          %max3A_607 = arith.maximumf %min3A_592, %max3A_605 : vector<16xf32>
          %min3A_608 = arith.minimumf %min3A_594, %max3A_607 : vector<16xf32>
          %max3A_609 = arith.maximumf %min3A_594, %max3A_607 : vector<16xf32>
          %min3A_610 = arith.minimumf %min3A_596, %max3A_609 : vector<16xf32>
          %max3A_611 = arith.maximumf %min3A_596, %max3A_609 : vector<16xf32>
          %min3A_612 = arith.minimumf %min3A_598, %max3A_611 : vector<16xf32>
          %max3A_613 = arith.maximumf %min3A_598, %max3A_611 : vector<16xf32>
          %add3A_614 = arith.constant 544 : i32
          %add3A_615 = arith.addi %multiple_of3A, %add3A_614 : i32
          %get3A_616 = arith.index_cast %add3A_615 : i32 to index
          %get3A_617 = tpu.vector_load %arg5[%get3A_616] {strides = array<i32>} : memref<32768xf32, #tpu.memory_space<vmem>>, vector<16xf32>,
          %min3A_618 = arith.minimumf %min3A_604, %get3A_617 : vector<16xf32>
          %max3A_619 = arith.maximumf %min3A_604, %get3A_617 : vector<16xf32>
          %min3A_620 = arith.minimumf %min3A_606, %max3A_619 : vector<16xf32>
          %max3A_621 = arith.maximumf %min3A_606, %max3A_619 : vector<16xf32>
          %min3A_622 = arith.minimumf %min3A_608, %max3A_621 : vector<16xf32>
          %max3A_623 = arith.maximumf %min3A_608, %max3A_621 : vector<16xf32>
          %min3A_624 = arith.minimumf %min3A_610, %max3A_623 : vector<16xf32>
          %max3A_625 = arith.maximumf %min3A_610, %max3A_623 : vector<16xf32>
          %min3A_626 = arith.minimumf %min3A_612, %max3A_625 : vector<16xf32>
          %max3A_627 = arith.maximumf %min3A_612, %max3A_625 : vector<16xf32>
          %add3A_628 = arith.constant 560 : i32
          %add3A_629 = arith.addi %multiple_of3A, %add3A_628 : i32
          %get3A_630 = arith.index_cast %add3A_629 : i32 to index
          %get3A_631 = tpu.vector_load %arg5[%get3A_630] {strides = array<i32>} : memref<32768xf32, #tpu.memory_space<vmem>>, vector<16xf32>,
          %min3A_632 = arith.minimumf %min3A_618, %get3A_631 : vector<16xf32>
          %max3A_633 = arith.maximumf %min3A_618, %get3A_631 : vector<16xf32>
          %min3A_634 = arith.minimumf %min3A_620, %max3A_633 : vector<16xf32>
          %max3A_635 = arith.maximumf %min3A_620, %max3A_633 : vector<16xf32>
          %min3A_636 = arith.minimumf %min3A_622, %max3A_635 : vector<16xf32>
          %max3A_637 = arith.maximumf %min3A_622, %max3A_635 : vector<16xf32>
          %min3A_638 = arith.minimumf %min3A_624, %max3A_637 : vector<16xf32>
          %max3A_639 = arith.maximumf %min3A_624, %max3A_637 : vector<16xf32>
          %min3A_640 = arith.minimumf %min3A_626, %max3A_639 : vector<16xf32>
          %max3A_641 = arith.maximumf %min3A_626, %max3A_639 : vector<16xf32>
          %add3A_642 = arith.constant 576 : i32
          %add3A_643 = arith.addi %multiple_of3A, %add3A_642 : i32
          %get3A_644 = arith.index_cast %add3A_643 : i32 to index
          %get3A_645 = tpu.vector_load %arg5[%get3A_644] {strides = array<i32>} : memref<32768xf32, #tpu.memory_space<vmem>>, vector<16xf32>,
          %min3A_646 = arith.minimumf %min3A_632, %get3A_645 : vector<16xf32>
          %max3A_647 = arith.maximumf %min3A_632, %get3A_645 : vector<16xf32>
          %min3A_648 = arith.minimumf %min3A_634, %max3A_647 : vector<16xf32>
          %max3A_649 = arith.maximumf %min3A_634, %max3A_647 : vector<16xf32>
          %min3A_650 = arith.minimumf %min3A_636, %max3A_649 : vector<16xf32>
          %max3A_651 = arith.maximumf %min3A_636, %max3A_649 : vector<16xf32>
          %min3A_652 = arith.minimumf %min3A_638, %max3A_651 : vector<16xf32>
          %max3A_653 = arith.maximumf %min3A_638, %max3A_651 : vector<16xf32>
          %min3A_654 = arith.minimumf %min3A_640, %max3A_653 : vector<16xf32>
          %max3A_655 = arith.maximumf %min3A_640, %max3A_653 : vector<16xf32>
          %add3A_656 = arith.constant 592 : i32
          %add3A_657 = arith.addi %multiple_of3A, %add3A_656 : i32
          %get3A_658 = arith.index_cast %add3A_657 : i32 to index
          %get3A_659 = tpu.vector_load %arg5[%get3A_658] {strides = array<i32>} : memref<32768xf32, #tpu.memory_space<vmem>>, vector<16xf32>,
          %min3A_660 = arith.minimumf %min3A_646, %get3A_659 : vector<16xf32>
          %max3A_661 = arith.maximumf %min3A_646, %get3A_659 : vector<16xf32>
          %min3A_662 = arith.minimumf %min3A_648, %max3A_661 : vector<16xf32>
          %max3A_663 = arith.maximumf %min3A_648, %max3A_661 : vector<16xf32>
          %min3A_664 = arith.minimumf %min3A_650, %max3A_663 : vector<16xf32>
          %max3A_665 = arith.maximumf %min3A_650, %max3A_663 : vector<16xf32>
          %min3A_666 = arith.minimumf %min3A_652, %max3A_665 : vector<16xf32>
          %max3A_667 = arith.maximumf %min3A_652, %max3A_665 : vector<16xf32>
          %min3A_668 = arith.minimumf %min3A_654, %max3A_667 : vector<16xf32>
          %max3A_669 = arith.maximumf %min3A_654, %max3A_667 : vector<16xf32>
          %add3A_670 = arith.constant 608 : i32
          %add3A_671 = arith.addi %multiple_of3A, %add3A_670 : i32
          %get3A_672 = arith.index_cast %add3A_671 : i32 to index
          %get3A_673 = tpu.vector_load %arg5[%get3A_672] {strides = array<i32>} : memref<32768xf32, #tpu.memory_space<vmem>>, vector<16xf32>,
          %min3A_674 = arith.minimumf %min3A_660, %get3A_673 : vector<16xf32>
          %max3A_675 = arith.maximumf %min3A_660, %get3A_673 : vector<16xf32>
          %min3A_676 = arith.minimumf %min3A_662, %max3A_675 : vector<16xf32>
          %max3A_677 = arith.maximumf %min3A_662, %max3A_675 : vector<16xf32>
          %min3A_678 = arith.minimumf %min3A_664, %max3A_677 : vector<16xf32>
          %max3A_679 = arith.maximumf %min3A_664, %max3A_677 : vector<16xf32>
          %min3A_680 = arith.minimumf %min3A_666, %max3A_679 : vector<16xf32>
          %max3A_681 = arith.maximumf %min3A_666, %max3A_679 : vector<16xf32>
          %min3A_682 = arith.minimumf %min3A_668, %max3A_681 : vector<16xf32>
          %max3A_683 = arith.maximumf %min3A_668, %max3A_681 : vector<16xf32>
          %add3A_684 = arith.constant 624 : i32
          %add3A_685 = arith.addi %multiple_of3A, %add3A_684 : i32
          %get3A_686 = arith.index_cast %add3A_685 : i32 to index
          %get3A_687 = tpu.vector_load %arg5[%get3A_686] {strides = array<i32>} : memref<32768xf32, #tpu.memory_space<vmem>>, vector<16xf32>,
          %min3A_688 = arith.minimumf %min3A_674, %get3A_687 : vector<16xf32>
          %max3A_689 = arith.maximumf %min3A_674, %get3A_687 : vector<16xf32>
          %min3A_690 = arith.minimumf %min3A_676, %max3A_689 : vector<16xf32>
          %max3A_691 = arith.maximumf %min3A_676, %max3A_689 : vector<16xf32>
          %min3A_692 = arith.minimumf %min3A_678, %max3A_691 : vector<16xf32>
          %max3A_693 = arith.maximumf %min3A_678, %max3A_691 : vector<16xf32>
          %min3A_694 = arith.minimumf %min3A_680, %max3A_693 : vector<16xf32>
          %max3A_695 = arith.maximumf %min3A_680, %max3A_693 : vector<16xf32>
          %min3A_696 = arith.minimumf %min3A_682, %max3A_695 : vector<16xf32>
          %max3A_697 = arith.maximumf %min3A_682, %max3A_695 : vector<16xf32>
          %add3A_698 = arith.constant 640 : i32
          %add3A_699 = arith.addi %multiple_of3A, %add3A_698 : i32
          %get3A_700 = arith.index_cast %add3A_699 : i32 to index
          %get3A_701 = tpu.vector_load %arg5[%get3A_700] {strides = array<i32>} : memref<32768xf32, #tpu.memory_space<vmem>>, vector<16xf32>,
          %min3A_702 = arith.minimumf %min3A_688, %get3A_701 : vector<16xf32>
          %max3A_703 = arith.maximumf %min3A_688, %get3A_701 : vector<16xf32>
          %min3A_704 = arith.minimumf %min3A_690, %max3A_703 : vector<16xf32>
          %max3A_705 = arith.maximumf %min3A_690, %max3A_703 : vector<16xf32>
          %min3A_706 = arith.minimumf %min3A_692, %max3A_705 : vector<16xf32>
          %max3A_707 = arith.maximumf %min3A_692, %max3A_705 : vector<16xf32>
          %min3A_708 = arith.minimumf %min3A_694, %max3A_707 : vector<16xf32>
          %max3A_709 = arith.maximumf %min3A_694, %max3A_707 : vector<16xf32>
          %min3A_710 = arith.minimumf %min3A_696, %max3A_709 : vector<16xf32>
          %max3A_711 = arith.maximumf %min3A_696, %max3A_709 : vector<16xf32>
          %add3A_712 = arith.constant 656 : i32
          %add3A_713 = arith.addi %multiple_of3A, %add3A_712 : i32
          %get3A_714 = arith.index_cast %add3A_713 : i32 to index
          %get3A_715 = tpu.vector_load %arg5[%get3A_714] {strides = array<i32>} : memref<32768xf32, #tpu.memory_space<vmem>>, vector<16xf32>,
          %min3A_716 = arith.minimumf %min3A_702, %get3A_715 : vector<16xf32>
          %max3A_717 = arith.maximumf %min3A_702, %get3A_715 : vector<16xf32>
          %min3A_718 = arith.minimumf %min3A_704, %max3A_717 : vector<16xf32>
          %max3A_719 = arith.maximumf %min3A_704, %max3A_717 : vector<16xf32>
          %min3A_720 = arith.minimumf %min3A_706, %max3A_719 : vector<16xf32>
          %max3A_721 = arith.maximumf %min3A_706, %max3A_719 : vector<16xf32>
          %min3A_722 = arith.minimumf %min3A_708, %max3A_721 : vector<16xf32>
          %max3A_723 = arith.maximumf %min3A_708, %max3A_721 : vector<16xf32>
          %min3A_724 = arith.minimumf %min3A_710, %max3A_723 : vector<16xf32>
          %max3A_725 = arith.maximumf %min3A_710, %max3A_723 : vector<16xf32>
          %add3A_726 = arith.constant 672 : i32
          %add3A_727 = arith.addi %multiple_of3A, %add3A_726 : i32
          %get3A_728 = arith.index_cast %add3A_727 : i32 to index
          %get3A_729 = tpu.vector_load %arg5[%get3A_728] {strides = array<i32>} : memref<32768xf32, #tpu.memory_space<vmem>>, vector<16xf32>,
          %min3A_730 = arith.minimumf %min3A_716, %get3A_729 : vector<16xf32>
          %max3A_731 = arith.maximumf %min3A_716, %get3A_729 : vector<16xf32>
          %min3A_732 = arith.minimumf %min3A_718, %max3A_731 : vector<16xf32>
          %max3A_733 = arith.maximumf %min3A_718, %max3A_731 : vector<16xf32>
          %min3A_734 = arith.minimumf %min3A_720, %max3A_733 : vector<16xf32>
          %max3A_735 = arith.maximumf %min3A_720, %max3A_733 : vector<16xf32>
          %min3A_736 = arith.minimumf %min3A_722, %max3A_735 : vector<16xf32>
          %max3A_737 = arith.maximumf %min3A_722, %max3A_735 : vector<16xf32>
          %min3A_738 = arith.minimumf %min3A_724, %max3A_737 : vector<16xf32>
          %max3A_739 = arith.maximumf %min3A_724, %max3A_737 : vector<16xf32>
          %add3A_740 = arith.constant 688 : i32
          %add3A_741 = arith.addi %multiple_of3A, %add3A_740 : i32
          %get3A_742 = arith.index_cast %add3A_741 : i32 to index
          %get3A_743 = tpu.vector_load %arg5[%get3A_742] {strides = array<i32>} : memref<32768xf32, #tpu.memory_space<vmem>>, vector<16xf32>,
          %min3A_744 = arith.minimumf %min3A_730, %get3A_743 : vector<16xf32>
          %max3A_745 = arith.maximumf %min3A_730, %get3A_743 : vector<16xf32>
          %min3A_746 = arith.minimumf %min3A_732, %max3A_745 : vector<16xf32>
          %max3A_747 = arith.maximumf %min3A_732, %max3A_745 : vector<16xf32>
          %min3A_748 = arith.minimumf %min3A_734, %max3A_747 : vector<16xf32>
          %max3A_749 = arith.maximumf %min3A_734, %max3A_747 : vector<16xf32>
          %min3A_750 = arith.minimumf %min3A_736, %max3A_749 : vector<16xf32>
          %max3A_751 = arith.maximumf %min3A_736, %max3A_749 : vector<16xf32>
          %min3A_752 = arith.minimumf %min3A_738, %max3A_751 : vector<16xf32>
          %max3A_753 = arith.maximumf %min3A_738, %max3A_751 : vector<16xf32>
          %add3A_754 = arith.constant 704 : i32
          %add3A_755 = arith.addi %multiple_of3A, %add3A_754 : i32
          %get3A_756 = arith.index_cast %add3A_755 : i32 to index
          %get3A_757 = tpu.vector_load %arg5[%get3A_756] {strides = array<i32>} : memref<32768xf32, #tpu.memory_space<vmem>>, vector<16xf32>,
          %min3A_758 = arith.minimumf %min3A_744, %get3A_757 : vector<16xf32>
          %max3A_759 = arith.maximumf %min3A_744, %get3A_757 : vector<16xf32>
          %min3A_760 = arith.minimumf %min3A_746, %max3A_759 : vector<16xf32>
          %max3A_761 = arith.maximumf %min3A_746, %max3A_759 : vector<16xf32>
          %min3A_762 = arith.minimumf %min3A_748, %max3A_761 : vector<16xf32>
          %max3A_763 = arith.maximumf %min3A_748, %max3A_761 : vector<16xf32>
          %min3A_764 = arith.minimumf %min3A_750, %max3A_763 : vector<16xf32>
          %max3A_765 = arith.maximumf %min3A_750, %max3A_763 : vector<16xf32>
          %min3A_766 = arith.minimumf %min3A_752, %max3A_765 : vector<16xf32>
          %max3A_767 = arith.maximumf %min3A_752, %max3A_765 : vector<16xf32>
          %add3A_768 = arith.constant 720 : i32
          %add3A_769 = arith.addi %multiple_of3A, %add3A_768 : i32
          %get3A_770 = arith.index_cast %add3A_769 : i32 to index
          %get3A_771 = tpu.vector_load %arg5[%get3A_770] {strides = array<i32>} : memref<32768xf32, #tpu.memory_space<vmem>>, vector<16xf32>,
          %min3A_772 = arith.minimumf %min3A_758, %get3A_771 : vector<16xf32>
          %max3A_773 = arith.maximumf %min3A_758, %get3A_771 : vector<16xf32>
          %min3A_774 = arith.minimumf %min3A_760, %max3A_773 : vector<16xf32>
          %max3A_775 = arith.maximumf %min3A_760, %max3A_773 : vector<16xf32>
          %min3A_776 = arith.minimumf %min3A_762, %max3A_775 : vector<16xf32>
          %max3A_777 = arith.maximumf %min3A_762, %max3A_775 : vector<16xf32>
          %min3A_778 = arith.minimumf %min3A_764, %max3A_777 : vector<16xf32>
          %max3A_779 = arith.maximumf %min3A_764, %max3A_777 : vector<16xf32>
          %min3A_780 = arith.minimumf %min3A_766, %max3A_779 : vector<16xf32>
          %max3A_781 = arith.maximumf %min3A_766, %max3A_779 : vector<16xf32>
          %add3A_782 = arith.constant 736 : i32
          %add3A_783 = arith.addi %multiple_of3A, %add3A_782 : i32
          %get3A_784 = arith.index_cast %add3A_783 : i32 to index
          %get3A_785 = tpu.vector_load %arg5[%get3A_784] {strides = array<i32>} : memref<32768xf32, #tpu.memory_space<vmem>>, vector<16xf32>,
          %min3A_786 = arith.minimumf %min3A_772, %get3A_785 : vector<16xf32>
          %max3A_787 = arith.maximumf %min3A_772, %get3A_785 : vector<16xf32>
          %min3A_788 = arith.minimumf %min3A_774, %max3A_787 : vector<16xf32>
          %max3A_789 = arith.maximumf %min3A_774, %max3A_787 : vector<16xf32>
          %min3A_790 = arith.minimumf %min3A_776, %max3A_789 : vector<16xf32>
          %max3A_791 = arith.maximumf %min3A_776, %max3A_789 : vector<16xf32>
          %min3A_792 = arith.minimumf %min3A_778, %max3A_791 : vector<16xf32>
          %max3A_793 = arith.maximumf %min3A_778, %max3A_791 : vector<16xf32>
          %min3A_794 = arith.minimumf %min3A_780, %max3A_793 : vector<16xf32>
          %max3A_795 = arith.maximumf %min3A_780, %max3A_793 : vector<16xf32>
          %add3A_796 = arith.constant 752 : i32
          %add3A_797 = arith.addi %multiple_of3A, %add3A_796 : i32
          %get3A_798 = arith.index_cast %add3A_797 : i32 to index
          %get3A_799 = tpu.vector_load %arg5[%get3A_798] {strides = array<i32>} : memref<32768xf32, #tpu.memory_space<vmem>>, vector<16xf32>,
          %min3A_800 = arith.minimumf %min3A_786, %get3A_799 : vector<16xf32>
          %max3A_801 = arith.maximumf %min3A_786, %get3A_799 : vector<16xf32>
          %min3A_802 = arith.minimumf %min3A_788, %max3A_801 : vector<16xf32>
          %max3A_803 = arith.maximumf %min3A_788, %max3A_801 : vector<16xf32>
          %min3A_804 = arith.minimumf %min3A_790, %max3A_803 : vector<16xf32>
          %max3A_805 = arith.maximumf %min3A_790, %max3A_803 : vector<16xf32>
          %min3A_806 = arith.minimumf %min3A_792, %max3A_805 : vector<16xf32>
          %max3A_807 = arith.maximumf %min3A_792, %max3A_805 : vector<16xf32>
          %min3A_808 = arith.minimumf %min3A_794, %max3A_807 : vector<16xf32>
          %max3A_809 = arith.maximumf %min3A_794, %max3A_807 : vector<16xf32>
          %add3A_810 = arith.constant 768 : i32
          %add3A_811 = arith.addi %multiple_of3A, %add3A_810 : i32
          %get3A_812 = arith.index_cast %add3A_811 : i32 to index
          %get3A_813 = tpu.vector_load %arg5[%get3A_812] {strides = array<i32>} : memref<32768xf32, #tpu.memory_space<vmem>>, vector<16xf32>,
          %min3A_814 = arith.minimumf %min3A_800, %get3A_813 : vector<16xf32>
          %max3A_815 = arith.maximumf %min3A_800, %get3A_813 : vector<16xf32>
          %min3A_816 = arith.minimumf %min3A_802, %max3A_815 : vector<16xf32>
          %max3A_817 = arith.maximumf %min3A_802, %max3A_815 : vector<16xf32>
          %min3A_818 = arith.minimumf %min3A_804, %max3A_817 : vector<16xf32>
          %max3A_819 = arith.maximumf %min3A_804, %max3A_817 : vector<16xf32>
          %min3A_820 = arith.minimumf %min3A_806, %max3A_819 : vector<16xf32>
          %max3A_821 = arith.maximumf %min3A_806, %max3A_819 : vector<16xf32>
          %min3A_822 = arith.minimumf %min3A_808, %max3A_821 : vector<16xf32>
          %max3A_823 = arith.maximumf %min3A_808, %max3A_821 : vector<16xf32>
          %add3A_824 = arith.constant 784 : i32
          %add3A_825 = arith.addi %multiple_of3A, %add3A_824 : i32
          %get3A_826 = arith.index_cast %add3A_825 : i32 to index
          %get3A_827 = tpu.vector_load %arg5[%get3A_826] {strides = array<i32>} : memref<32768xf32, #tpu.memory_space<vmem>>, vector<16xf32>,
          %min3A_828 = arith.minimumf %min3A_814, %get3A_827 : vector<16xf32>
          %max3A_829 = arith.maximumf %min3A_814, %get3A_827 : vector<16xf32>
          %min3A_830 = arith.minimumf %min3A_816, %max3A_829 : vector<16xf32>
          %max3A_831 = arith.maximumf %min3A_816, %max3A_829 : vector<16xf32>
          %min3A_832 = arith.minimumf %min3A_818, %max3A_831 : vector<16xf32>
          %max3A_833 = arith.maximumf %min3A_818, %max3A_831 : vector<16xf32>
          %min3A_834 = arith.minimumf %min3A_820, %max3A_833 : vector<16xf32>
          %max3A_835 = arith.maximumf %min3A_820, %max3A_833 : vector<16xf32>
          %min3A_836 = arith.minimumf %min3A_822, %max3A_835 : vector<16xf32>
          %max3A_837 = arith.maximumf %min3A_822, %max3A_835 : vector<16xf32>
          %add3A_838 = arith.constant 800 : i32
          %add3A_839 = arith.addi %multiple_of3A, %add3A_838 : i32
          %get3A_840 = arith.index_cast %add3A_839 : i32 to index
          %get3A_841 = tpu.vector_load %arg5[%get3A_840] {strides = array<i32>} : memref<32768xf32, #tpu.memory_space<vmem>>, vector<16xf32>,
          %min3A_842 = arith.minimumf %min3A_828, %get3A_841 : vector<16xf32>
          %max3A_843 = arith.maximumf %min3A_828, %get3A_841 : vector<16xf32>
          %min3A_844 = arith.minimumf %min3A_830, %max3A_843 : vector<16xf32>
          %max3A_845 = arith.maximumf %min3A_830, %max3A_843 : vector<16xf32>
          %min3A_846 = arith.minimumf %min3A_832, %max3A_845 : vector<16xf32>
          %max3A_847 = arith.maximumf %min3A_832, %max3A_845 : vector<16xf32>
          %min3A_848 = arith.minimumf %min3A_834, %max3A_847 : vector<16xf32>
          %max3A_849 = arith.maximumf %min3A_834, %max3A_847 : vector<16xf32>
          %min3A_850 = arith.minimumf %min3A_836, %max3A_849 : vector<16xf32>
          %max3A_851 = arith.maximumf %min3A_836, %max3A_849 : vector<16xf32>
          %add3A_852 = arith.constant 816 : i32
          %add3A_853 = arith.addi %multiple_of3A, %add3A_852 : i32
          %get3A_854 = arith.index_cast %add3A_853 : i32 to index
          %get3A_855 = tpu.vector_load %arg5[%get3A_854] {strides = array<i32>} : memref<32768xf32, #tpu.memory_space<vmem>>, vector<16xf32>,
          %min3A_856 = arith.minimumf %min3A_842, %get3A_855 : vector<16xf32>
          %max3A_857 = arith.maximumf %min3A_842, %get3A_855 : vector<16xf32>
          %min3A_858 = arith.minimumf %min3A_844, %max3A_857 : vector<16xf32>
          %max3A_859 = arith.maximumf %min3A_844, %max3A_857 : vector<16xf32>
          %min3A_860 = arith.minimumf %min3A_846, %max3A_859 : vector<16xf32>
          %max3A_861 = arith.maximumf %min3A_846, %max3A_859 : vector<16xf32>
          %min3A_862 = arith.minimumf %min3A_848, %max3A_861 : vector<16xf32>
          %max3A_863 = arith.maximumf %min3A_848, %max3A_861 : vector<16xf32>
          %min3A_864 = arith.minimumf %min3A_850, %max3A_863 : vector<16xf32>
          %max3A_865 = arith.maximumf %min3A_850, %max3A_863 : vector<16xf32>
          %add3A_866 = arith.constant 832 : i32
          %add3A_867 = arith.addi %multiple_of3A, %add3A_866 : i32
          %get3A_868 = arith.index_cast %add3A_867 : i32 to index
          %get3A_869 = tpu.vector_load %arg5[%get3A_868] {strides = array<i32>} : memref<32768xf32, #tpu.memory_space<vmem>>, vector<16xf32>,
          %min3A_870 = arith.minimumf %min3A_856, %get3A_869 : vector<16xf32>
          %max3A_871 = arith.maximumf %min3A_856, %get3A_869 : vector<16xf32>
          %min3A_872 = arith.minimumf %min3A_858, %max3A_871 : vector<16xf32>
          %max3A_873 = arith.maximumf %min3A_858, %max3A_871 : vector<16xf32>
          %min3A_874 = arith.minimumf %min3A_860, %max3A_873 : vector<16xf32>
          %max3A_875 = arith.maximumf %min3A_860, %max3A_873 : vector<16xf32>
          %min3A_876 = arith.minimumf %min3A_862, %max3A_875 : vector<16xf32>
          %max3A_877 = arith.maximumf %min3A_862, %max3A_875 : vector<16xf32>
          %min3A_878 = arith.minimumf %min3A_864, %max3A_877 : vector<16xf32>
          %max3A_879 = arith.maximumf %min3A_864, %max3A_877 : vector<16xf32>
          %add3A_880 = arith.constant 848 : i32
          %add3A_881 = arith.addi %multiple_of3A, %add3A_880 : i32
          %get3A_882 = arith.index_cast %add3A_881 : i32 to index
          %get3A_883 = tpu.vector_load %arg5[%get3A_882] {strides = array<i32>} : memref<32768xf32, #tpu.memory_space<vmem>>, vector<16xf32>,
          %min3A_884 = arith.minimumf %min3A_870, %get3A_883 : vector<16xf32>
          %max3A_885 = arith.maximumf %min3A_870, %get3A_883 : vector<16xf32>
          %min3A_886 = arith.minimumf %min3A_872, %max3A_885 : vector<16xf32>
          %max3A_887 = arith.maximumf %min3A_872, %max3A_885 : vector<16xf32>
          %min3A_888 = arith.minimumf %min3A_874, %max3A_887 : vector<16xf32>
          %max3A_889 = arith.maximumf %min3A_874, %max3A_887 : vector<16xf32>
          %min3A_890 = arith.minimumf %min3A_876, %max3A_889 : vector<16xf32>
          %max3A_891 = arith.maximumf %min3A_876, %max3A_889 : vector<16xf32>
          %min3A_892 = arith.minimumf %min3A_878, %max3A_891 : vector<16xf32>
          %max3A_893 = arith.maximumf %min3A_878, %max3A_891 : vector<16xf32>
          %add3A_894 = arith.constant 864 : i32
          %add3A_895 = arith.addi %multiple_of3A, %add3A_894 : i32
          %get3A_896 = arith.index_cast %add3A_895 : i32 to index
          %get3A_897 = tpu.vector_load %arg5[%get3A_896] {strides = array<i32>} : memref<32768xf32, #tpu.memory_space<vmem>>, vector<16xf32>,
          %min3A_898 = arith.minimumf %min3A_884, %get3A_897 : vector<16xf32>
          %max3A_899 = arith.maximumf %min3A_884, %get3A_897 : vector<16xf32>
          %min3A_900 = arith.minimumf %min3A_886, %max3A_899 : vector<16xf32>
          %max3A_901 = arith.maximumf %min3A_886, %max3A_899 : vector<16xf32>
          %min3A_902 = arith.minimumf %min3A_888, %max3A_901 : vector<16xf32>
          %max3A_903 = arith.maximumf %min3A_888, %max3A_901 : vector<16xf32>
          %min3A_904 = arith.minimumf %min3A_890, %max3A_903 : vector<16xf32>
          %max3A_905 = arith.maximumf %min3A_890, %max3A_903 : vector<16xf32>
          %min3A_906 = arith.minimumf %min3A_892, %max3A_905 : vector<16xf32>
          %max3A_907 = arith.maximumf %min3A_892, %max3A_905 : vector<16xf32>
          %add3A_908 = arith.constant 880 : i32
          %add3A_909 = arith.addi %multiple_of3A, %add3A_908 : i32
          %get3A_910 = arith.index_cast %add3A_909 : i32 to index
          %get3A_911 = tpu.vector_load %arg5[%get3A_910] {strides = array<i32>} : memref<32768xf32, #tpu.memory_space<vmem>>, vector<16xf32>,
          %min3A_912 = arith.minimumf %min3A_898, %get3A_911 : vector<16xf32>
          %max3A_913 = arith.maximumf %min3A_898, %get3A_911 : vector<16xf32>
          %min3A_914 = arith.minimumf %min3A_900, %max3A_913 : vector<16xf32>
          %max3A_915 = arith.maximumf %min3A_900, %max3A_913 : vector<16xf32>
          %min3A_916 = arith.minimumf %min3A_902, %max3A_915 : vector<16xf32>
          %max3A_917 = arith.maximumf %min3A_902, %max3A_915 : vector<16xf32>
          %min3A_918 = arith.minimumf %min3A_904, %max3A_917 : vector<16xf32>
          %max3A_919 = arith.maximumf %min3A_904, %max3A_917 : vector<16xf32>
          %min3A_920 = arith.minimumf %min3A_906, %max3A_919 : vector<16xf32>
          %max3A_921 = arith.maximumf %min3A_906, %max3A_919 : vector<16xf32>
          %add3A_922 = arith.constant 896 : i32
          %add3A_923 = arith.addi %multiple_of3A, %add3A_922 : i32
          %get3A_924 = arith.index_cast %add3A_923 : i32 to index
          %get3A_925 = tpu.vector_load %arg5[%get3A_924] {strides = array<i32>} : memref<32768xf32, #tpu.memory_space<vmem>>, vector<16xf32>,
          %min3A_926 = arith.minimumf %min3A_912, %get3A_925 : vector<16xf32>
          %max3A_927 = arith.maximumf %min3A_912, %get3A_925 : vector<16xf32>
          %min3A_928 = arith.minimumf %min3A_914, %max3A_927 : vector<16xf32>
          %max3A_929 = arith.maximumf %min3A_914, %max3A_927 : vector<16xf32>
          %min3A_930 = arith.minimumf %min3A_916, %max3A_929 : vector<16xf32>
          %max3A_931 = arith.maximumf %min3A_916, %max3A_929 : vector<16xf32>
          %min3A_932 = arith.minimumf %min3A_918, %max3A_931 : vector<16xf32>
          %max3A_933 = arith.maximumf %min3A_918, %max3A_931 : vector<16xf32>
          %min3A_934 = arith.minimumf %min3A_920, %max3A_933 : vector<16xf32>
          %max3A_935 = arith.maximumf %min3A_920, %max3A_933 : vector<16xf32>
          %add3A_936 = arith.constant 912 : i32
          %add3A_937 = arith.addi %multiple_of3A, %add3A_936 : i32
          %get3A_938 = arith.index_cast %add3A_937 : i32 to index
          %get3A_939 = tpu.vector_load %arg5[%get3A_938] {strides = array<i32>} : memref<32768xf32, #tpu.memory_space<vmem>>, vector<16xf32>,
          %min3A_940 = arith.minimumf %min3A_926, %get3A_939 : vector<16xf32>
          %max3A_941 = arith.maximumf %min3A_926, %get3A_939 : vector<16xf32>
          %min3A_942 = arith.minimumf %min3A_928, %max3A_941 : vector<16xf32>
          %max3A_943 = arith.maximumf %min3A_928, %max3A_941 : vector<16xf32>
          %min3A_944 = arith.minimumf %min3A_930, %max3A_943 : vector<16xf32>
          %max3A_945 = arith.maximumf %min3A_930, %max3A_943 : vector<16xf32>
          %min3A_946 = arith.minimumf %min3A_932, %max3A_945 : vector<16xf32>
          %max3A_947 = arith.maximumf %min3A_932, %max3A_945 : vector<16xf32>
          %min3A_948 = arith.minimumf %min3A_934, %max3A_947 : vector<16xf32>
          %max3A_949 = arith.maximumf %min3A_934, %max3A_947 : vector<16xf32>
          %add3A_950 = arith.constant 928 : i32
          %add3A_951 = arith.addi %multiple_of3A, %add3A_950 : i32
          %get3A_952 = arith.index_cast %add3A_951 : i32 to index
          %get3A_953 = tpu.vector_load %arg5[%get3A_952] {strides = array<i32>} : memref<32768xf32, #tpu.memory_space<vmem>>, vector<16xf32>,
          %min3A_954 = arith.minimumf %min3A_940, %get3A_953 : vector<16xf32>
          %max3A_955 = arith.maximumf %min3A_940, %get3A_953 : vector<16xf32>
          %min3A_956 = arith.minimumf %min3A_942, %max3A_955 : vector<16xf32>
          %max3A_957 = arith.maximumf %min3A_942, %max3A_955 : vector<16xf32>
          %min3A_958 = arith.minimumf %min3A_944, %max3A_957 : vector<16xf32>
          %max3A_959 = arith.maximumf %min3A_944, %max3A_957 : vector<16xf32>
          %min3A_960 = arith.minimumf %min3A_946, %max3A_959 : vector<16xf32>
          %max3A_961 = arith.maximumf %min3A_946, %max3A_959 : vector<16xf32>
          %min3A_962 = arith.minimumf %min3A_948, %max3A_961 : vector<16xf32>
          %max3A_963 = arith.maximumf %min3A_948, %max3A_961 : vector<16xf32>
          %add3A_964 = arith.constant 944 : i32
          %add3A_965 = arith.addi %multiple_of3A, %add3A_964 : i32
          %get3A_966 = arith.index_cast %add3A_965 : i32 to index
          %get3A_967 = tpu.vector_load %arg5[%get3A_966] {strides = array<i32>} : memref<32768xf32, #tpu.memory_space<vmem>>, vector<16xf32>,
          %min3A_968 = arith.minimumf %min3A_954, %get3A_967 : vector<16xf32>
          %max3A_969 = arith.maximumf %min3A_954, %get3A_967 : vector<16xf32>
          %min3A_970 = arith.minimumf %min3A_956, %max3A_969 : vector<16xf32>
          %max3A_971 = arith.maximumf %min3A_956, %max3A_969 : vector<16xf32>
          %min3A_972 = arith.minimumf %min3A_958, %max3A_971 : vector<16xf32>
          %max3A_973 = arith.maximumf %min3A_958, %max3A_971 : vector<16xf32>
          %min3A_974 = arith.minimumf %min3A_960, %max3A_973 : vector<16xf32>
          %max3A_975 = arith.maximumf %min3A_960, %max3A_973 : vector<16xf32>
          %min3A_976 = arith.minimumf %min3A_962, %max3A_975 : vector<16xf32>
          %max3A_977 = arith.maximumf %min3A_962, %max3A_975 : vector<16xf32>
          %add3A_978 = arith.constant 960 : i32
          %add3A_979 = arith.addi %multiple_of3A, %add3A_978 : i32
          %get3A_980 = arith.index_cast %add3A_979 : i32 to index
          %get3A_981 = tpu.vector_load %arg5[%get3A_980] {strides = array<i32>} : memref<32768xf32, #tpu.memory_space<vmem>>, vector<16xf32>,
          %min3A_982 = arith.minimumf %min3A_968, %get3A_981 : vector<16xf32>
          %max3A_983 = arith.maximumf %min3A_968, %get3A_981 : vector<16xf32>
          %min3A_984 = arith.minimumf %min3A_970, %max3A_983 : vector<16xf32>
          %max3A_985 = arith.maximumf %min3A_970, %max3A_983 : vector<16xf32>
          %min3A_986 = arith.minimumf %min3A_972, %max3A_985 : vector<16xf32>
          %max3A_987 = arith.maximumf %min3A_972, %max3A_985 : vector<16xf32>
          %min3A_988 = arith.minimumf %min3A_974, %max3A_987 : vector<16xf32>
          %max3A_989 = arith.maximumf %min3A_974, %max3A_987 : vector<16xf32>
          %min3A_990 = arith.minimumf %min3A_976, %max3A_989 : vector<16xf32>
          %max3A_991 = arith.maximumf %min3A_976, %max3A_989 : vector<16xf32>
          %add3A_992 = arith.constant 976 : i32
          %add3A_993 = arith.addi %multiple_of3A, %add3A_992 : i32
          %get3A_994 = arith.index_cast %add3A_993 : i32 to index
          %get3A_995 = tpu.vector_load %arg5[%get3A_994] {strides = array<i32>} : memref<32768xf32, #tpu.memory_space<vmem>>, vector<16xf32>,
          %min3A_996 = arith.minimumf %min3A_982, %get3A_995 : vector<16xf32>
          %max3A_997 = arith.maximumf %min3A_982, %get3A_995 : vector<16xf32>
          %min3A_998 = arith.minimumf %min3A_984, %max3A_997 : vector<16xf32>
          %max3A_999 = arith.maximumf %min3A_984, %max3A_997 : vector<16xf32>
          %min3A_1000 = arith.minimumf %min3A_986, %max3A_999 : vector<16xf32>
          %max3A_1001 = arith.maximumf %min3A_986, %max3A_999 : vector<16xf32>
          %min3A_1002 = arith.minimumf %min3A_988, %max3A_1001 : vector<16xf32>
          %max3A_1003 = arith.maximumf %min3A_988, %max3A_1001 : vector<16xf32>
          %min3A_1004 = arith.minimumf %min3A_990, %max3A_1003 : vector<16xf32>
          %max3A_1005 = arith.maximumf %min3A_990, %max3A_1003 : vector<16xf32>
          %add3A_1006 = arith.constant 992 : i32
          %add3A_1007 = arith.addi %multiple_of3A, %add3A_1006 : i32
          %get3A_1008 = arith.index_cast %add3A_1007 : i32 to index
          %get3A_1009 = tpu.vector_load %arg5[%get3A_1008] {strides = array<i32>} : memref<32768xf32, #tpu.memory_space<vmem>>, vector<16xf32>,
          %min3A_1010 = arith.minimumf %min3A_996, %get3A_1009 : vector<16xf32>
          %max3A_1011 = arith.maximumf %min3A_996, %get3A_1009 : vector<16xf32>
          %min3A_1012 = arith.minimumf %min3A_998, %max3A_1011 : vector<16xf32>
          %max3A_1013 = arith.maximumf %min3A_998, %max3A_1011 : vector<16xf32>
          %min3A_1014 = arith.minimumf %min3A_1000, %max3A_1013 : vector<16xf32>
          %max3A_1015 = arith.maximumf %min3A_1000, %max3A_1013 : vector<16xf32>
          %min3A_1016 = arith.minimumf %min3A_1002, %max3A_1015 : vector<16xf32>
          %max3A_1017 = arith.maximumf %min3A_1002, %max3A_1015 : vector<16xf32>
          %min3A_1018 = arith.minimumf %min3A_1004, %max3A_1017 : vector<16xf32>
          %max3A_1019 = arith.maximumf %min3A_1004, %max3A_1017 : vector<16xf32>
          %add3A_1020 = arith.constant 1008 : i32
          %add3A_1021 = arith.addi %multiple_of3A, %add3A_1020 : i32
          %get3A_1022 = arith.index_cast %add3A_1021 : i32 to index
          %get3A_1023 = tpu.vector_load %arg5[%get3A_1022] {strides = array<i32>} : memref<32768xf32, #tpu.memory_space<vmem>>, vector<16xf32>,
          %min3A_1024 = arith.minimumf %min3A_1010, %get3A_1023 : vector<16xf32>
          %max3A_1025 = arith.maximumf %min3A_1010, %get3A_1023 : vector<16xf32>
          %min3A_1026 = arith.minimumf %min3A_1012, %max3A_1025 : vector<16xf32>
          %max3A_1027 = arith.maximumf %min3A_1012, %max3A_1025 : vector<16xf32>
          %min3A_1028 = arith.minimumf %min3A_1014, %max3A_1027 : vector<16xf32>
          %max3A_1029 = arith.maximumf %min3A_1014, %max3A_1027 : vector<16xf32>
          %min3A_1030 = arith.minimumf %min3A_1016, %max3A_1029 : vector<16xf32>
          %max3A_1031 = arith.maximumf %min3A_1016, %max3A_1029 : vector<16xf32>
          %min3A_1032 = arith.minimumf %min3A_1018, %max3A_1031 : vector<16xf32>
          %max3A_1033 = arith.maximumf %min3A_1018, %max3A_1031 : vector<16xf32>
          scf.yield %min3A_1024, %min3A_1026, %min3A_1028, %min3A_1030, %min3A_1032 : vector<16xf32>, vector<16xf32>, vector<16xf32>, vector<16xf32>, vector<16xf32>
        } else {
          scf.yield %scan3A_106, %scan3A_107, %scan3A_108, %scan3A_109, %scan3A_110 : vector<16xf32>, vector<16xf32>, vector<16xf32>, vector<16xf32>, vector<16xf32>
        }
        scf.yield %cond3A_139#0, %cond3A_139#1, %cond3A_139#2, %cond3A_139#3, %cond3A_139#4 : vector<16xf32>, vector<16xf32>, vector<16xf32>, vector<16xf32>, vector<16xf32>
      }
      %scan3A_104 = arith.constant 32 : i32
      scf.yield %scan3A_103#0, %scan3A_103#1, %scan3A_103#2, %scan3A_103#3, %scan3A_103#4 : vector<16xf32>, vector<16xf32>, vector<16xf32>, vector<16xf32>, vector<16xf32>
    }
    %scan3A_42 = arith.constant 8 : i32
    %swap3A = arith.constant 0 : index
    %swap3A_43 = tpu.vector_load %arg6[%swap3A] {strides = array<i32>} : memref<128xf32, #tpu.memory_space<vmem>>, vector<16xf32>,
    tpu.vector_store %arg6[%swap3A], %scan3A_41#0 {strides = array<i32>} : memref<128xf32, #tpu.memory_space<vmem>>, vector<16xf32>,
    %swap3A_44 = arith.constant 16 : index
    %swap3A_45 = tpu.vector_load %arg6[%swap3A_44] {strides = array<i32>} : memref<128xf32, #tpu.memory_space<vmem>>, vector<16xf32>,
    tpu.vector_store %arg6[%swap3A_44], %scan3A_41#1 {strides = array<i32>} : memref<128xf32, #tpu.memory_space<vmem>>, vector<16xf32>,
    %swap3A_46 = arith.constant 32 : index
    %swap3A_47 = tpu.vector_load %arg6[%swap3A_46] {strides = array<i32>} : memref<128xf32, #tpu.memory_space<vmem>>, vector<16xf32>,
    tpu.vector_store %arg6[%swap3A_46], %scan3A_41#2 {strides = array<i32>} : memref<128xf32, #tpu.memory_space<vmem>>, vector<16xf32>,
    %swap3A_48 = arith.constant 48 : index
    %swap3A_49 = tpu.vector_load %arg6[%swap3A_48] {strides = array<i32>} : memref<128xf32, #tpu.memory_space<vmem>>, vector<16xf32>,
    tpu.vector_store %arg6[%swap3A_48], %scan3A_41#3 {strides = array<i32>} : memref<128xf32, #tpu.memory_space<vmem>>, vector<16xf32>,
    %swap3A_50 = arith.constant 64 : index
    %swap3A_51 = tpu.vector_load %arg6[%swap3A_50] {strides = array<i32>} : memref<128xf32, #tpu.memory_space<vmem>>, vector<16xf32>,
    tpu.vector_store %arg6[%swap3A_50], %scan3A_41#4 {strides = array<i32>} : memref<128xf32, #tpu.memory_space<vmem>>, vector<16xf32>,
    "tpu.region"() ({
      %run_scoped3A = tpu.sem_alloc : memref<!tpu.dma_semaphore, #tpu.memory_space<semaphore_mem>>
      %dma_start3A_55 = arith.constant 0 : i32
      %dma_start3A_56 = tpu.memref_slice %arg9[%arg1, %dma_start3A_55] : memref<16x128xf32, #tpu.memory_space<vmem_shared>> -> memref<1x128xf32, #tpu.memory_space<vmem_shared>>
      %dma_start3A_57 = tpu.memref_squeeze %dma_start3A_56 : memref<1x128xf32, #tpu.memory_space<vmem_shared>> -> memref<128xf32, #tpu.memory_space<vmem_shared>>
      %dma_start3A_58 = arith.constant 0 : i32
      %dma_start3A_59 = tpu.memref_slice %arg9[%arg1, %dma_start3A_58] : memref<16x128xf32, #tpu.memory_space<vmem_shared>> -> memref<1x128xf32, #tpu.memory_space<vmem_shared>>
      %dma_start3A_60 = tpu.memref_squeeze %dma_start3A_59 : memref<1x128xf32, #tpu.memory_space<vmem_shared>> -> memref<128xf32, #tpu.memory_space<vmem_shared>>
      tpu.enqueue_dma source(%arg6 : memref<128xf32, #tpu.memory_space<vmem>>) target(%dma_start3A_60 : memref<128xf32, #tpu.memory_space<vmem_shared>>) target_semaphore(%run_scoped3A : memref<!tpu.dma_semaphore, #tpu.memory_space<semaphore_mem>>)
      %dma_wait3A = arith.constant 0 : i32
      %dma_wait3A_61 = tpu.memref_slice %arg9[%arg1, %dma_wait3A] : memref<16x128xf32, #tpu.memory_space<vmem_shared>> -> memref<1x128xf32, #tpu.memory_space<vmem_shared>>
      %dma_wait3A_62 = tpu.memref_squeeze %dma_wait3A_61 : memref<1x128xf32, #tpu.memory_space<vmem_shared>> -> memref<128xf32, #tpu.memory_space<vmem_shared>>
      %dma_wait3A_63 = arith.constant 0 : i32
      %dma_wait3A_64 = tpu.memref_slice %arg9[%arg1, %dma_wait3A_63] : memref<16x128xf32, #tpu.memory_space<vmem_shared>> -> memref<1x128xf32, #tpu.memory_space<vmem_shared>>
      %dma_wait3A_65 = tpu.memref_squeeze %dma_wait3A_64 : memref<1x128xf32, #tpu.memory_space<vmem_shared>> -> memref<128xf32, #tpu.memory_space<vmem_shared>>
      tpu.wait_dma2 semaphore(%run_scoped3A : memref<!tpu.dma_semaphore, #tpu.memory_space<semaphore_mem>>) src(%arg6 : memref<128xf32, #tpu.memory_space<vmem>>) dst(%dma_wait3A_65 : memref<128xf32, #tpu.memory_space<vmem_shared>>)
      tpu.yield
    }) : () -> ()
    %barrier3A = arith.constant 0 : index
    tpu.barrier barrier_id(%barrier3A)
    %eq3A_52 = arith.constant 0 : i32
    %eq3A_53 = arith.cmpi eq, %select_n3A_30, %eq3A_52 : i32
    %convert_element_type3A = arith.extui %eq3A_53 : i1 to i32
    %cond3A = arith.constant 0 : i32
    %cond3A_54 = arith.cmpi ne, %convert_element_type3A, %cond3A : i32
    scf.if %cond3A_54 {
      %jit3A_55 = arith.constant 8 : i32
      %div3A_56 = arith.divsi %arg1, %jit3A_55 : i32
      %sign3A_57 = arith.constant 0 : i32
      %sign3A_58 = arith.cmpi sgt, %arg1, %sign3A_57 : i32
      %sign3A_59 = arith.extui %sign3A_58 : i1 to i32
      %sign3A_60 = arith.constant 0 : i32
      %sign3A_61 = arith.cmpi slt, %arg1, %sign3A_60 : i32
      %sign3A_62 = arith.extui %sign3A_61 : i1 to i32
      %sign3A_63 = arith.subi %sign3A_59, %sign3A_62 : i32
      %sign3A_64 = arith.constant 0 : i32
      %sign3A_65 = arith.cmpi sgt, %jit3A_55, %sign3A_64 : i32
      %sign3A_66 = arith.extui %sign3A_65 : i1 to i32
      %sign3A_67 = arith.constant 0 : i32
      %sign3A_68 = arith.cmpi slt, %jit3A_55, %sign3A_67 : i32
      %sign3A_69 = arith.extui %sign3A_68 : i1 to i32
      %sign3A_70 = arith.subi %sign3A_66, %sign3A_69 : i32
      %ne3A_71 = arith.cmpi ne, %sign3A_63, %sign3A_70 : i32
      %rem3A_72 = arith.remsi %arg1, %jit3A_55 : i32
      %ne3A_73 = arith.constant 0 : i32
      %ne3A_74 = arith.cmpi ne, %rem3A_72, %ne3A_73 : i32
      %and3A_75 = arith.andi %ne3A_71, %ne3A_74 : i1
      %sub3A_76 = arith.constant 1 : i32
      %sub3A_77 = arith.subi %div3A_56, %sub3A_76 : i32
      %select_n3A_78 = arith.select %and3A_75, %sub3A_77, %div3A_56 : i32
      %mul3A_79 = arith.constant 8 : i32
      %mul3A_80 = arith.muli %select_n3A_78, %mul3A_79 : i32
      "tpu.region"() ({
        %run_scoped3A = tpu.sem_alloc : memref<!tpu.dma_semaphore, #tpu.memory_space<semaphore_mem>>
        %dma_start3A_700 = arith.constant 0 : i32
        %dma_start3A_701 = tpu.memref_slice %arg9[%mul3A_80, %dma_start3A_700] : memref<16x128xf32, #tpu.memory_space<vmem_shared>> -> memref<8x128xf32, #tpu.memory_space<vmem_shared>>
        %dma_start3A_702 = arith.constant 0 : i32
        %dma_start3A_703 = tpu.memref_slice %arg9[%mul3A_80, %dma_start3A_702] : memref<16x128xf32, #tpu.memory_space<vmem_shared>> -> memref<8x128xf32, #tpu.memory_space<vmem_shared>>
        tpu.enqueue_dma source(%dma_start3A_703 : memref<8x128xf32, #tpu.memory_space<vmem_shared>>) target(%arg7 : memref<8x128xf32, #tpu.memory_space<vmem>>) target_semaphore(%run_scoped3A : memref<!tpu.dma_semaphore, #tpu.memory_space<semaphore_mem>>)
        %dma_wait3A = arith.constant 0 : i32
        %dma_wait3A_704 = tpu.memref_slice %arg9[%mul3A_80, %dma_wait3A] : memref<16x128xf32, #tpu.memory_space<vmem_shared>> -> memref<8x128xf32, #tpu.memory_space<vmem_shared>>
        %dma_wait3A_705 = arith.constant 0 : i32
        %dma_wait3A_706 = tpu.memref_slice %arg9[%mul3A_80, %dma_wait3A_705] : memref<16x128xf32, #tpu.memory_space<vmem_shared>> -> memref<8x128xf32, #tpu.memory_space<vmem_shared>>
        tpu.wait_dma2 semaphore(%run_scoped3A : memref<!tpu.dma_semaphore, #tpu.memory_space<semaphore_mem>>) src(%dma_wait3A_706 : memref<8x128xf32, #tpu.memory_space<vmem_shared>>) dst(%arg7 : memref<8x128xf32, #tpu.memory_space<vmem>>)
        tpu.yield
      }) : () -> ()
      %get3A = arith.constant 0 : i32
      %get3A_81 = arith.index_cast %get3A : i32 to index
      %get3A_82 = arith.constant 0 : index
      %get3A_83 = tpu.vector_load %arg7[%get3A_81, %get3A_82] {strides = array<i32>} : memref<8x128xf32, #tpu.memory_space<vmem>>, vector<16xf32>,
      %min3A = arith.minimumf %broadcast_in_dim3A_31, %get3A_83 : vector<16xf32>
      %max3A = arith.maximumf %broadcast_in_dim3A_31, %get3A_83 : vector<16xf32>
      %min3A_84 = arith.minimumf %broadcast_in_dim3A_31, %max3A : vector<16xf32>
      %max3A_85 = arith.maximumf %broadcast_in_dim3A_31, %max3A : vector<16xf32>
      %min3A_86 = arith.minimumf %broadcast_in_dim3A_31, %max3A_85 : vector<16xf32>
      %max3A_87 = arith.maximumf %broadcast_in_dim3A_31, %max3A_85 : vector<16xf32>
      %min3A_88 = arith.minimumf %broadcast_in_dim3A_31, %max3A_87 : vector<16xf32>
      %max3A_89 = arith.maximumf %broadcast_in_dim3A_31, %max3A_87 : vector<16xf32>
      %min3A_90 = arith.minimumf %broadcast_in_dim3A_31, %max3A_89 : vector<16xf32>
      %max3A_91 = arith.maximumf %broadcast_in_dim3A_31, %max3A_89 : vector<16xf32>
      %get3A_92 = arith.constant 0 : i32
      %get3A_93 = arith.index_cast %get3A_92 : i32 to index
      %get3A_94 = arith.constant 16 : index
      %get3A_95 = tpu.vector_load %arg7[%get3A_93, %get3A_94] {strides = array<i32>} : memref<8x128xf32, #tpu.memory_space<vmem>>, vector<16xf32>,
      %min3A_96 = arith.minimumf %min3A, %get3A_95 : vector<16xf32>
      %max3A_97 = arith.maximumf %min3A, %get3A_95 : vector<16xf32>
      %min3A_98 = arith.minimumf %min3A_84, %max3A_97 : vector<16xf32>
      %max3A_99 = arith.maximumf %min3A_84, %max3A_97 : vector<16xf32>
      %min3A_100 = arith.minimumf %min3A_86, %max3A_99 : vector<16xf32>
      %max3A_101 = arith.maximumf %min3A_86, %max3A_99 : vector<16xf32>
      %min3A_102 = arith.minimumf %min3A_88, %max3A_101 : vector<16xf32>
      %max3A_103 = arith.maximumf %min3A_88, %max3A_101 : vector<16xf32>
      %min3A_104 = arith.minimumf %min3A_90, %max3A_103 : vector<16xf32>
      %max3A_105 = arith.maximumf %min3A_90, %max3A_103 : vector<16xf32>
      %get3A_106 = arith.constant 0 : i32
      %get3A_107 = arith.index_cast %get3A_106 : i32 to index
      %get3A_108 = arith.constant 32 : index
      %get3A_109 = tpu.vector_load %arg7[%get3A_107, %get3A_108] {strides = array<i32>} : memref<8x128xf32, #tpu.memory_space<vmem>>, vector<16xf32>,
      %min3A_110 = arith.minimumf %min3A_96, %get3A_109 : vector<16xf32>
      %max3A_111 = arith.maximumf %min3A_96, %get3A_109 : vector<16xf32>
      %min3A_112 = arith.minimumf %min3A_98, %max3A_111 : vector<16xf32>
      %max3A_113 = arith.maximumf %min3A_98, %max3A_111 : vector<16xf32>
      %min3A_114 = arith.minimumf %min3A_100, %max3A_113 : vector<16xf32>
      %max3A_115 = arith.maximumf %min3A_100, %max3A_113 : vector<16xf32>
      %min3A_116 = arith.minimumf %min3A_102, %max3A_115 : vector<16xf32>
      %max3A_117 = arith.maximumf %min3A_102, %max3A_115 : vector<16xf32>
      %min3A_118 = arith.minimumf %min3A_104, %max3A_117 : vector<16xf32>
      %max3A_119 = arith.maximumf %min3A_104, %max3A_117 : vector<16xf32>
      %get3A_120 = arith.constant 0 : i32
      %get3A_121 = arith.index_cast %get3A_120 : i32 to index
      %get3A_122 = arith.constant 48 : index
      %get3A_123 = tpu.vector_load %arg7[%get3A_121, %get3A_122] {strides = array<i32>} : memref<8x128xf32, #tpu.memory_space<vmem>>, vector<16xf32>,
      %min3A_124 = arith.minimumf %min3A_110, %get3A_123 : vector<16xf32>
      %max3A_125 = arith.maximumf %min3A_110, %get3A_123 : vector<16xf32>
      %min3A_126 = arith.minimumf %min3A_112, %max3A_125 : vector<16xf32>
      %max3A_127 = arith.maximumf %min3A_112, %max3A_125 : vector<16xf32>
      %min3A_128 = arith.minimumf %min3A_114, %max3A_127 : vector<16xf32>
      %max3A_129 = arith.maximumf %min3A_114, %max3A_127 : vector<16xf32>
      %min3A_130 = arith.minimumf %min3A_116, %max3A_129 : vector<16xf32>
      %max3A_131 = arith.maximumf %min3A_116, %max3A_129 : vector<16xf32>
      %min3A_132 = arith.minimumf %min3A_118, %max3A_131 : vector<16xf32>
      %max3A_133 = arith.maximumf %min3A_118, %max3A_131 : vector<16xf32>
      %get3A_134 = arith.constant 0 : i32
      %get3A_135 = arith.index_cast %get3A_134 : i32 to index
      %get3A_136 = arith.constant 64 : index
      %get3A_137 = tpu.vector_load %arg7[%get3A_135, %get3A_136] {strides = array<i32>} : memref<8x128xf32, #tpu.memory_space<vmem>>, vector<16xf32>,
      %min3A_138 = arith.minimumf %min3A_124, %get3A_137 : vector<16xf32>
      %max3A_139 = arith.maximumf %min3A_124, %get3A_137 : vector<16xf32>
      %min3A_140 = arith.minimumf %min3A_126, %max3A_139 : vector<16xf32>
      %max3A_141 = arith.maximumf %min3A_126, %max3A_139 : vector<16xf32>
      %min3A_142 = arith.minimumf %min3A_128, %max3A_141 : vector<16xf32>
      %max3A_143 = arith.maximumf %min3A_128, %max3A_141 : vector<16xf32>
      %min3A_144 = arith.minimumf %min3A_130, %max3A_143 : vector<16xf32>
      %max3A_145 = arith.maximumf %min3A_130, %max3A_143 : vector<16xf32>
      %min3A_146 = arith.minimumf %min3A_132, %max3A_145 : vector<16xf32>
      %max3A_147 = arith.maximumf %min3A_132, %max3A_145 : vector<16xf32>
      %get3A_148 = arith.constant 1 : i32
      %get3A_149 = arith.index_cast %get3A_148 : i32 to index
      %get3A_150 = arith.constant 0 : index
      %get3A_151 = tpu.vector_load %arg7[%get3A_149, %get3A_150] {strides = array<i32>} : memref<8x128xf32, #tpu.memory_space<vmem>>, vector<16xf32>,
      %min3A_152 = arith.minimumf %min3A_138, %get3A_151 : vector<16xf32>
      %max3A_153 = arith.maximumf %min3A_138, %get3A_151 : vector<16xf32>
      %min3A_154 = arith.minimumf %min3A_140, %max3A_153 : vector<16xf32>
      %max3A_155 = arith.maximumf %min3A_140, %max3A_153 : vector<16xf32>
      %min3A_156 = arith.minimumf %min3A_142, %max3A_155 : vector<16xf32>
      %max3A_157 = arith.maximumf %min3A_142, %max3A_155 : vector<16xf32>
      %min3A_158 = arith.minimumf %min3A_144, %max3A_157 : vector<16xf32>
      %max3A_159 = arith.maximumf %min3A_144, %max3A_157 : vector<16xf32>
      %min3A_160 = arith.minimumf %min3A_146, %max3A_159 : vector<16xf32>
      %max3A_161 = arith.maximumf %min3A_146, %max3A_159 : vector<16xf32>
      %get3A_162 = arith.constant 1 : i32
      %get3A_163 = arith.index_cast %get3A_162 : i32 to index
      %get3A_164 = arith.constant 16 : index
      %get3A_165 = tpu.vector_load %arg7[%get3A_163, %get3A_164] {strides = array<i32>} : memref<8x128xf32, #tpu.memory_space<vmem>>, vector<16xf32>,
      %min3A_166 = arith.minimumf %min3A_152, %get3A_165 : vector<16xf32>
      %max3A_167 = arith.maximumf %min3A_152, %get3A_165 : vector<16xf32>
      %min3A_168 = arith.minimumf %min3A_154, %max3A_167 : vector<16xf32>
      %max3A_169 = arith.maximumf %min3A_154, %max3A_167 : vector<16xf32>
      %min3A_170 = arith.minimumf %min3A_156, %max3A_169 : vector<16xf32>
      %max3A_171 = arith.maximumf %min3A_156, %max3A_169 : vector<16xf32>
      %min3A_172 = arith.minimumf %min3A_158, %max3A_171 : vector<16xf32>
      %max3A_173 = arith.maximumf %min3A_158, %max3A_171 : vector<16xf32>
      %min3A_174 = arith.minimumf %min3A_160, %max3A_173 : vector<16xf32>
      %max3A_175 = arith.maximumf %min3A_160, %max3A_173 : vector<16xf32>
      %get3A_176 = arith.constant 1 : i32
      %get3A_177 = arith.index_cast %get3A_176 : i32 to index
      %get3A_178 = arith.constant 32 : index
      %get3A_179 = tpu.vector_load %arg7[%get3A_177, %get3A_178] {strides = array<i32>} : memref<8x128xf32, #tpu.memory_space<vmem>>, vector<16xf32>,
      %min3A_180 = arith.minimumf %min3A_166, %get3A_179 : vector<16xf32>
      %max3A_181 = arith.maximumf %min3A_166, %get3A_179 : vector<16xf32>
      %min3A_182 = arith.minimumf %min3A_168, %max3A_181 : vector<16xf32>
      %max3A_183 = arith.maximumf %min3A_168, %max3A_181 : vector<16xf32>
      %min3A_184 = arith.minimumf %min3A_170, %max3A_183 : vector<16xf32>
      %max3A_185 = arith.maximumf %min3A_170, %max3A_183 : vector<16xf32>
      %min3A_186 = arith.minimumf %min3A_172, %max3A_185 : vector<16xf32>
      %max3A_187 = arith.maximumf %min3A_172, %max3A_185 : vector<16xf32>
      %min3A_188 = arith.minimumf %min3A_174, %max3A_187 : vector<16xf32>
      %max3A_189 = arith.maximumf %min3A_174, %max3A_187 : vector<16xf32>
      %get3A_190 = arith.constant 1 : i32
      %get3A_191 = arith.index_cast %get3A_190 : i32 to index
      %get3A_192 = arith.constant 48 : index
      %get3A_193 = tpu.vector_load %arg7[%get3A_191, %get3A_192] {strides = array<i32>} : memref<8x128xf32, #tpu.memory_space<vmem>>, vector<16xf32>,
      %min3A_194 = arith.minimumf %min3A_180, %get3A_193 : vector<16xf32>
      %max3A_195 = arith.maximumf %min3A_180, %get3A_193 : vector<16xf32>
      %min3A_196 = arith.minimumf %min3A_182, %max3A_195 : vector<16xf32>
      %max3A_197 = arith.maximumf %min3A_182, %max3A_195 : vector<16xf32>
      %min3A_198 = arith.minimumf %min3A_184, %max3A_197 : vector<16xf32>
      %max3A_199 = arith.maximumf %min3A_184, %max3A_197 : vector<16xf32>
      %min3A_200 = arith.minimumf %min3A_186, %max3A_199 : vector<16xf32>
      %max3A_201 = arith.maximumf %min3A_186, %max3A_199 : vector<16xf32>
      %min3A_202 = arith.minimumf %min3A_188, %max3A_201 : vector<16xf32>
      %max3A_203 = arith.maximumf %min3A_188, %max3A_201 : vector<16xf32>
      %get3A_204 = arith.constant 1 : i32
      %get3A_205 = arith.index_cast %get3A_204 : i32 to index
      %get3A_206 = arith.constant 64 : index
      %get3A_207 = tpu.vector_load %arg7[%get3A_205, %get3A_206] {strides = array<i32>} : memref<8x128xf32, #tpu.memory_space<vmem>>, vector<16xf32>,
      %min3A_208 = arith.minimumf %min3A_194, %get3A_207 : vector<16xf32>
      %max3A_209 = arith.maximumf %min3A_194, %get3A_207 : vector<16xf32>
      %min3A_210 = arith.minimumf %min3A_196, %max3A_209 : vector<16xf32>
      %max3A_211 = arith.maximumf %min3A_196, %max3A_209 : vector<16xf32>
      %min3A_212 = arith.minimumf %min3A_198, %max3A_211 : vector<16xf32>
      %max3A_213 = arith.maximumf %min3A_198, %max3A_211 : vector<16xf32>
      %min3A_214 = arith.minimumf %min3A_200, %max3A_213 : vector<16xf32>
      %max3A_215 = arith.maximumf %min3A_200, %max3A_213 : vector<16xf32>
      %min3A_216 = arith.minimumf %min3A_202, %max3A_215 : vector<16xf32>
      %max3A_217 = arith.maximumf %min3A_202, %max3A_215 : vector<16xf32>
      %get3A_218 = arith.constant 2 : i32
      %get3A_219 = arith.index_cast %get3A_218 : i32 to index
      %get3A_220 = arith.constant 0 : index
      %get3A_221 = tpu.vector_load %arg7[%get3A_219, %get3A_220] {strides = array<i32>} : memref<8x128xf32, #tpu.memory_space<vmem>>, vector<16xf32>,
      %min3A_222 = arith.minimumf %min3A_208, %get3A_221 : vector<16xf32>
      %max3A_223 = arith.maximumf %min3A_208, %get3A_221 : vector<16xf32>
      %min3A_224 = arith.minimumf %min3A_210, %max3A_223 : vector<16xf32>
      %max3A_225 = arith.maximumf %min3A_210, %max3A_223 : vector<16xf32>
      %min3A_226 = arith.minimumf %min3A_212, %max3A_225 : vector<16xf32>
      %max3A_227 = arith.maximumf %min3A_212, %max3A_225 : vector<16xf32>
      %min3A_228 = arith.minimumf %min3A_214, %max3A_227 : vector<16xf32>
      %max3A_229 = arith.maximumf %min3A_214, %max3A_227 : vector<16xf32>
      %min3A_230 = arith.minimumf %min3A_216, %max3A_229 : vector<16xf32>
      %max3A_231 = arith.maximumf %min3A_216, %max3A_229 : vector<16xf32>
      %get3A_232 = arith.constant 2 : i32
      %get3A_233 = arith.index_cast %get3A_232 : i32 to index
      %get3A_234 = arith.constant 16 : index
      %get3A_235 = tpu.vector_load %arg7[%get3A_233, %get3A_234] {strides = array<i32>} : memref<8x128xf32, #tpu.memory_space<vmem>>, vector<16xf32>,
      %min3A_236 = arith.minimumf %min3A_222, %get3A_235 : vector<16xf32>
      %max3A_237 = arith.maximumf %min3A_222, %get3A_235 : vector<16xf32>
      %min3A_238 = arith.minimumf %min3A_224, %max3A_237 : vector<16xf32>
      %max3A_239 = arith.maximumf %min3A_224, %max3A_237 : vector<16xf32>
      %min3A_240 = arith.minimumf %min3A_226, %max3A_239 : vector<16xf32>
      %max3A_241 = arith.maximumf %min3A_226, %max3A_239 : vector<16xf32>
      %min3A_242 = arith.minimumf %min3A_228, %max3A_241 : vector<16xf32>
      %max3A_243 = arith.maximumf %min3A_228, %max3A_241 : vector<16xf32>
      %min3A_244 = arith.minimumf %min3A_230, %max3A_243 : vector<16xf32>
      %max3A_245 = arith.maximumf %min3A_230, %max3A_243 : vector<16xf32>
      %get3A_246 = arith.constant 2 : i32
      %get3A_247 = arith.index_cast %get3A_246 : i32 to index
      %get3A_248 = arith.constant 32 : index
      %get3A_249 = tpu.vector_load %arg7[%get3A_247, %get3A_248] {strides = array<i32>} : memref<8x128xf32, #tpu.memory_space<vmem>>, vector<16xf32>,
      %min3A_250 = arith.minimumf %min3A_236, %get3A_249 : vector<16xf32>
      %max3A_251 = arith.maximumf %min3A_236, %get3A_249 : vector<16xf32>
      %min3A_252 = arith.minimumf %min3A_238, %max3A_251 : vector<16xf32>
      %max3A_253 = arith.maximumf %min3A_238, %max3A_251 : vector<16xf32>
      %min3A_254 = arith.minimumf %min3A_240, %max3A_253 : vector<16xf32>
      %max3A_255 = arith.maximumf %min3A_240, %max3A_253 : vector<16xf32>
      %min3A_256 = arith.minimumf %min3A_242, %max3A_255 : vector<16xf32>
      %max3A_257 = arith.maximumf %min3A_242, %max3A_255 : vector<16xf32>
      %min3A_258 = arith.minimumf %min3A_244, %max3A_257 : vector<16xf32>
      %max3A_259 = arith.maximumf %min3A_244, %max3A_257 : vector<16xf32>
      %get3A_260 = arith.constant 2 : i32
      %get3A_261 = arith.index_cast %get3A_260 : i32 to index
      %get3A_262 = arith.constant 48 : index
      %get3A_263 = tpu.vector_load %arg7[%get3A_261, %get3A_262] {strides = array<i32>} : memref<8x128xf32, #tpu.memory_space<vmem>>, vector<16xf32>,
      %min3A_264 = arith.minimumf %min3A_250, %get3A_263 : vector<16xf32>
      %max3A_265 = arith.maximumf %min3A_250, %get3A_263 : vector<16xf32>
      %min3A_266 = arith.minimumf %min3A_252, %max3A_265 : vector<16xf32>
      %max3A_267 = arith.maximumf %min3A_252, %max3A_265 : vector<16xf32>
      %min3A_268 = arith.minimumf %min3A_254, %max3A_267 : vector<16xf32>
      %max3A_269 = arith.maximumf %min3A_254, %max3A_267 : vector<16xf32>
      %min3A_270 = arith.minimumf %min3A_256, %max3A_269 : vector<16xf32>
      %max3A_271 = arith.maximumf %min3A_256, %max3A_269 : vector<16xf32>
      %min3A_272 = arith.minimumf %min3A_258, %max3A_271 : vector<16xf32>
      %max3A_273 = arith.maximumf %min3A_258, %max3A_271 : vector<16xf32>
      %get3A_274 = arith.constant 2 : i32
      %get3A_275 = arith.index_cast %get3A_274 : i32 to index
      %get3A_276 = arith.constant 64 : index
      %get3A_277 = tpu.vector_load %arg7[%get3A_275, %get3A_276] {strides = array<i32>} : memref<8x128xf32, #tpu.memory_space<vmem>>, vector<16xf32>,
      %min3A_278 = arith.minimumf %min3A_264, %get3A_277 : vector<16xf32>
      %max3A_279 = arith.maximumf %min3A_264, %get3A_277 : vector<16xf32>
      %min3A_280 = arith.minimumf %min3A_266, %max3A_279 : vector<16xf32>
      %max3A_281 = arith.maximumf %min3A_266, %max3A_279 : vector<16xf32>
      %min3A_282 = arith.minimumf %min3A_268, %max3A_281 : vector<16xf32>
      %max3A_283 = arith.maximumf %min3A_268, %max3A_281 : vector<16xf32>
      %min3A_284 = arith.minimumf %min3A_270, %max3A_283 : vector<16xf32>
      %max3A_285 = arith.maximumf %min3A_270, %max3A_283 : vector<16xf32>
      %min3A_286 = arith.minimumf %min3A_272, %max3A_285 : vector<16xf32>
      %max3A_287 = arith.maximumf %min3A_272, %max3A_285 : vector<16xf32>
      %get3A_288 = arith.constant 3 : i32
      %get3A_289 = arith.index_cast %get3A_288 : i32 to index
      %get3A_290 = arith.constant 0 : index
      %get3A_291 = tpu.vector_load %arg7[%get3A_289, %get3A_290] {strides = array<i32>} : memref<8x128xf32, #tpu.memory_space<vmem>>, vector<16xf32>,
      %min3A_292 = arith.minimumf %min3A_278, %get3A_291 : vector<16xf32>
      %max3A_293 = arith.maximumf %min3A_278, %get3A_291 : vector<16xf32>
      %min3A_294 = arith.minimumf %min3A_280, %max3A_293 : vector<16xf32>
      %max3A_295 = arith.maximumf %min3A_280, %max3A_293 : vector<16xf32>
      %min3A_296 = arith.minimumf %min3A_282, %max3A_295 : vector<16xf32>
      %max3A_297 = arith.maximumf %min3A_282, %max3A_295 : vector<16xf32>
      %min3A_298 = arith.minimumf %min3A_284, %max3A_297 : vector<16xf32>
      %max3A_299 = arith.maximumf %min3A_284, %max3A_297 : vector<16xf32>
      %min3A_300 = arith.minimumf %min3A_286, %max3A_299 : vector<16xf32>
      %max3A_301 = arith.maximumf %min3A_286, %max3A_299 : vector<16xf32>
      %get3A_302 = arith.constant 3 : i32
      %get3A_303 = arith.index_cast %get3A_302 : i32 to index
      %get3A_304 = arith.constant 16 : index
      %get3A_305 = tpu.vector_load %arg7[%get3A_303, %get3A_304] {strides = array<i32>} : memref<8x128xf32, #tpu.memory_space<vmem>>, vector<16xf32>,
      %min3A_306 = arith.minimumf %min3A_292, %get3A_305 : vector<16xf32>
      %max3A_307 = arith.maximumf %min3A_292, %get3A_305 : vector<16xf32>
      %min3A_308 = arith.minimumf %min3A_294, %max3A_307 : vector<16xf32>
      %max3A_309 = arith.maximumf %min3A_294, %max3A_307 : vector<16xf32>
      %min3A_310 = arith.minimumf %min3A_296, %max3A_309 : vector<16xf32>
      %max3A_311 = arith.maximumf %min3A_296, %max3A_309 : vector<16xf32>
      %min3A_312 = arith.minimumf %min3A_298, %max3A_311 : vector<16xf32>
      %max3A_313 = arith.maximumf %min3A_298, %max3A_311 : vector<16xf32>
      %min3A_314 = arith.minimumf %min3A_300, %max3A_313 : vector<16xf32>
      %max3A_315 = arith.maximumf %min3A_300, %max3A_313 : vector<16xf32>
      %get3A_316 = arith.constant 3 : i32
      %get3A_317 = arith.index_cast %get3A_316 : i32 to index
      %get3A_318 = arith.constant 32 : index
      %get3A_319 = tpu.vector_load %arg7[%get3A_317, %get3A_318] {strides = array<i32>} : memref<8x128xf32, #tpu.memory_space<vmem>>, vector<16xf32>,
      %min3A_320 = arith.minimumf %min3A_306, %get3A_319 : vector<16xf32>
      %max3A_321 = arith.maximumf %min3A_306, %get3A_319 : vector<16xf32>
      %min3A_322 = arith.minimumf %min3A_308, %max3A_321 : vector<16xf32>
      %max3A_323 = arith.maximumf %min3A_308, %max3A_321 : vector<16xf32>
      %min3A_324 = arith.minimumf %min3A_310, %max3A_323 : vector<16xf32>
      %max3A_325 = arith.maximumf %min3A_310, %max3A_323 : vector<16xf32>
      %min3A_326 = arith.minimumf %min3A_312, %max3A_325 : vector<16xf32>
      %max3A_327 = arith.maximumf %min3A_312, %max3A_325 : vector<16xf32>
      %min3A_328 = arith.minimumf %min3A_314, %max3A_327 : vector<16xf32>
      %max3A_329 = arith.maximumf %min3A_314, %max3A_327 : vector<16xf32>
      %get3A_330 = arith.constant 3 : i32
      %get3A_331 = arith.index_cast %get3A_330 : i32 to index
      %get3A_332 = arith.constant 48 : index
      %get3A_333 = tpu.vector_load %arg7[%get3A_331, %get3A_332] {strides = array<i32>} : memref<8x128xf32, #tpu.memory_space<vmem>>, vector<16xf32>,
      %min3A_334 = arith.minimumf %min3A_320, %get3A_333 : vector<16xf32>
      %max3A_335 = arith.maximumf %min3A_320, %get3A_333 : vector<16xf32>
      %min3A_336 = arith.minimumf %min3A_322, %max3A_335 : vector<16xf32>
      %max3A_337 = arith.maximumf %min3A_322, %max3A_335 : vector<16xf32>
      %min3A_338 = arith.minimumf %min3A_324, %max3A_337 : vector<16xf32>
      %max3A_339 = arith.maximumf %min3A_324, %max3A_337 : vector<16xf32>
      %min3A_340 = arith.minimumf %min3A_326, %max3A_339 : vector<16xf32>
      %max3A_341 = arith.maximumf %min3A_326, %max3A_339 : vector<16xf32>
      %min3A_342 = arith.minimumf %min3A_328, %max3A_341 : vector<16xf32>
      %max3A_343 = arith.maximumf %min3A_328, %max3A_341 : vector<16xf32>
      %get3A_344 = arith.constant 3 : i32
      %get3A_345 = arith.index_cast %get3A_344 : i32 to index
      %get3A_346 = arith.constant 64 : index
      %get3A_347 = tpu.vector_load %arg7[%get3A_345, %get3A_346] {strides = array<i32>} : memref<8x128xf32, #tpu.memory_space<vmem>>, vector<16xf32>,
      %min3A_348 = arith.minimumf %min3A_334, %get3A_347 : vector<16xf32>
      %max3A_349 = arith.maximumf %min3A_334, %get3A_347 : vector<16xf32>
      %min3A_350 = arith.minimumf %min3A_336, %max3A_349 : vector<16xf32>
      %max3A_351 = arith.maximumf %min3A_336, %max3A_349 : vector<16xf32>
      %min3A_352 = arith.minimumf %min3A_338, %max3A_351 : vector<16xf32>
      %max3A_353 = arith.maximumf %min3A_338, %max3A_351 : vector<16xf32>
      %min3A_354 = arith.minimumf %min3A_340, %max3A_353 : vector<16xf32>
      %max3A_355 = arith.maximumf %min3A_340, %max3A_353 : vector<16xf32>
      %min3A_356 = arith.minimumf %min3A_342, %max3A_355 : vector<16xf32>
      %max3A_357 = arith.maximumf %min3A_342, %max3A_355 : vector<16xf32>
      %get3A_358 = arith.constant 4 : i32
      %get3A_359 = arith.index_cast %get3A_358 : i32 to index
      %get3A_360 = arith.constant 0 : index
      %get3A_361 = tpu.vector_load %arg7[%get3A_359, %get3A_360] {strides = array<i32>} : memref<8x128xf32, #tpu.memory_space<vmem>>, vector<16xf32>,
      %min3A_362 = arith.minimumf %min3A_348, %get3A_361 : vector<16xf32>
      %max3A_363 = arith.maximumf %min3A_348, %get3A_361 : vector<16xf32>
      %min3A_364 = arith.minimumf %min3A_350, %max3A_363 : vector<16xf32>
      %max3A_365 = arith.maximumf %min3A_350, %max3A_363 : vector<16xf32>
      %min3A_366 = arith.minimumf %min3A_352, %max3A_365 : vector<16xf32>
      %max3A_367 = arith.maximumf %min3A_352, %max3A_365 : vector<16xf32>
      %min3A_368 = arith.minimumf %min3A_354, %max3A_367 : vector<16xf32>
      %max3A_369 = arith.maximumf %min3A_354, %max3A_367 : vector<16xf32>
      %min3A_370 = arith.minimumf %min3A_356, %max3A_369 : vector<16xf32>
      %max3A_371 = arith.maximumf %min3A_356, %max3A_369 : vector<16xf32>
      %get3A_372 = arith.constant 4 : i32
      %get3A_373 = arith.index_cast %get3A_372 : i32 to index
      %get3A_374 = arith.constant 16 : index
      %get3A_375 = tpu.vector_load %arg7[%get3A_373, %get3A_374] {strides = array<i32>} : memref<8x128xf32, #tpu.memory_space<vmem>>, vector<16xf32>,
      %min3A_376 = arith.minimumf %min3A_362, %get3A_375 : vector<16xf32>
      %max3A_377 = arith.maximumf %min3A_362, %get3A_375 : vector<16xf32>
      %min3A_378 = arith.minimumf %min3A_364, %max3A_377 : vector<16xf32>
      %max3A_379 = arith.maximumf %min3A_364, %max3A_377 : vector<16xf32>
      %min3A_380 = arith.minimumf %min3A_366, %max3A_379 : vector<16xf32>
      %max3A_381 = arith.maximumf %min3A_366, %max3A_379 : vector<16xf32>
      %min3A_382 = arith.minimumf %min3A_368, %max3A_381 : vector<16xf32>
      %max3A_383 = arith.maximumf %min3A_368, %max3A_381 : vector<16xf32>
      %min3A_384 = arith.minimumf %min3A_370, %max3A_383 : vector<16xf32>
      %max3A_385 = arith.maximumf %min3A_370, %max3A_383 : vector<16xf32>
      %get3A_386 = arith.constant 4 : i32
      %get3A_387 = arith.index_cast %get3A_386 : i32 to index
      %get3A_388 = arith.constant 32 : index
      %get3A_389 = tpu.vector_load %arg7[%get3A_387, %get3A_388] {strides = array<i32>} : memref<8x128xf32, #tpu.memory_space<vmem>>, vector<16xf32>,
      %min3A_390 = arith.minimumf %min3A_376, %get3A_389 : vector<16xf32>
      %max3A_391 = arith.maximumf %min3A_376, %get3A_389 : vector<16xf32>
      %min3A_392 = arith.minimumf %min3A_378, %max3A_391 : vector<16xf32>
      %max3A_393 = arith.maximumf %min3A_378, %max3A_391 : vector<16xf32>
      %min3A_394 = arith.minimumf %min3A_380, %max3A_393 : vector<16xf32>
      %max3A_395 = arith.maximumf %min3A_380, %max3A_393 : vector<16xf32>
      %min3A_396 = arith.minimumf %min3A_382, %max3A_395 : vector<16xf32>
      %max3A_397 = arith.maximumf %min3A_382, %max3A_395 : vector<16xf32>
      %min3A_398 = arith.minimumf %min3A_384, %max3A_397 : vector<16xf32>
      %max3A_399 = arith.maximumf %min3A_384, %max3A_397 : vector<16xf32>
      %get3A_400 = arith.constant 4 : i32
      %get3A_401 = arith.index_cast %get3A_400 : i32 to index
      %get3A_402 = arith.constant 48 : index
      %get3A_403 = tpu.vector_load %arg7[%get3A_401, %get3A_402] {strides = array<i32>} : memref<8x128xf32, #tpu.memory_space<vmem>>, vector<16xf32>,
      %min3A_404 = arith.minimumf %min3A_390, %get3A_403 : vector<16xf32>
      %max3A_405 = arith.maximumf %min3A_390, %get3A_403 : vector<16xf32>
      %min3A_406 = arith.minimumf %min3A_392, %max3A_405 : vector<16xf32>
      %max3A_407 = arith.maximumf %min3A_392, %max3A_405 : vector<16xf32>
      %min3A_408 = arith.minimumf %min3A_394, %max3A_407 : vector<16xf32>
      %max3A_409 = arith.maximumf %min3A_394, %max3A_407 : vector<16xf32>
      %min3A_410 = arith.minimumf %min3A_396, %max3A_409 : vector<16xf32>
      %max3A_411 = arith.maximumf %min3A_396, %max3A_409 : vector<16xf32>
      %min3A_412 = arith.minimumf %min3A_398, %max3A_411 : vector<16xf32>
      %max3A_413 = arith.maximumf %min3A_398, %max3A_411 : vector<16xf32>
      %get3A_414 = arith.constant 4 : i32
      %get3A_415 = arith.index_cast %get3A_414 : i32 to index
      %get3A_416 = arith.constant 64 : index
      %get3A_417 = tpu.vector_load %arg7[%get3A_415, %get3A_416] {strides = array<i32>} : memref<8x128xf32, #tpu.memory_space<vmem>>, vector<16xf32>,
      %min3A_418 = arith.minimumf %min3A_404, %get3A_417 : vector<16xf32>
      %max3A_419 = arith.maximumf %min3A_404, %get3A_417 : vector<16xf32>
      %min3A_420 = arith.minimumf %min3A_406, %max3A_419 : vector<16xf32>
      %max3A_421 = arith.maximumf %min3A_406, %max3A_419 : vector<16xf32>
      %min3A_422 = arith.minimumf %min3A_408, %max3A_421 : vector<16xf32>
      %max3A_423 = arith.maximumf %min3A_408, %max3A_421 : vector<16xf32>
      %min3A_424 = arith.minimumf %min3A_410, %max3A_423 : vector<16xf32>
      %max3A_425 = arith.maximumf %min3A_410, %max3A_423 : vector<16xf32>
      %min3A_426 = arith.minimumf %min3A_412, %max3A_425 : vector<16xf32>
      %max3A_427 = arith.maximumf %min3A_412, %max3A_425 : vector<16xf32>
      %get3A_428 = arith.constant 5 : i32
      %get3A_429 = arith.index_cast %get3A_428 : i32 to index
      %get3A_430 = arith.constant 0 : index
      %get3A_431 = tpu.vector_load %arg7[%get3A_429, %get3A_430] {strides = array<i32>} : memref<8x128xf32, #tpu.memory_space<vmem>>, vector<16xf32>,
      %min3A_432 = arith.minimumf %min3A_418, %get3A_431 : vector<16xf32>
      %max3A_433 = arith.maximumf %min3A_418, %get3A_431 : vector<16xf32>
      %min3A_434 = arith.minimumf %min3A_420, %max3A_433 : vector<16xf32>
      %max3A_435 = arith.maximumf %min3A_420, %max3A_433 : vector<16xf32>
      %min3A_436 = arith.minimumf %min3A_422, %max3A_435 : vector<16xf32>
      %max3A_437 = arith.maximumf %min3A_422, %max3A_435 : vector<16xf32>
      %min3A_438 = arith.minimumf %min3A_424, %max3A_437 : vector<16xf32>
      %max3A_439 = arith.maximumf %min3A_424, %max3A_437 : vector<16xf32>
      %min3A_440 = arith.minimumf %min3A_426, %max3A_439 : vector<16xf32>
      %max3A_441 = arith.maximumf %min3A_426, %max3A_439 : vector<16xf32>
      %get3A_442 = arith.constant 5 : i32
      %get3A_443 = arith.index_cast %get3A_442 : i32 to index
      %get3A_444 = arith.constant 16 : index
      %get3A_445 = tpu.vector_load %arg7[%get3A_443, %get3A_444] {strides = array<i32>} : memref<8x128xf32, #tpu.memory_space<vmem>>, vector<16xf32>,
      %min3A_446 = arith.minimumf %min3A_432, %get3A_445 : vector<16xf32>
      %max3A_447 = arith.maximumf %min3A_432, %get3A_445 : vector<16xf32>
      %min3A_448 = arith.minimumf %min3A_434, %max3A_447 : vector<16xf32>
      %max3A_449 = arith.maximumf %min3A_434, %max3A_447 : vector<16xf32>
      %min3A_450 = arith.minimumf %min3A_436, %max3A_449 : vector<16xf32>
      %max3A_451 = arith.maximumf %min3A_436, %max3A_449 : vector<16xf32>
      %min3A_452 = arith.minimumf %min3A_438, %max3A_451 : vector<16xf32>
      %max3A_453 = arith.maximumf %min3A_438, %max3A_451 : vector<16xf32>
      %min3A_454 = arith.minimumf %min3A_440, %max3A_453 : vector<16xf32>
      %max3A_455 = arith.maximumf %min3A_440, %max3A_453 : vector<16xf32>
      %get3A_456 = arith.constant 5 : i32
      %get3A_457 = arith.index_cast %get3A_456 : i32 to index
      %get3A_458 = arith.constant 32 : index
      %get3A_459 = tpu.vector_load %arg7[%get3A_457, %get3A_458] {strides = array<i32>} : memref<8x128xf32, #tpu.memory_space<vmem>>, vector<16xf32>,
      %min3A_460 = arith.minimumf %min3A_446, %get3A_459 : vector<16xf32>
      %max3A_461 = arith.maximumf %min3A_446, %get3A_459 : vector<16xf32>
      %min3A_462 = arith.minimumf %min3A_448, %max3A_461 : vector<16xf32>
      %max3A_463 = arith.maximumf %min3A_448, %max3A_461 : vector<16xf32>
      %min3A_464 = arith.minimumf %min3A_450, %max3A_463 : vector<16xf32>
      %max3A_465 = arith.maximumf %min3A_450, %max3A_463 : vector<16xf32>
      %min3A_466 = arith.minimumf %min3A_452, %max3A_465 : vector<16xf32>
      %max3A_467 = arith.maximumf %min3A_452, %max3A_465 : vector<16xf32>
      %min3A_468 = arith.minimumf %min3A_454, %max3A_467 : vector<16xf32>
      %max3A_469 = arith.maximumf %min3A_454, %max3A_467 : vector<16xf32>
      %get3A_470 = arith.constant 5 : i32
      %get3A_471 = arith.index_cast %get3A_470 : i32 to index
      %get3A_472 = arith.constant 48 : index
      %get3A_473 = tpu.vector_load %arg7[%get3A_471, %get3A_472] {strides = array<i32>} : memref<8x128xf32, #tpu.memory_space<vmem>>, vector<16xf32>,
      %min3A_474 = arith.minimumf %min3A_460, %get3A_473 : vector<16xf32>
      %max3A_475 = arith.maximumf %min3A_460, %get3A_473 : vector<16xf32>
      %min3A_476 = arith.minimumf %min3A_462, %max3A_475 : vector<16xf32>
      %max3A_477 = arith.maximumf %min3A_462, %max3A_475 : vector<16xf32>
      %min3A_478 = arith.minimumf %min3A_464, %max3A_477 : vector<16xf32>
      %max3A_479 = arith.maximumf %min3A_464, %max3A_477 : vector<16xf32>
      %min3A_480 = arith.minimumf %min3A_466, %max3A_479 : vector<16xf32>
      %max3A_481 = arith.maximumf %min3A_466, %max3A_479 : vector<16xf32>
      %min3A_482 = arith.minimumf %min3A_468, %max3A_481 : vector<16xf32>
      %max3A_483 = arith.maximumf %min3A_468, %max3A_481 : vector<16xf32>
      %get3A_484 = arith.constant 5 : i32
      %get3A_485 = arith.index_cast %get3A_484 : i32 to index
      %get3A_486 = arith.constant 64 : index
      %get3A_487 = tpu.vector_load %arg7[%get3A_485, %get3A_486] {strides = array<i32>} : memref<8x128xf32, #tpu.memory_space<vmem>>, vector<16xf32>,
      %min3A_488 = arith.minimumf %min3A_474, %get3A_487 : vector<16xf32>
      %max3A_489 = arith.maximumf %min3A_474, %get3A_487 : vector<16xf32>
      %min3A_490 = arith.minimumf %min3A_476, %max3A_489 : vector<16xf32>
      %max3A_491 = arith.maximumf %min3A_476, %max3A_489 : vector<16xf32>
      %min3A_492 = arith.minimumf %min3A_478, %max3A_491 : vector<16xf32>
      %max3A_493 = arith.maximumf %min3A_478, %max3A_491 : vector<16xf32>
      %min3A_494 = arith.minimumf %min3A_480, %max3A_493 : vector<16xf32>
      %max3A_495 = arith.maximumf %min3A_480, %max3A_493 : vector<16xf32>
      %min3A_496 = arith.minimumf %min3A_482, %max3A_495 : vector<16xf32>
      %max3A_497 = arith.maximumf %min3A_482, %max3A_495 : vector<16xf32>
      %get3A_498 = arith.constant 6 : i32
      %get3A_499 = arith.index_cast %get3A_498 : i32 to index
      %get3A_500 = arith.constant 0 : index
      %get3A_501 = tpu.vector_load %arg7[%get3A_499, %get3A_500] {strides = array<i32>} : memref<8x128xf32, #tpu.memory_space<vmem>>, vector<16xf32>,
      %min3A_502 = arith.minimumf %min3A_488, %get3A_501 : vector<16xf32>
      %max3A_503 = arith.maximumf %min3A_488, %get3A_501 : vector<16xf32>
      %min3A_504 = arith.minimumf %min3A_490, %max3A_503 : vector<16xf32>
      %max3A_505 = arith.maximumf %min3A_490, %max3A_503 : vector<16xf32>
      %min3A_506 = arith.minimumf %min3A_492, %max3A_505 : vector<16xf32>
      %max3A_507 = arith.maximumf %min3A_492, %max3A_505 : vector<16xf32>
      %min3A_508 = arith.minimumf %min3A_494, %max3A_507 : vector<16xf32>
      %max3A_509 = arith.maximumf %min3A_494, %max3A_507 : vector<16xf32>
      %min3A_510 = arith.minimumf %min3A_496, %max3A_509 : vector<16xf32>
      %max3A_511 = arith.maximumf %min3A_496, %max3A_509 : vector<16xf32>
      %get3A_512 = arith.constant 6 : i32
      %get3A_513 = arith.index_cast %get3A_512 : i32 to index
      %get3A_514 = arith.constant 16 : index
      %get3A_515 = tpu.vector_load %arg7[%get3A_513, %get3A_514] {strides = array<i32>} : memref<8x128xf32, #tpu.memory_space<vmem>>, vector<16xf32>,
      %min3A_516 = arith.minimumf %min3A_502, %get3A_515 : vector<16xf32>
      %max3A_517 = arith.maximumf %min3A_502, %get3A_515 : vector<16xf32>
      %min3A_518 = arith.minimumf %min3A_504, %max3A_517 : vector<16xf32>
      %max3A_519 = arith.maximumf %min3A_504, %max3A_517 : vector<16xf32>
      %min3A_520 = arith.minimumf %min3A_506, %max3A_519 : vector<16xf32>
      %max3A_521 = arith.maximumf %min3A_506, %max3A_519 : vector<16xf32>
      %min3A_522 = arith.minimumf %min3A_508, %max3A_521 : vector<16xf32>
      %max3A_523 = arith.maximumf %min3A_508, %max3A_521 : vector<16xf32>
      %min3A_524 = arith.minimumf %min3A_510, %max3A_523 : vector<16xf32>
      %max3A_525 = arith.maximumf %min3A_510, %max3A_523 : vector<16xf32>
      %get3A_526 = arith.constant 6 : i32
      %get3A_527 = arith.index_cast %get3A_526 : i32 to index
      %get3A_528 = arith.constant 32 : index
      %get3A_529 = tpu.vector_load %arg7[%get3A_527, %get3A_528] {strides = array<i32>} : memref<8x128xf32, #tpu.memory_space<vmem>>, vector<16xf32>,
      %min3A_530 = arith.minimumf %min3A_516, %get3A_529 : vector<16xf32>
      %max3A_531 = arith.maximumf %min3A_516, %get3A_529 : vector<16xf32>
      %min3A_532 = arith.minimumf %min3A_518, %max3A_531 : vector<16xf32>
      %max3A_533 = arith.maximumf %min3A_518, %max3A_531 : vector<16xf32>
      %min3A_534 = arith.minimumf %min3A_520, %max3A_533 : vector<16xf32>
      %max3A_535 = arith.maximumf %min3A_520, %max3A_533 : vector<16xf32>
      %min3A_536 = arith.minimumf %min3A_522, %max3A_535 : vector<16xf32>
      %max3A_537 = arith.maximumf %min3A_522, %max3A_535 : vector<16xf32>
      %min3A_538 = arith.minimumf %min3A_524, %max3A_537 : vector<16xf32>
      %max3A_539 = arith.maximumf %min3A_524, %max3A_537 : vector<16xf32>
      %get3A_540 = arith.constant 6 : i32
      %get3A_541 = arith.index_cast %get3A_540 : i32 to index
      %get3A_542 = arith.constant 48 : index
      %get3A_543 = tpu.vector_load %arg7[%get3A_541, %get3A_542] {strides = array<i32>} : memref<8x128xf32, #tpu.memory_space<vmem>>, vector<16xf32>,
      %min3A_544 = arith.minimumf %min3A_530, %get3A_543 : vector<16xf32>
      %max3A_545 = arith.maximumf %min3A_530, %get3A_543 : vector<16xf32>
      %min3A_546 = arith.minimumf %min3A_532, %max3A_545 : vector<16xf32>
      %max3A_547 = arith.maximumf %min3A_532, %max3A_545 : vector<16xf32>
      %min3A_548 = arith.minimumf %min3A_534, %max3A_547 : vector<16xf32>
      %max3A_549 = arith.maximumf %min3A_534, %max3A_547 : vector<16xf32>
      %min3A_550 = arith.minimumf %min3A_536, %max3A_549 : vector<16xf32>
      %max3A_551 = arith.maximumf %min3A_536, %max3A_549 : vector<16xf32>
      %min3A_552 = arith.minimumf %min3A_538, %max3A_551 : vector<16xf32>
      %max3A_553 = arith.maximumf %min3A_538, %max3A_551 : vector<16xf32>
      %get3A_554 = arith.constant 6 : i32
      %get3A_555 = arith.index_cast %get3A_554 : i32 to index
      %get3A_556 = arith.constant 64 : index
      %get3A_557 = tpu.vector_load %arg7[%get3A_555, %get3A_556] {strides = array<i32>} : memref<8x128xf32, #tpu.memory_space<vmem>>, vector<16xf32>,
      %min3A_558 = arith.minimumf %min3A_544, %get3A_557 : vector<16xf32>
      %max3A_559 = arith.maximumf %min3A_544, %get3A_557 : vector<16xf32>
      %min3A_560 = arith.minimumf %min3A_546, %max3A_559 : vector<16xf32>
      %max3A_561 = arith.maximumf %min3A_546, %max3A_559 : vector<16xf32>
      %min3A_562 = arith.minimumf %min3A_548, %max3A_561 : vector<16xf32>
      %max3A_563 = arith.maximumf %min3A_548, %max3A_561 : vector<16xf32>
      %min3A_564 = arith.minimumf %min3A_550, %max3A_563 : vector<16xf32>
      %max3A_565 = arith.maximumf %min3A_550, %max3A_563 : vector<16xf32>
      %min3A_566 = arith.minimumf %min3A_552, %max3A_565 : vector<16xf32>
      %max3A_567 = arith.maximumf %min3A_552, %max3A_565 : vector<16xf32>
      %get3A_568 = arith.constant 7 : i32
      %get3A_569 = arith.index_cast %get3A_568 : i32 to index
      %get3A_570 = arith.constant 0 : index
      %get3A_571 = tpu.vector_load %arg7[%get3A_569, %get3A_570] {strides = array<i32>} : memref<8x128xf32, #tpu.memory_space<vmem>>, vector<16xf32>,
      %min3A_572 = arith.minimumf %min3A_558, %get3A_571 : vector<16xf32>
      %max3A_573 = arith.maximumf %min3A_558, %get3A_571 : vector<16xf32>
      %min3A_574 = arith.minimumf %min3A_560, %max3A_573 : vector<16xf32>
      %max3A_575 = arith.maximumf %min3A_560, %max3A_573 : vector<16xf32>
      %min3A_576 = arith.minimumf %min3A_562, %max3A_575 : vector<16xf32>
      %max3A_577 = arith.maximumf %min3A_562, %max3A_575 : vector<16xf32>
      %min3A_578 = arith.minimumf %min3A_564, %max3A_577 : vector<16xf32>
      %max3A_579 = arith.maximumf %min3A_564, %max3A_577 : vector<16xf32>
      %min3A_580 = arith.minimumf %min3A_566, %max3A_579 : vector<16xf32>
      %max3A_581 = arith.maximumf %min3A_566, %max3A_579 : vector<16xf32>
      %get3A_582 = arith.constant 7 : i32
      %get3A_583 = arith.index_cast %get3A_582 : i32 to index
      %get3A_584 = arith.constant 16 : index
      %get3A_585 = tpu.vector_load %arg7[%get3A_583, %get3A_584] {strides = array<i32>} : memref<8x128xf32, #tpu.memory_space<vmem>>, vector<16xf32>,
      %min3A_586 = arith.minimumf %min3A_572, %get3A_585 : vector<16xf32>
      %max3A_587 = arith.maximumf %min3A_572, %get3A_585 : vector<16xf32>
      %min3A_588 = arith.minimumf %min3A_574, %max3A_587 : vector<16xf32>
      %max3A_589 = arith.maximumf %min3A_574, %max3A_587 : vector<16xf32>
      %min3A_590 = arith.minimumf %min3A_576, %max3A_589 : vector<16xf32>
      %max3A_591 = arith.maximumf %min3A_576, %max3A_589 : vector<16xf32>
      %min3A_592 = arith.minimumf %min3A_578, %max3A_591 : vector<16xf32>
      %max3A_593 = arith.maximumf %min3A_578, %max3A_591 : vector<16xf32>
      %min3A_594 = arith.minimumf %min3A_580, %max3A_593 : vector<16xf32>
      %max3A_595 = arith.maximumf %min3A_580, %max3A_593 : vector<16xf32>
      %get3A_596 = arith.constant 7 : i32
      %get3A_597 = arith.index_cast %get3A_596 : i32 to index
      %get3A_598 = arith.constant 32 : index
      %get3A_599 = tpu.vector_load %arg7[%get3A_597, %get3A_598] {strides = array<i32>} : memref<8x128xf32, #tpu.memory_space<vmem>>, vector<16xf32>,
      %min3A_600 = arith.minimumf %min3A_586, %get3A_599 : vector<16xf32>
      %max3A_601 = arith.maximumf %min3A_586, %get3A_599 : vector<16xf32>
      %min3A_602 = arith.minimumf %min3A_588, %max3A_601 : vector<16xf32>
      %max3A_603 = arith.maximumf %min3A_588, %max3A_601 : vector<16xf32>
      %min3A_604 = arith.minimumf %min3A_590, %max3A_603 : vector<16xf32>
      %max3A_605 = arith.maximumf %min3A_590, %max3A_603 : vector<16xf32>
      %min3A_606 = arith.minimumf %min3A_592, %max3A_605 : vector<16xf32>
      %max3A_607 = arith.maximumf %min3A_592, %max3A_605 : vector<16xf32>
      %min3A_608 = arith.minimumf %min3A_594, %max3A_607 : vector<16xf32>
      %max3A_609 = arith.maximumf %min3A_594, %max3A_607 : vector<16xf32>
      %get3A_610 = arith.constant 7 : i32
      %get3A_611 = arith.index_cast %get3A_610 : i32 to index
      %get3A_612 = arith.constant 48 : index
      %get3A_613 = tpu.vector_load %arg7[%get3A_611, %get3A_612] {strides = array<i32>} : memref<8x128xf32, #tpu.memory_space<vmem>>, vector<16xf32>,
      %min3A_614 = arith.minimumf %min3A_600, %get3A_613 : vector<16xf32>
      %max3A_615 = arith.maximumf %min3A_600, %get3A_613 : vector<16xf32>
      %min3A_616 = arith.minimumf %min3A_602, %max3A_615 : vector<16xf32>
      %max3A_617 = arith.maximumf %min3A_602, %max3A_615 : vector<16xf32>
      %min3A_618 = arith.minimumf %min3A_604, %max3A_617 : vector<16xf32>
      %max3A_619 = arith.maximumf %min3A_604, %max3A_617 : vector<16xf32>
      %min3A_620 = arith.minimumf %min3A_606, %max3A_619 : vector<16xf32>
      %max3A_621 = arith.maximumf %min3A_606, %max3A_619 : vector<16xf32>
      %min3A_622 = arith.minimumf %min3A_608, %max3A_621 : vector<16xf32>
      %max3A_623 = arith.maximumf %min3A_608, %max3A_621 : vector<16xf32>
      %get3A_624 = arith.constant 7 : i32
      %get3A_625 = arith.index_cast %get3A_624 : i32 to index
      %get3A_626 = arith.constant 64 : index
      %get3A_627 = tpu.vector_load %arg7[%get3A_625, %get3A_626] {strides = array<i32>} : memref<8x128xf32, #tpu.memory_space<vmem>>, vector<16xf32>,
      %min3A_628 = arith.minimumf %min3A_614, %get3A_627 : vector<16xf32>
      %max3A_629 = arith.maximumf %min3A_614, %get3A_627 : vector<16xf32>
      %min3A_630 = arith.minimumf %min3A_616, %max3A_629 : vector<16xf32>
      %max3A_631 = arith.maximumf %min3A_616, %max3A_629 : vector<16xf32>
      %min3A_632 = arith.minimumf %min3A_618, %max3A_631 : vector<16xf32>
      %max3A_633 = arith.maximumf %min3A_618, %max3A_631 : vector<16xf32>
      %min3A_634 = arith.minimumf %min3A_620, %max3A_633 : vector<16xf32>
      %max3A_635 = arith.maximumf %min3A_620, %max3A_633 : vector<16xf32>
      %min3A_636 = arith.minimumf %min3A_622, %max3A_635 : vector<16xf32>
      %max3A_637 = arith.maximumf %min3A_622, %max3A_635 : vector<16xf32>
      %masked_sort3A = arith.constant dense<true> : vector<16xi1>
      %masked_sort3A_638, %masked_sort3A_639, %masked_sort3A_640 = tpu.sort %min3A_628, %min3A_628 masked %masked_sort3A : (vector<16xf32>, vector<16xf32>, vector<16xi1>) -> (vector<16xi1>, vector<16xf32>, vector<16xf32>)
      %masked_sort3A_641 = arith.constant dense<true> : vector<16xi1>
      %masked_sort3A_642, %masked_sort3A_643, %masked_sort3A_644 = tpu.sort %min3A_630, %min3A_630 masked %masked_sort3A_641 : (vector<16xf32>, vector<16xf32>, vector<16xi1>) -> (vector<16xi1>, vector<16xf32>, vector<16xf32>)
      %rev3A = arith.constant 15 : i32
      %rev3A_645 = vector.broadcast %rev3A : i32 to vector<16xi32>
      %rev3A_646 = tpu.iota {dimensions = array<i32: 0>} : vector<16xi32>
      %rev3A_647 = arith.subi %rev3A_645, %rev3A_646 : vector<16xi32>
      %rev3A_648 = tpu.dynamic_gather %masked_sort3A_643[%rev3A_647] in [0] : vector<16xf32>, vector<16xi32> -> vector<16xf32>
      %min3A_649 = arith.minimumf %masked_sort3A_639, %rev3A_648 : vector<16xf32>
      %masked_sort3A_650 = arith.constant dense<true> : vector<16xi1>
      %masked_sort3A_651, %masked_sort3A_652, %masked_sort3A_653 = tpu.sort %min3A_649, %min3A_649 masked %masked_sort3A_650 : (vector<16xf32>, vector<16xf32>, vector<16xi1>) -> (vector<16xi1>, vector<16xf32>, vector<16xf32>)
      %masked_sort3A_654 = arith.constant dense<true> : vector<16xi1>
      %masked_sort3A_655, %masked_sort3A_656, %masked_sort3A_657 = tpu.sort %min3A_632, %min3A_632 masked %masked_sort3A_654 : (vector<16xf32>, vector<16xf32>, vector<16xi1>) -> (vector<16xi1>, vector<16xf32>, vector<16xf32>)
      %rev3A_658 = arith.constant 15 : i32
      %rev3A_659 = vector.broadcast %rev3A_658 : i32 to vector<16xi32>
      %rev3A_660 = tpu.iota {dimensions = array<i32: 0>} : vector<16xi32>
      %rev3A_661 = arith.subi %rev3A_659, %rev3A_660 : vector<16xi32>
      %rev3A_662 = tpu.dynamic_gather %masked_sort3A_656[%rev3A_661] in [0] : vector<16xf32>, vector<16xi32> -> vector<16xf32>
      %min3A_663 = arith.minimumf %masked_sort3A_652, %rev3A_662 : vector<16xf32>
      %masked_sort3A_664 = arith.constant dense<true> : vector<16xi1>
      %masked_sort3A_665, %masked_sort3A_666, %masked_sort3A_667 = tpu.sort %min3A_663, %min3A_663 masked %masked_sort3A_664 : (vector<16xf32>, vector<16xf32>, vector<16xi1>) -> (vector<16xi1>, vector<16xf32>, vector<16xf32>)
      %masked_sort3A_668 = arith.constant dense<true> : vector<16xi1>
      %masked_sort3A_669, %masked_sort3A_670, %masked_sort3A_671 = tpu.sort %min3A_634, %min3A_634 masked %masked_sort3A_668 : (vector<16xf32>, vector<16xf32>, vector<16xi1>) -> (vector<16xi1>, vector<16xf32>, vector<16xf32>)
      %rev3A_672 = arith.constant 15 : i32
      %rev3A_673 = vector.broadcast %rev3A_672 : i32 to vector<16xi32>
      %rev3A_674 = tpu.iota {dimensions = array<i32: 0>} : vector<16xi32>
      %rev3A_675 = arith.subi %rev3A_673, %rev3A_674 : vector<16xi32>
      %rev3A_676 = tpu.dynamic_gather %masked_sort3A_670[%rev3A_675] in [0] : vector<16xf32>, vector<16xi32> -> vector<16xf32>
      %min3A_677 = arith.minimumf %masked_sort3A_666, %rev3A_676 : vector<16xf32>
      %masked_sort3A_678 = arith.constant dense<true> : vector<16xi1>
      %masked_sort3A_679, %masked_sort3A_680, %masked_sort3A_681 = tpu.sort %min3A_677, %min3A_677 masked %masked_sort3A_678 : (vector<16xf32>, vector<16xf32>, vector<16xi1>) -> (vector<16xi1>, vector<16xf32>, vector<16xf32>)
      %masked_sort3A_682 = arith.constant dense<true> : vector<16xi1>
      %masked_sort3A_683, %masked_sort3A_684, %masked_sort3A_685 = tpu.sort %min3A_636, %min3A_636 masked %masked_sort3A_682 : (vector<16xf32>, vector<16xf32>, vector<16xi1>) -> (vector<16xi1>, vector<16xf32>, vector<16xf32>)
      %rev3A_686 = arith.constant 15 : i32
      %rev3A_687 = vector.broadcast %rev3A_686 : i32 to vector<16xi32>
      %rev3A_688 = tpu.iota {dimensions = array<i32: 0>} : vector<16xi32>
      %rev3A_689 = arith.subi %rev3A_687, %rev3A_688 : vector<16xi32>
      %rev3A_690 = tpu.dynamic_gather %masked_sort3A_684[%rev3A_689] in [0] : vector<16xf32>, vector<16xi32> -> vector<16xf32>
      %min3A_691 = arith.minimumf %masked_sort3A_680, %rev3A_690 : vector<16xf32>
      %masked_sort3A_692 = arith.constant dense<true> : vector<16xi1>
      %masked_sort3A_693, %masked_sort3A_694, %masked_sort3A_695 = tpu.sort %min3A_691, %min3A_691 masked %masked_sort3A_692 : (vector<16xf32>, vector<16xf32>, vector<16xi1>) -> (vector<16xi1>, vector<16xf32>, vector<16xf32>)
      %broadcast_in_dim3A_696 = arith.constant true
      %broadcast_in_dim3A_697 = vector.broadcast %broadcast_in_dim3A_696 : i1 to vector<16xi1>
      %masked_cumsum3A = tpu.scan <sum>, %masked_sort3A_694 masked %broadcast_in_dim3A_697 : vector<16xf32>, vector<16xi1> -> vector<16xf32>
      %swap3A_698 = arith.constant 0 : index
      %swap3A_699 = tpu.vector_load %arg8[%swap3A_698] {strides = array<i32>} : memref<16xf32, #tpu.memory_space<vmem>>, vector<16xf32>,
      tpu.vector_store %arg8[%swap3A_698], %masked_cumsum3A {strides = array<i32>} : memref<16xf32, #tpu.memory_space<vmem>>, vector<16xf32>,
      "tpu.region"() ({
        %run_scoped3A = tpu.sem_alloc : memref<!tpu.dma_semaphore, #tpu.memory_space<semaphore_mem>>
        %dma_start3A_700 = arith.constant 0 : i32
        %dma_start3A_701 = tpu.memref_slice %arg3[%add3A, %dma_start3A_700] : memref<4x16xf32, #tpu.memory_space<hbm>> -> memref<1x16xf32, #tpu.memory_space<hbm>>
        %dma_start3A_702 = tpu.memref_squeeze %dma_start3A_701 : memref<1x16xf32, #tpu.memory_space<hbm>> -> memref<16xf32, #tpu.memory_space<hbm>>
        %dma_start3A_703 = arith.constant 0 : i32
        %dma_start3A_704 = tpu.memref_slice %arg3[%add3A, %dma_start3A_703] : memref<4x16xf32, #tpu.memory_space<hbm>> -> memref<1x16xf32, #tpu.memory_space<hbm>>
        %dma_start3A_705 = tpu.memref_squeeze %dma_start3A_704 : memref<1x16xf32, #tpu.memory_space<hbm>> -> memref<16xf32, #tpu.memory_space<hbm>>
        tpu.enqueue_dma source(%arg8 : memref<16xf32, #tpu.memory_space<vmem>>) target(%dma_start3A_705 : memref<16xf32, #tpu.memory_space<hbm>>) target_semaphore(%run_scoped3A : memref<!tpu.dma_semaphore, #tpu.memory_space<semaphore_mem>>)
        %dma_wait3A = arith.constant 0 : i32
        %dma_wait3A_706 = tpu.memref_slice %arg3[%add3A, %dma_wait3A] : memref<4x16xf32, #tpu.memory_space<hbm>> -> memref<1x16xf32, #tpu.memory_space<hbm>>
        %dma_wait3A_707 = tpu.memref_squeeze %dma_wait3A_706 : memref<1x16xf32, #tpu.memory_space<hbm>> -> memref<16xf32, #tpu.memory_space<hbm>>
        %dma_wait3A_708 = arith.constant 0 : i32
        %dma_wait3A_709 = tpu.memref_slice %arg3[%add3A, %dma_wait3A_708] : memref<4x16xf32, #tpu.memory_space<hbm>> -> memref<1x16xf32, #tpu.memory_space<hbm>>
        %dma_wait3A_710 = tpu.memref_squeeze %dma_wait3A_709 : memref<1x16xf32, #tpu.memory_space<hbm>> -> memref<16xf32, #tpu.memory_space<hbm>>
        tpu.wait_dma2 semaphore(%run_scoped3A : memref<!tpu.dma_semaphore, #tpu.memory_space<semaphore_mem>>) src(%arg8 : memref<16xf32, #tpu.memory_space<vmem>>) dst(%dma_wait3A_710 : memref<16xf32, #tpu.memory_space<hbm>>)
        tpu.yield
      }) : () -> ()
    } else {
    }
    return
  }
}

</mosaic_0001>

<sc_bundles>
// kernel: kernel.3.cloned.1.call-start
scs
__scs_entry_jumppad:
0x0: {  	(pc) =	sbr.rel $0x88, $3  }
0x1: {  	(tag) =	ssettag $0x0;
	lr =	simm.s32 $0x1  }
0x2: {  	[smem:$0x3FA0] =	sst lr;
	_ =	strace $0xD0000000  }
0x3: {  	_ = 	snop  }
0x4: {  	_ = 	snop  }
0x5: {  	_ = 	snop  }
0x6: {  	_ = 	snop  }
0x7: {  	_ = 	snop  }
__scs_overlays_trampoline_lowered:
0x8: {  	[smem:$0x3FAF] =	sst s0  }
0x9: {  	[smem:$0x3FB0] =	sst s1  }
0xa: {  	[smem:$0x3FB1] =	sst s2  }
0xb: {  	[smem:$0x3FB2] =	sst s3  }
0xc: {  	[smem:$0x3FB3] =	sst s4  }
0xd: {  	[smem:$0x3FB4] =	sst s5  }
0xe: {  	[smem:$0x3FB5] =	sst s6  }
0xf: {  	[smem:$0x3FB6] =	sst s7  }
0x10: {  	[smem:$0x3FB7] =	sst s8  }
0x11: {  	[smem:$0x3FB8] =	sst s9;
	s0 =	simm.s32 @!p0 $0x0  }
0x12: {  	s1 =	sld [smem:$0x3F9E];
	s0 =	simm.s32 @p0 $0x1  }
0x13: {  	[smem:$0x3FB9] =	sst s0;
	s0 =	simm.s32 @!p1 $0x0  }
0x14: {  	s2 =	sld [smem:$0x3F9D];
	s0 =	simm.s32 @p1 $0x1  }
0x15: {  	[smem:$0x3FBA] =	sst s0;
	s0 =	simm.s32 @!p2 $0x0  }
0x16: {  	s3 =	sld [smem:$0x3FDB];
	s0 =	simm.s32 @p2 $0x1  }
0x17: {  	s4 =	simm.s32 $0x1BF5;
	[smem:$0x3FBC] =	sst s0  }
0x18: {  	s0 =	sld [smem:$0x3F9F];
	_ =	swait.ge [sflag:s4], $0x0  }
0x19: {  	s7 =	sld [smem:$0x3FA0]  }
0x1a: {  	s8 =	sadd.s32 $0xFFFFE003, lr  }
0x1b: {  	s9 =	sadd.s32 $0xFFFFFEF7, lr;
	s5 =	simm.s32 $0xFFFFFFFF;
	p2 =	slt.u32 s8, $0xFFFFF086  }
0x1c: {  	p1 =	slt.u32 s9, $0xF7A;
	s5 =	simm.s32 @!p2 $0x0  }
0x1d: {  	s5 =	simm.s32 @p1 $0x1;
	p0 =	seq.s32 s7, s2  }
0x1e: {  	s7 =	smul.u32 @!p0 $0xF7A, s2;
	p2 =	seq.s32 @!p0 s5, $0x0  }
0x1f: {  	s9 =	smul.u32 $0xF7A, s1;
	s8 =	simm.s32 @!p0 $0x1BF5;
	p2 =	por !p2, p0  }
0x20: {  	[sflag:s8] =	ssyncset.s32 @!p0 $0xFFFFF086;
	s6 =	sadd.s32 @!p0 s3, s7;
	s7 =	simm.s32 @!p0 $0x108  }
0x21: {  	s3 =	sadd.s32 s3, s9;
	s6 =	sadd.s32 @!p0 $0x88, s6;
	s7 =	simm.s32 @p2 $0x1082  }
0x22: {  	[simem:s7], [sflag:s8] =	dma.local @!p0 [hbm:s6], $0xF7A  }
0x23: {  	s9 =	sor.u32 $0xD0000000, s2;
	s6 =	simm.s32 $0x108;
	_ =	swait.ge @!p0 [sflag:s8], $0x0  }
0x24: {  	s3 =	sadd.s32 $0x88, s3;
	s6 =	simm.s32 @!p1 $0x1082;
	[sflag:s4] =	ssyncset.s32 $0xFFFFF086  }
0x25: {  	[simem:s6], [sflag:s4] =	dma.local [hbm:s3], $0xF7A  }
0x26: {  	[smem:$0x3FA0] =	sst s1;
	(tag) =	ssettag s2;
	_ =	strace s9  }
0x27: {  	s1 =	sld [smem:$0x3FB0]  }
0x28: {  	s2 =	sld [smem:$0x3FB1]  }
0x29: {  	s4 =	sld [smem:$0x3FB3]  }
0x2a: {  	p0 =	seq.s32 s5, $0x0;
	s5 =	sld [smem:$0x3FB4]  }
0x2b: {  	s6 =	sld [smem:$0x3FB5]  }
0x2c: {  	s7 =	sld [smem:$0x3FB6]  }
0x2d: {  	s3 =	simm.s32 $0x108;
	s8 =	sld [smem:$0x3FB7]  }
0x2e: {  	s3 =	simm.s32 @!p0 $0x1082;
	s9 =	sld [smem:$0x3FB8]  }
0x2f: {  	lr =	sadd.s32 s0, s3;
	s0 =	sld [smem:$0x3FAF]  }
0x30: {  	s3 =	sld [smem:$0x3FB2]  }
0x31: {  	[smem:$0x3FBB] =	sst s10  }
0x32: {  	s10 =	sld [smem:$0x3FB9];
	_ =	sdelay $0x3  }
0x33: {  	p0 =	seq.s32 s10, $0x1;
	s10 =	sld [smem:$0x3FBB];
	_ =	sdelay $0x3  }
0x34: {  	[smem:$0x3FBB] =	sst s10  }
0x35: {  	s10 =	sld [smem:$0x3FBA];
	_ =	sdelay $0x3  }
0x36: {  	p1 =	seq.s32 s10, $0x1;
	s10 =	sld [smem:$0x3FBB];
	_ =	sdelay $0x3  }
0x37: {  	[smem:$0x3FBB] =	sst s10  }
0x38: {  	s10 =	sld [smem:$0x3FBC]  }
0x39: {  	_ = 	snop;
	(pc) =	sbr.ind lr, $3  }
0x3a: {  	_ = 	snop  }
0x3b: {  	_ = 	snop  }
0x3c: {  	p2 =	seq.s32 s10, $0x1;
	s10 =	sld [smem:$0x3FBB]  }
0x3d: {  	_ =	shalt  }
0x3e: {  	_ =	shalt  }
0x3f: {  	_ =	shalt  }
0x40: {  	_ =	shalt  }
0x41: {  	_ =	shalt  }
0x42: {  	_ =	shalt  }
0x43: {  	_ =	shalt  }
0x44: {  	_ =	shalt  }
0x45: {  	_ =	shalt  }
0x46: {  	_ =	shalt  }
0x47: {  	_ =	shalt  }
0x48: {  	_ =	shalt  }
0x49: {  	_ =	shalt  }
0x4a: {  	_ =	shalt  }
0x4b: {  	_ =	shalt  }
0x4c: {  	_ =	shalt  }
0x4d: {  	_ =	shalt  }
0x4e: {  	_ =	shalt  }
0x4f: {  	_ =	shalt  }
0x50: {  	_ =	shalt  }
0x51: {  	_ =	shalt  }
0x52: {  	_ =	shalt  }
0x53: {  	_ =	shalt  }
0x54: {  	_ =	shalt  }
0x55: {  	_ =	shalt  }
0x56: {  	_ =	shalt  }
0x57: {  	_ =	shalt  }
0x58: {  	_ =	shalt  }
0x59: {  	_ =	shalt  }
0x5a: {  	_ =	shalt  }
0x5b: {  	_ =	shalt  }
0x5c: {  	_ =	shalt  }
0x5d: {  	_ =	shalt  }
0x5e: {  	_ =	shalt  }
0x5f: {  	_ =	shalt  }
0x60: {  	_ =	shalt  }
0x61: {  	_ =	shalt  }
0x62: {  	_ =	shalt  }
0x63: {  	_ =	shalt  }
0x64: {  	_ =	shalt  }
0x65: {  	_ =	shalt  }
0x66: {  	_ =	shalt  }
0x67: {  	_ =	shalt  }
0x68: {  	_ =	shalt  }
0x69: {  	_ =	shalt  }
0x6a: {  	_ =	shalt  }
0x6b: {  	_ =	shalt  }
0x6c: {  	_ =	shalt  }
0x6d: {  	_ =	shalt  }
0x6e: {  	_ =	shalt  }
0x6f: {  	_ =	shalt  }
0x70: {  	_ =	shalt  }
0x71: {  	_ =	shalt  }
0x72: {  	_ =	shalt  }
0x73: {  	_ =	shalt  }
0x74: {  	_ =	shalt  }
0x75: {  	_ =	shalt  }
0x76: {  	_ =	shalt  }
0x77: {  	_ =	shalt  }
0x78: {  	_ =	shalt  }
0x79: {  	_ =	shalt  }
0x7a: {  	_ =	shalt  }
0x7b: {  	_ =	shalt  }
0x7c: {  	_ =	shalt  }
0x7d: {  	_ =	shalt  }
0x7e: {  	_ =	shalt  }
0x7f: {  	_ =	shalt  }
0x80: {  	_ =	shalt  }
0x81: {  	_ =	shalt  }
0x82: {  	_ =	shalt  }
0x83: {  	_ =	shalt  }
0x84: {  	_ =	shalt  }
0x85: {  	_ =	shalt  }
0x86: {  	_ =	shalt  }
0x87: {  	_ =	shalt  }
.Lfunc_end0:
.L_simem_size_0:
called_computation_lowered:
.L_overlay_start_0:
0x88: {  	s2 =	sld [smem:$0x3FD9]  }
0x89: {  	s3 =	sld [smem:$0x3FFE];
	_ =	sdelay $0x1  }
0x8a: {  	s1 =	srdreg.scid  }
0x8b: {  	s0 =	sand.u32 $0x1, s1  }
0x8c: {  	s16 =	sshll.u32 s0, $0xA;
	s2 =	sadd.s32 s3, s2  }
0x8d: {  	s2 =	sadd.s32 s2, s16  }
0x8e: {  	[smem:$0x3FC7] =	sst s2  }
0x8f: {  	_ = 	snop  }
0x90: {  	(tm) =	ssettm $0x1  }
0x91: {  	s17 =	sld [smem:$0x3FFB];
	_ =	sdelay $0x3  }
0x92: {  	_ =	strace s17  }
0x93: {  	s2 =	sld [smem:$0x3FFC];
	_ =	sdelay $0x3  }
0x94: {  	_ =	strace s2  }
0x95: {  	s2 =	sld [smem:$0x3FFD];
	_ =	sdelay $0x3  }
0x96: {  	_ =	strace s2  }
0x97: {  	_ =	strace $0x8FFFFFFF  }
0x98: {  	s18 =	sld [smem:$0x3FDB];
	_ =	sdelay $0x1  }
0x99: {  	s19 =	simm.s32 $_scs_section_size  }
0x9a: {  	s4 =	simm.s32 $_size__tile_overlayer_lowered;
	s5 =	simm.s32 $_tile_overlayer_lowered  }
0x9b: {  	s22 =	simm.s32 $0x1BFF;
	s21 =	sshll.u32 s5, $0x1;
	s2 =	sadd.s32 s19, s18  }
0x9c: {  	s6 =	simm.s32 $0x0;
	s20 =	sshll.u32 s4, $0x1;
	s4 =	sadd.s32 s21, s2  }
0x9d: {  	[timem:s6], [sflag:s22] =	dma.local [hbm:s4], s20  }
0x9e: {  	_ =	swait.ge [sflag:s22], s20  }
0x9f: {  	s3 =	ssub.s32 $0x0, s20;
	[sflag:s22] =	ssyncset.done $0x0  }
0xa0: {  	[sflag:s22] =	ssyncadd.s32 s3;
	_ =	sdelay $0x1  }
0xa1: {  	s23 =	simm.s32 $0x1B8B  }
0xa2: {  	_ =	swait.ge [sflag:s23], $0x1  }
0xa3: {  	[sflag:s23] =	ssyncset.done $0x0  }
0xa4: {  	s25 =	simm.s32 $0x1B8E;
	s24 =	sld [smem:$0x3FFE];
	[sflag:s23] =	ssyncadd.s32 $0xFFFFFFFF  }
0xa5: {  	s26 =	simm.s32 $execute0_lowered;
	[smem:$0x3FD2] =	sst s25  }
0xa6: {  	s4 =	sshll.u32 s26, $0x1;
	_ =	strace $0x80000046;
	[dreg:$0x1] =	wrdreg $0xFFFFFFFF  }
0xa7: {  	s28 =	simm.s32 $_size_execute0_lowered;
	s2 =	sadd.s32 s2, s4;
	[dreg:$0x0] =	wrdreg $0x0  }
0xa8: {  	s4 =	sshll.u32 s28, $0x1;
	[dreg:$0x2] =	wrdreg s2  }
0xa9: {  	[dreg:$0x3] =	wrdreg s4  }
0xaa: {  	[dreg:$0x4] =	wrdreg $0xC0  }
0xab: {  	_ =	task [dreg:s6], $0x5FFFF  }
0xac: {  	[dreg:$0x1] =	wrdreg $0xFFFFFFFF  }
0xad: {  	[dreg:$0x0] =	wrdreg $0x60  }
0xae: {  	[dreg:$0x2] =	wrdreg s24  }
0xaf: {  	[dreg:$0x3] =	wrdreg $0x105000  }
0xb0: {  	[dreg:$0x4] =	wrdreg $0x9  }
0xb1: {  	_ =	task.clear_ibuf [dreg:s6], $0x5FFFF;
	_ =	strace $0x90000046  }
0xb2: {  	s29 =	simm.s32 $0x9;
	_ =	strace $0x80000048  }
0xb3: {  	_ =	swait.ge [sflag:s29], $0x1  }
0xb4: {  	[sflag:s29] =	ssyncadd.s32 $0xFFFFFFFF  }
0xb5: {  	_ =	strace $0x90000048  }
0xb6: {  	_ =	sfence  }
0xb7: {  	s30 =	sld [smem:$0x0];
	_ =	sdelay $0x2  }
0xb8: {  	s31 =	sshll.u32 s1, $0xD;
	s1 =	sshrl.u32 s1, $0x2  }
0xb9: {  	s3 =	sand.u32 $0x4000, s31;
	s1 =	sadd.s32 s1, s30  }
0xba: {  	s0 =	sor.u32 s3, s0;
	s1 =	sshll.u32 s1, $0x11  }
0xbb: {  	s0 =	sor.u32 s1, s0  }
0xbc: {  	s0 =	sadd.s32 $0x8F2B, s0  }
0xbd: {  	[sflag:s0] =	ssyncadd.remote.s32 $0x1  }
0xbe: {  	_ =	sfence.sel $0xFFFF  }
0xbf: {  	[dreg:$0x0] =	wrdreg $0xFFFFFFFF;
	(pc) =	sbr.abs _section_cstart, $3  }
0xc0: {  	[dreg:$0x1] =	wrdreg $0xFFFFFFFF  }
0xc1: {  	_ =	task.clear_ibuf [dreg:s6], $0x2FFFF;
	_ =	strace $0x9FFFFFFF  }
0xc2: {  	(tm) =	ssettm $0x7FFFFFFF  }
0xc3: {  	_ =	shalt  }
tec
execute0_lowered:
.L_overlay_start_1:
0x0: {  	(tag) =	ssettag $0x1  }
0x1: {  	s1 =	rddreg [dreg:$0x0]  }
0x2: {  	s7 =	rddreg [dreg:$0x1]  }
0x3: {  	s0 =	rddreg [dreg:$0x2];
	s4 =	srdreg.scid;
	s3 =	simm.s32 $0x0  }
0x4: {  	s2 =	stileid.u32;
	s12 =	simm.s32 $0x8000;
	s13 =	simm.s32 $0x1  }
0x5: {  	s14 =	simm.s32 $0x2;
	s16 =	simm.s32 $0x3;
	s17 =	simm.s32 $0x10080  }
0x6: {  	s18 =	simm.s32 $0x10480;
	s19 =	simm.s32 $0x0;
	s4 =	sand.u32 $0x1, s4  }
0x7: {  	[smem:$0x7FF] =	sst s3;
	s6 =	sshrl.u32 s2, $0x3;
	s15 =	sand.u32 $0x7, s2  }
0x8: {  	s31 =	sshll.u32 s2, $0x7;
	s5 =	sshll.u32 s4, $0x1;
	_ =	strace $0x80000047  }
0x9: {  	s8 =	ssub.s32 $0x2, s4;
	s9 =	sshll.u32 s15, $0x13;
	s11 =	sshll.u32 s6, $0xA  }
0xa: {  	p0 =	sne.s32 s15, $0x0;
	s15 =	simm.s32 $0x10000;
	s5 =	sor.u32 s6, s5  }
.Ltmp0:
0xb: {  	v0 =	vlaneseq.u32;
	s10 =	sshrl.u32 s8, $0x1;
	s6 =	sadd.s32 s31, s7;
	(pc) =	sbr.rel .LBB2_1-.Ltmp0, $4  }
0xc: {  	v0 =	vmul.u32 $0xFFFFFFFF, v0;
	s7 =	sadd.s32 s11, s7;
	s11 =	simm.s32 $0x400;
	s28 =	sshll.u32 s5, $0x16  }
0xd: {  	s5 =	sshll.u32 s5, $0x4;
	s10 =	ssub.s32 s8, s10;
	s4 =	sor.u32 s9, s28  }
0xe: {  	v0 =	vadd.s32 $0xF, v0;
	s29 =	sadd.s32 s5, s1;
	s9 =	smax.u32 s10, $0x1;
	s30 =	sshrl.u32 s4, $0x3  }
0xf: {  	[tilespmem:$0x1FFF0] =	vst v0;
	s10 =	simm.s32 $0x80;
	s8 =	sadd.s32 $0x200000, s29;
	s5 =	sadd.s32 s1, s30  }
.LBB2_11:
0x10: {  	v0 =	vld [tilespmem:$0x1FFE0]  }
0x11: {  	[tilespmem:$0x10000] =	vst v43  }
0x12: {  	[tilespmem:$0x10010] =	vst v42  }
0x13: {  	[tilespmem:$0x10020] =	vst v41  }
0x14: {  	[tilespmem:$0x10040] =	vst v38  }
0x15: {  	[tilespmem:$0x10030] =	vst v0  }
0x16: {  	[spmem:s6] =	stream.linear.scatter [tilespmem:s15], [sflag:$0x3], $0x80, $0x38;
	[tilespmem:$0x10580] =	vst v63  }
.Ltmp1:
0x17: {  	_ =	swait.ge [sflag:s16], $0x80;
	(pc) =	sbr.rel @!p0 .LBB2_12-.Ltmp1, $3  }
0x18: {  	[sflag:s16] =	ssyncset.done $0x0  }
0x19: {  	[sflag:s16] =	ssyncadd.s32 $0xFFFFFF80  }
0x1a: {  	[bflag:$0x0] =	sbarrier.arrive $0xFFFF;
	_ =	sdelay $0x1  }
.LBB2_13:
0x1b: {  	s19 =	sadd.s32 $0x1, s19  }
0x1c: {  	p1 =	sne.s32 s19, s9  }
.Ltmp2:
0x1d: {  	_ = 	snop;
	(pc) =	sbr.rel @!p1 .LBB2_14-.Ltmp2, $1  }
0x1e: {  	_ =	sdelay $0x3  }
.LBB2_1:
.Ltmp3:
0x1f: {  	(pc) =	sbr.rel .LBB2_2-.Ltmp3, $3  }
0x20: {  	_ =	sdelay $0x1  }
0x21: {  	[tilespmem:s3], [sflag:$0x1] =	stream.strided.gather [hbm4b:s5+s10], $0x8000, s11, s10, $0x38;
	v38 =	vimm.f32 $+Inf;
	v0 =	vimm.f32 $+Inf;
	[tilespmem:$0x10580] =	vst v63  }
0x22: {  	v41 =	vimm.f32 $+Inf;
	v42 =	vimm.f32 $+Inf;
	v43 =	vimm.f32 $+Inf;
	s20 =	simm.s32 $0x0;
	[tilespmem:$0x1FFE0] =	vst v0  }
.LBB2_10:
0x23: {  	s20 =	sadd.s32 $0x1, s20  }
0x24: {  	p1 =	sne.s32 s20, $0x8  }
.Ltmp4:
0x25: {  	_ = 	snop;
	(pc) =	sbr.rel @!p1 .LBB2_11-.Ltmp4, $1  }
0x26: {  	_ =	sdelay $0x3  }
.LBB2_2:
0x27: {  	s21 =	sshll.u32 s20, $0x8;
	s22 =	sshll.u32 s20, $0x10  }
0x28: {  	s21 =	sand.u32 $0x300, s21;
	s22 =	sand.u32 $0x40000, s22  }
0x29: {  	s21 =	sor.u32 s22, s21  }
0x2a: {  	s21 =	sor.u32 s4, s21  }
0x2b: {  	s21 =	sshrl.u32 s21, $0x3  }
0x2c: {  	s21 =	sadd.s32 s21, s1  }
.Ltmp5:
0x2d: {  	s21 =	sadd.s32 $0x10, s21;
	(pc) =	sbr.rel .LBB2_3-.Ltmp5, $4  }
0x2e: {  	[tilespmem:s12], [sflag:$0x2] =	stream.strided.gather [hbm4b:s21+s10], $0x8000, s11, s10, $0x38;
	[tilespmem:$0x10580] =	vst v63  }
0x2f: {  	_ =	swait.ge [sflag:s13], $0x8000  }
0x30: {  	[sflag:s13] =	ssyncset.done $0x0  }
0x31: {  	s21 =	simm.s32 $0x0;
	[sflag:s13] =	ssyncadd.s32 $0xFFFF8000  }
.LBB2_5:
0x32: {  	s21 =	sadd.s32 $0x1000, s21  }
0x33: {  	p1 =	sne.s32 s21, $0x20000  }
.Ltmp6:
0x34: {  	_ = 	snop;
	(pc) =	sbr.rel @!p1 .LBB2_6-.Ltmp6, $1  }
0x35: {  	_ =	sdelay $0x3  }
.LBB2_3:
0x36: {  	s22 =	sshra.s32 s21, $0x2  }
0x37: {  	v6 =	vld [tilespmem:s22+$0x0]  }
0x38: {  	v5 =	vld [tilespmem:s22+$0x10]  }
0x39: {  	v4 =	vld [tilespmem:s22+$0x20]  }
0x3a: {  	v3 =	vld [tilespmem:s22+$0x30]  }
0x3b: {  	v2 =	vld [tilespmem:s22+$0x40]  }
0x3c: {  	v0 =	vld [tilespmem:s22+$0x50]  }
0x3d: {  	v1 =	vld [tilespmem:s22+$0x60]  }
0x3e: {  	v63 =	vld [tilespmem:s22+$0x70]  }
0x3f: {  	v62 =	vld [tilespmem:s22+$0x80]  }
0x40: {  	v61 =	vld [tilespmem:s22+$0x90]  }
0x41: {  	v60 =	vld [tilespmem:s22+$0xA0]  }
0x42: {  	v59 =	vld [tilespmem:s22+$0xB0]  }
0x43: {  	v58 =	vld [tilespmem:s22+$0xC0]  }
0x44: {  	v57 =	vld [tilespmem:s22+$0xD0]  }
0x45: {  	v56 =	vld [tilespmem:s22+$0xE0]  }
0x46: {  	v55 =	vld [tilespmem:s22+$0xF0]  }
0x47: {  	v54 =	vld [tilespmem:s22+$0x100]  }
0x48: {  	v53 =	vld [tilespmem:s22+$0x110]  }
0x49: {  	v52 =	vld [tilespmem:s22+$0x120]  }
0x4a: {  	v51 =	vld [tilespmem:s22+$0x130]  }
0x4b: {  	v50 =	vld [tilespmem:s22+$0x140]  }
0x4c: {  	v49 =	vld [tilespmem:s22+$0x150]  }
0x4d: {  	v48 =	vld [tilespmem:s22+$0x160]  }
0x4e: {  	v47 =	vld [tilespmem:s22+$0x170]  }
0x4f: {  	v46 =	vld [tilespmem:s22+$0x180]  }
0x50: {  	v45 =	vld [tilespmem:s22+$0x190]  }
0x51: {  	v44 =	vld [tilespmem:s22+$0x1A0]  }
0x52: {  	v40 =	vld [tilespmem:s22+$0x1B0]  }
0x53: {  	v39 =	vld [tilespmem:s22+$0x1C0]  }
0x54: {  	v37 =	vld [tilespmem:s22+$0x1D0]  }
0x55: {  	v36 =	vld [tilespmem:s22+$0x1E0]  }
0x56: {  	v35 =	vld [tilespmem:s22+$0x1F0]  }
0x57: {  	v34 =	vld [tilespmem:s22+$0x200]  }
0x58: {  	v33 =	vld [tilespmem:s22+$0x210]  }
0x59: {  	v32 =	vld [tilespmem:s22+$0x220]  }
0x5a: {  	v31 =	vld [tilespmem:s22+$0x230]  }
0x5b: {  	v30 =	vld [tilespmem:s22+$0x240]  }
0x5c: {  	v29 =	vld [tilespmem:s22+$0x250]  }
0x5d: {  	v28 =	vld [tilespmem:s22+$0x260]  }
0x5e: {  	v27 =	vld [tilespmem:s22+$0x270]  }
0x5f: {  	v12 =	vld [tilespmem:s22+$0x280]  }
0x60: {  	v26 =	vld [tilespmem:s22+$0x290]  }
0x61: {  	v25 =	vld [tilespmem:s22+$0x2A0]  }
0x62: {  	v11 =	vld [tilespmem:s22+$0x2B0]  }
0x63: {  	v24 =	vld [tilespmem:s22+$0x2C0]  }
0x64: {  	v23 =	vld [tilespmem:s22+$0x2D0]  }
0x65: {  	v22 =	vld [tilespmem:s22+$0x300]  }
0x66: {  	v20 =	vld [tilespmem:s22+$0x310];
	v7 =	vmin.f32 v6, v62  }
0x67: {  	v19 =	vld [tilespmem:s22+$0x320];
	v8 =	vmin.f32 v5, v61;
	v9 =	vmin.f32 v4, v60;
	v10 =	vmin.f32 v3, v59  }
0x68: {  	v18 =	vld [tilespmem:s22+$0x330];
	v13 =	vmin.f32 v2, v58;
	v7 =	vmin.f32 v7, v54;
	v8 =	vmin.f32 v8, v53  }
0x69: {  	v17 =	vld [tilespmem:s22+$0x340];
	v15 =	vmin.f32 v9, v52;
	v16 =	vmin.f32 v10, v51;
	v13 =	vmin.f32 v13, v50  }
0x6a: {  	v14 =	vld [tilespmem:s22+$0x380];
	v21 =	vmin.f32 v7, v46;
	v8 =	vmin.f32 v8, v45;
	v15 =	vmin.f32 v15, v44  }
0x6b: {  	v9 =	vld [tilespmem:s22+$0x390];
	v16 =	vmin.f32 v16, v40;
	v13 =	vmin.f32 v13, v39;
	v21 =	vmin.f32 v21, v34  }
0x6c: {  	[tilespmem:$0x1FF00] =	vst v12;
	v10 =	vld [tilespmem:s22+$0x3A0];
	v8 =	vmin.f32 v8, v33;
	v15 =	vmin.f32 v15, v32;
	v16 =	vmin.f32 v16, v31  }
0x6d: {  	[tilespmem:$0x1FF30] =	vst v11;
	v13 =	vmin.f32 v13, v30;
	v21 =	vmin.f32 v21, v12;
	v12 =	vld [tilespmem:s22+$0x3B0];
	v8 =	vmin.f32 v8, v26  }
0x6e: {  	[tilespmem:$0x1FF40] =	vst v24;
	v15 =	vmin.f32 v15, v25;
	v16 =	vmin.f32 v16, v11;
	v11 =	vld [tilespmem:s22+$0x3C0];
	v13 =	vmin.f32 v13, v24  }
0x6f: {  	[tilespmem:$0x1FF80] =	vst v14;
	v24 =	vld [tilespmem:s22+$0x2E0];
	v7 =	vmin.f32 v21, v22;
	v8 =	vmin.f32 v8, v20;
	v15 =	vmin.f32 v15, v19  }
0x70: {  	v21 =	vld [tilespmem:s22+$0x2F0];
	v7 =	vmin.f32 v7, v14;
	v14 =	vmov v17;
	[tilespmem:$0x1FF90] =	vst v9;
	v8 =	vmin.f32 v8, v9  }
0x71: {  	v9 =	vmin.f32 v16, v18;
	v16 =	vld [tilespmem:s22+$0x350];
	[tilespmem:$0x1FFA0] =	vst v10;
	v10 =	vmin.f32 v15, v10;
	v7 =	vmin.f32 v7, v8  }
0x72: {  	v15 =	vld [tilespmem:s22+$0x360];
	v8 =	vmin.f32 v13, v14;
	v7 =	vmin.f32 v7, v10;
	v10 =	vmin.f32 v0, v57  }
0x73: {  	v17 =	vmovc v18;
	v18 =	vld [tilespmem:s22+$0x370];
	v9 =	vmin.f32 v9, v12;
	v8 =	vmin.f32 v8, v11;
	v10 =	vmin.f32 v10, v49  }
0x74: {  	[tilespmem:$0x1FFC0] =	vst v11;
	v11 =	vld [tilespmem:s22+$0x3D0];
	v7 =	vmin.f32 v7, v9;
	v9 =	vmin.f32 v1, v56;
	v10 =	vmin.f32 v10, v37  }
0x75: {  	v13 =	vld [tilespmem:s22+$0x3E0];
	v7 =	vmin.f32 v7, v8;
	v9 =	vmin.f32 v9, v48;
	v8 =	vmin.f32 v63, v55  }
0x76: {  	[tilespmem:$0x1FFB0] =	vst v12;
	v12 =	vld [tilespmem:s22+$0x3F0];
	v10 =	vmin.f32 v10, v29;
	v8 =	vmin.f32 v8, v47;
	v9 =	vmin.f32 v9, v36  }
0x77: {  	v10 =	vmin.f32 v10, v23;
	v8 =	vmin.f32 v8, v35;
	v9 =	vmin.f32 v9, v28  }
0x78: {  	v10 =	vmin.f32 v10, v16;
	v8 =	vmin.f32 v8, v27;
	v9 =	vmin.f32 v9, v24  }
0x79: {  	v10 =	vmin.f32 v10, v11;
	v8 =	vmin.f32 v8, v21;
	v9 =	vmin.f32 v9, v15  }
0x7a: {  	v7 =	vmin.f32 v7, v10;
	v8 =	vmin.f32 v8, v18;
	v9 =	vmin.f32 v9, v13  }
0x7b: {  	v7 =	vmin.f32 v7, v9;
	v8 =	vmin.f32 v8, v12  }
0x7c: {  	v7 =	vmin.f32 v7, v8  }
0x7d: {  	vm0 =	vlt.f32 v7, v38;
	v7 =	vimm.f32 $0.0e+00  }
0x7e: {  	v7 =	vsel vm0, $0x3F800000, v7  }
0x7f: {  	(xrf0) =	vmax.scan.msk.f32 $0xffff, v7;
	_ =	sdelay $0x5  }
0x80: {  	v7, _, _ =	vpop (xrf0)  }
0x81: {  	(v2sf) =	vpush v7, $0xF;
	_ =	sdelay $0x9  }
0x82: {  	[tilespmem:$0x1FEA0] =	vst v39  }
0x83: {  	[tilespmem:$0x1FEB0] =	vst v34  }
0x84: {  	[tilespmem:$0x1FEC0] =	vst v33  }
0x85: {  	[tilespmem:$0x1FED0] =	vst v32  }
0x86: {  	[tilespmem:$0x1FEE0] =	vst v31  }
0x87: {  	[tilespmem:$0x1FEF0] =	vst v30;
	s31 =	spop (v2sf)  }
0x88: {  	[tilespmem:$0x1FF10] =	vst v26;
	p1 =	sgt.f32 s31, $0.0e+00  }
.Ltmp7:
0x89: {  	[tilespmem:$0x1FF20] =	vst v25;
	(pc) =	sbr.rel @!p1 .LBB2_5-.Ltmp7, $4  }
0x8a: {  	[tilespmem:$0x1FF50] =	vst v22  }
0x8b: {  	[tilespmem:$0x1FF60] =	vst v20  }
0x8c: {  	[tilespmem:$0x1FF70] =	vst v19  }
0x8d: {  	[tilespmem:$0x1FFD0] =	vst v11;
	v11 =	vmov v12  }
0x8e: {  	v7 =	vmax.f32 v43, v6  }
0x8f: {  	v20 =	vmin.f32 v43, v6;
	v8 =	vmax.f32 v42, v7  }
0x90: {  	v7 =	vmin.f32 v42, v7;
	v39 =	vmax.f32 v20, v5;
	v25 =	vmin.f32 v20, v5  }
0x91: {  	v22 =	vld [tilespmem:$0x1FFE0];
	v9 =	vmin.f32 v41, v8;
	v8 =	vmax.f32 v41, v8;
	v26 =	vmax.f32 v7, v39  }
0x92: {  	v7 =	vmin.f32 v7, v39;
	v31 =	vmax.f32 v25, v4;
	v32 =	vmin.f32 v25, v4  }
0x93: {  	v30 =	vmin.f32 v9, v26;
	v6 =	vmax.f32 v9, v26;
	v33 =	vmax.f32 v7, v31  }
0x94: {  	v7 =	vmin.f32 v7, v31;
	v41 =	vmax.f32 v32, v3;
	v42 =	vmin.f32 v32, v3  }
0x95: {  	v34 =	vmin.f32 v30, v33;
	v5 =	vmax.f32 v30, v33;
	v43 =	vmax.f32 v7, v41  }
0x96: {  	v12 =	vmovc v13;
	v13 =	vmin.f32 v7, v41;
	v20 =	vmax.f32 v42, v2;
	v10 =	vmin.f32 v22, v8  }
0x97: {  	v8 =	vmax.f32 v22, v8;
	v19 =	vmin.f32 v34, v43;
	v4 =	vmax.f32 v34, v43  }
0x98: {  	v22 =	vmin.f32 v42, v2;
	v25 =	vmax.f32 v13, v20;
	v26 =	vmin.f32 v13, v20  }
0x99: {  	v8 =	vmin.f32 v38, v8;
	v9 =	vmin.f32 v10, v6;
	v6 =	vmax.f32 v10, v6  }
0x9a: {  	v30 =	vmin.f32 v19, v25;
	v3 =	vmax.f32 v19, v25;
	v31 =	vmax.f32 v22, v0  }
0x9b: {  	v32 =	vmin.f32 v22, v0;
	v6 =	vmin.f32 v8, v6;
	v39 =	vmin.f32 v9, v5  }
0x9c: {  	v5 =	vmax.f32 v9, v5;
	v33 =	vmax.f32 v26, v31;
	v34 =	vmin.f32 v26, v31  }
0x9d: {  	v0 =	vmin.f32 v32, v1;
	v5 =	vmin.f32 v6, v5;
	v8 =	vmin.f32 v39, v4  }
0x9e: {  	v4 =	vmax.f32 v39, v4;
	v38 =	vmin.f32 v30, v33;
	v2 =	vmax.f32 v30, v33  }
0x9f: {  	v39 =	vmax.f32 v32, v1;
	v9 =	vmax.f32 v0, v63;
	v0 =	vmin.f32 v0, v63  }
0xa0: {  	v4 =	vmin.f32 v5, v4;
	v7 =	vmin.f32 v8, v3;
	v3 =	vmax.f32 v8, v3  }
0xa1: {  	v41 =	vmax.f32 v34, v39;
	v42 =	vmin.f32 v34, v39;
	v19 =	vmax.f32 v0, v62  }
0xa2: {  	v0 =	vmin.f32 v0, v62;
	v3 =	vmin.f32 v4, v3;
	v6 =	vmin.f32 v7, v2  }
0xa3: {  	v2 =	vmax.f32 v7, v2;
	v43 =	vmin.f32 v38, v41;
	v1 =	vmax.f32 v38, v41  }
0xa4: {  	v10 =	vmax.f32 v42, v9;
	v25 =	vmax.f32 v0, v61;
	v0 =	vmin.f32 v0, v61  }
0xa5: {  	v2 =	vmin.f32 v3, v2;
	v5 =	vmin.f32 v6, v1;
	v1 =	vmax.f32 v6, v1  }
0xa6: {  	v3 =	vmin.f32 v42, v9;
	v13 =	vmin.f32 v43, v10;
	v31 =	vmax.f32 v0, v60  }
0xa7: {  	v0 =	vmin.f32 v0, v60;
	v1 =	vmin.f32 v2, v1;
	v2 =	vmax.f32 v43, v10  }
0xa8: {  	v20 =	vmax.f32 v3, v19;
	v3 =	vmin.f32 v3, v19;
	v34 =	vmax.f32 v0, v59  }
0xa9: {  	v0 =	vmin.f32 v0, v59;
	v4 =	vmin.f32 v5, v2;
	v2 =	vmax.f32 v5, v2  }
0xaa: {  	v22 =	vmin.f32 v13, v20;
	v26 =	vmax.f32 v3, v25;
	v3 =	vmin.f32 v3, v25  }
0xab: {  	v41 =	vmax.f32 v0, v58;
	v0 =	vmin.f32 v0, v58;
	v1 =	vmin.f32 v1, v2  }
0xac: {  	v2 =	vmax.f32 v13, v20;
	v30 =	vmin.f32 v22, v26;
	v32 =	vmax.f32 v3, v31  }
0xad: {  	v3 =	vmin.f32 v3, v31;
	v58 =	vmax.f32 v0, v57;
	v0 =	vmin.f32 v0, v57  }
0xae: {  	v6 =	vmin.f32 v4, v2;
	v2 =	vmax.f32 v4, v2;
	v33 =	vmin.f32 v30, v32  }
0xaf: {  	v38 =	vmax.f32 v3, v34;
	v3 =	vmin.f32 v3, v34;
	v61 =	vmax.f32 v0, v56  }
0xb0: {  	v0 =	vmin.f32 v0, v56;
	v1 =	vmin.f32 v1, v2;
	v2 =	vmax.f32 v22, v26  }
0xb1: {  	v39 =	vmin.f32 v33, v38;
	v42 =	vmax.f32 v3, v41;
	v3 =	vmin.f32 v3, v41  }
0xb2: {  	v8 =	vmax.f32 v0, v55;
	v0 =	vmin.f32 v0, v55;
	v5 =	vmin.f32 v6, v2  }
0xb3: {  	v2 =	vmax.f32 v6, v2;
	v43 =	vmin.f32 v39, v42;
	v59 =	vmax.f32 v3, v58  }
0xb4: {  	v3 =	vmin.f32 v3, v58;
	v13 =	vmax.f32 v0, v54;
	v0 =	vmin.f32 v0, v54  }
0xb5: {  	v1 =	vmin.f32 v1, v2;
	v2 =	vmax.f32 v30, v32;
	v60 =	vmin.f32 v43, v59  }
0xb6: {  	v62 =	vmax.f32 v3, v61;
	v3 =	vmin.f32 v3, v61;
	v22 =	vmax.f32 v0, v53  }
0xb7: {  	v0 =	vmin.f32 v0, v53;
	v4 =	vmin.f32 v5, v2;
	v2 =	vmax.f32 v5, v2  }
0xb8: {  	v63 =	vmin.f32 v60, v62;
	v9 =	vmax.f32 v3, v8;
	v3 =	vmin.f32 v3, v8  }
0xb9: {  	v30 =	vmax.f32 v0, v52;
	v0 =	vmin.f32 v0, v52;
	v1 =	vmin.f32 v1, v2  }
0xba: {  	v2 =	vmax.f32 v33, v38;
	v10 =	vmin.f32 v63, v9;
	v19 =	vmax.f32 v3, v13  }
0xbb: {  	v3 =	vmin.f32 v3, v13;
	v33 =	vmax.f32 v0, v51;
	v0 =	vmin.f32 v0, v51  }
0xbc: {  	v6 =	vmin.f32 v4, v2;
	v2 =	vmax.f32 v4, v2;
	v20 =	vmin.f32 v10, v19  }
0xbd: {  	v25 =	vmax.f32 v3, v22;
	v3 =	vmin.f32 v3, v22;
	v1 =	vmin.f32 v1, v2  }
0xbe: {  	v2 =	vmax.f32 v39, v42;
	v26 =	vmin.f32 v20, v25;
	v31 =	vmax.f32 v3, v30  }
0xbf: {  	v3 =	vmin.f32 v3, v30;
	v39 =	vmax.f32 v0, v50;
	v0 =	vmin.f32 v0, v50  }
0xc0: {  	v5 =	vmin.f32 v6, v2;
	v2 =	vmax.f32 v6, v2;
	v32 =	vmin.f32 v26, v31  }
0xc1: {  	v34 =	vmax.f32 v3, v33;
	v3 =	vmin.f32 v3, v33;
	v1 =	vmin.f32 v1, v2  }
0xc2: {  	v2 =	vmax.f32 v43, v59;
	v38 =	vmin.f32 v32, v34;
	v41 =	vmax.f32 v3, v39  }
0xc3: {  	v3 =	vmin.f32 v3, v39;
	v43 =	vmax.f32 v0, v49;
	v0 =	vmin.f32 v0, v49  }
0xc4: {  	v4 =	vmin.f32 v5, v2;
	v2 =	vmax.f32 v5, v2;
	v42 =	vmin.f32 v38, v41  }
0xc5: {  	v50 =	vmax.f32 v3, v43;
	v3 =	vmin.f32 v3, v43;
	v52 =	vmax.f32 v0, v48  }
0xc6: {  	v0 =	vmin.f32 v0, v48;
	v1 =	vmin.f32 v1, v2;
	v2 =	vmax.f32 v60, v62  }
0xc7: {  	v51 =	vmin.f32 v42, v50;
	v53 =	vmax.f32 v3, v52;
	v3 =	vmin.f32 v3, v52  }
0xc8: {  	v55 =	vmax.f32 v0, v47;
	v0 =	vmin.f32 v0, v47;
	v6 =	vmin.f32 v4, v2  }
0xc9: {  	v2 =	vmax.f32 v4, v2;
	v54 =	vmin.f32 v51, v53;
	v56 =	vmax.f32 v3, v55  }
0xca: {  	v3 =	vmin.f32 v3, v55;
	v58 =	vmax.f32 v0, v46;
	v0 =	vmin.f32 v0, v46  }
0xcb: {  	v1 =	vmin.f32 v1, v2;
	v2 =	vmax.f32 v63, v9;
	v57 =	vmin.f32 v54, v56  }
0xcc: {  	v59 =	vmax.f32 v3, v58;
	v3 =	vmin.f32 v3, v58;
	v61 =	vmax.f32 v0, v45  }
0xcd: {  	v0 =	vmin.f32 v0, v45;
	v5 =	vmin.f32 v6, v2;
	v2 =	vmax.f32 v6, v2  }
0xce: {  	v60 =	vmin.f32 v57, v59;
	v62 =	vmax.f32 v3, v61;
	v3 =	vmin.f32 v3, v61  }
0xcf: {  	v22 =	vld [tilespmem:$0x1FEA0];
	v8 =	vmax.f32 v0, v44;
	v0 =	vmin.f32 v0, v44;
	v1 =	vmin.f32 v1, v2  }
0xd0: {  	v2 =	vmax.f32 v10, v19;
	v63 =	vmin.f32 v60, v62;
	v9 =	vmax.f32 v3, v8  }
0xd1: {  	v3 =	vmin.f32 v3, v8;
	v13 =	vmax.f32 v0, v40;
	v0 =	vmin.f32 v0, v40  }
0xd2: {  	v4 =	vmin.f32 v5, v2;
	v2 =	vmax.f32 v5, v2;
	v10 =	vmin.f32 v63, v9  }
0xd3: {  	v19 =	vmax.f32 v3, v13;
	v3 =	vmin.f32 v3, v13;
	v1 =	vmin.f32 v1, v2  }
0xd4: {  	v2 =	vmax.f32 v20, v25;
	v20 =	vmin.f32 v10, v19;
	v25 =	vmax.f32 v0, v22  }
0xd5: {  	v0 =	vmin.f32 v0, v22;
	v6 =	vmin.f32 v4, v2;
	v2 =	vmax.f32 v4, v2  }
0xd6: {  	v1 =	vmin.f32 v1, v2;
	v2 =	vmax.f32 v26, v31;
	v26 =	vmax.f32 v3, v25  }
0xd7: {  	v3 =	vmin.f32 v3, v25;
	v31 =	vmax.f32 v0, v37;
	v0 =	vmin.f32 v0, v37  }
0xd8: {  	v5 =	vmin.f32 v6, v2;
	v2 =	vmax.f32 v6, v2;
	v30 =	vmin.f32 v20, v26  }
0xd9: {  	v1 =	vmin.f32 v1, v2;
	v2 =	vmax.f32 v32, v34;
	v32 =	vmax.f32 v3, v31  }
0xda: {  	v3 =	vmin.f32 v3, v31;
	v34 =	vmax.f32 v0, v36;
	v0 =	vmin.f32 v0, v36  }
0xdb: {  	v4 =	vmin.f32 v5, v2;
	v2 =	vmax.f32 v5, v2;
	v33 =	vmin.f32 v30, v32  }
0xdc: {  	v36 =	vmax.f32 v3, v34;
	v3 =	vmin.f32 v3, v34;
	v1 =	vmin.f32 v1, v2  }
0xdd: {  	v2 =	vmax.f32 v38, v41;
	v37 =	vmin.f32 v33, v36;
	v38 =	vmax.f32 v0, v35;
	v41 =	vld [tilespmem:$0x1FEB0]  }
0xde: {  	v0 =	vmin.f32 v0, v35;
	v6 =	vmin.f32 v4, v2;
	v2 =	vmax.f32 v4, v2  }
0xdf: {  	v45 =	vld [tilespmem:$0x1FEC0];
	v39 =	vmax.f32 v3, v38;
	v1 =	vmin.f32 v1, v2;
	v2 =	vmax.f32 v42, v50  }
0xe0: {  	v3 =	vmin.f32 v3, v38;
	v5 =	vmin.f32 v6, v2;
	v2 =	vmax.f32 v6, v2  }
0xe1: {  	v40 =	vmin.f32 v37, v39;
	v1 =	vmin.f32 v1, v2;
	v2 =	vmax.f32 v51, v53  }
0xe2: {  	v49 =	vld [tilespmem:$0x1FED0];
	v4 =	vmin.f32 v5, v2;
	v2 =	vmax.f32 v5, v2;
	v42 =	vmax.f32 v0, v41  }
0xe3: {  	v0 =	vmin.f32 v0, v41;
	v1 =	vmin.f32 v1, v2;
	v2 =	vmax.f32 v54, v56  }
0xe4: {  	v43 =	vmax.f32 v3, v42;
	v3 =	vmin.f32 v3, v42;
	v46 =	vmax.f32 v0, v45  }
0xe5: {  	v53 =	vld [tilespmem:$0x1FEE0];
	v0 =	vmin.f32 v0, v45;
	v6 =	vmin.f32 v4, v2;
	v2 =	vmax.f32 v4, v2  }
0xe6: {  	v44 =	vmin.f32 v40, v43;
	v47 =	vmax.f32 v3, v46;
	v3 =	vmin.f32 v3, v46  }
0xe7: {  	v50 =	vmax.f32 v0, v49;
	v0 =	vmin.f32 v0, v49;
	v1 =	vmin.f32 v1, v2  }
0xe8: {  	v2 =	vmax.f32 v57, v59;
	v48 =	vmin.f32 v44, v47;
	v51 =	vmax.f32 v3, v50  }
0xe9: {  	v3 =	vmin.f32 v3, v50;
	v57 =	vld [tilespmem:$0x1FEF0];
	v5 =	vmin.f32 v6, v2;
	v2 =	vmax.f32 v6, v2  }
0xea: {  	v52 =	vmin.f32 v48, v51;
	v54 =	vmax.f32 v0, v53;
	v0 =	vmin.f32 v0, v53  }
0xeb: {  	v1 =	vmin.f32 v1, v2;
	v2 =	vmax.f32 v60, v62;
	v55 =	vmax.f32 v3, v54  }
0xec: {  	v3 =	vmin.f32 v3, v54;
	v4 =	vmin.f32 v5, v2;
	v2 =	vmax.f32 v5, v2  }
0xed: {  	v56 =	vmin.f32 v52, v55;
	v1 =	vmin.f32 v1, v2;
	v2 =	vmax.f32 v63, v9  }
0xee: {  	v6 =	vmin.f32 v4, v2;
	v2 =	vmax.f32 v4, v2;
	v58 =	vmax.f32 v0, v57  }
0xef: {  	v0 =	vmin.f32 v0, v57;
	v1 =	vmin.f32 v1, v2;
	v2 =	vmax.f32 v10, v19  }
0xf0: {  	v59 =	vmax.f32 v3, v58;
	v3 =	vmin.f32 v3, v58;
	v61 =	vmax.f32 v0, v29  }
0xf1: {  	v0 =	vmin.f32 v0, v29;
	v5 =	vmin.f32 v6, v2;
	v2 =	vmax.f32 v6, v2  }
0xf2: {  	v25 =	vld [tilespmem:$0x1FF00];
	v60 =	vmin.f32 v56, v59;
	v62 =	vmax.f32 v3, v61;
	v3 =	vmin.f32 v3, v61  }
0xf3: {  	v9 =	vmax.f32 v0, v28;
	v0 =	vmin.f32 v0, v28;
	v1 =	vmin.f32 v1, v2  }
0xf4: {  	v2 =	vmax.f32 v20, v26;
	v63 =	vmin.f32 v60, v62;
	v10 =	vmax.f32 v3, v9  }
0xf5: {  	v3 =	vmin.f32 v3, v9;
	v19 =	vmax.f32 v0, v27;
	v0 =	vmin.f32 v0, v27  }
0xf6: {  	v29 =	vld [tilespmem:$0x1FF10];
	v4 =	vmin.f32 v5, v2;
	v2 =	vmax.f32 v5, v2;
	v13 =	vmin.f32 v63, v10  }
0xf7: {  	v20 =	vmax.f32 v3, v19;
	v3 =	vmin.f32 v3, v19;
	v26 =	vmax.f32 v0, v25  }
0xf8: {  	v0 =	vmin.f32 v0, v25;
	v1 =	vmin.f32 v1, v2;
	v2 =	vmax.f32 v30, v32  }
0xf9: {  	v22 =	vmin.f32 v13, v20;
	v27 =	vmax.f32 v3, v26;
	v3 =	vmin.f32 v3, v26  }
0xfa: {  	v6 =	vmin.f32 v4, v2;
	v2 =	vmax.f32 v4, v2;
	v28 =	vmin.f32 v22, v27  }
0xfb: {  	v30 =	vmax.f32 v0, v29;
	v1 =	vmin.f32 v1, v2;
	v2 =	vmax.f32 v33, v36;
	v33 =	vld [tilespmem:$0x1FF20]  }
0xfc: {  	v0 =	vmin.f32 v0, v29;
	v5 =	vmin.f32 v6, v2;
	v2 =	vmax.f32 v6, v2  }
0xfd: {  	v31 =	vmax.f32 v3, v30;
	v1 =	vmin.f32 v1, v2;
	v2 =	vmax.f32 v37, v39  }
0xfe: {  	v3 =	vmin.f32 v3, v30;
	v37 =	vld [tilespmem:$0x1FF30];
	v4 =	vmin.f32 v5, v2;
	v2 =	vmax.f32 v5, v2  }
0xff: {  	v32 =	vmin.f32 v28, v31;
	v1 =	vmin.f32 v1, v2;
	v2 =	vmax.f32 v40, v43  }
0x100: {  	v41 =	vld [tilespmem:$0x1FF40];
	v6 =	vmin.f32 v4, v2;
	v2 =	vmax.f32 v4, v2;
	v34 =	vmax.f32 v0, v33  }
0x101: {  	v0 =	vmin.f32 v0, v33;
	v1 =	vmin.f32 v1, v2;
	v2 =	vmax.f32 v44, v47  }
0x102: {  	v35 =	vmax.f32 v3, v34;
	v3 =	vmin.f32 v3, v34;
	v5 =	vmin.f32 v6, v2  }
0x103: {  	v2 =	vmax.f32 v6, v2;
	v36 =	vmin.f32 v32, v35;
	v38 =	vmax.f32 v0, v37  }
0x104: {  	v0 =	vmin.f32 v0, v37;
	v1 =	vmin.f32 v1, v2;
	v2 =	vmax.f32 v48, v51  }
0x105: {  	v39 =	vmax.f32 v3, v38;
	v3 =	vmin.f32 v3, v38;
	v42 =	vmax.f32 v0, v41  }
0x106: {  	v0 =	vmin.f32 v0, v41;
	v4 =	vmin.f32 v5, v2;
	v2 =	vmax.f32 v5, v2  }
0x107: {  	v40 =	vmin.f32 v36, v39;
	v43 =	vmax.f32 v3, v42;
	v3 =	vmin.f32 v3, v42  }
0x108: {  	v45 =	vmax.f32 v0, v23;
	v0 =	vmin.f32 v0, v23;
	v1 =	vmin.f32 v1, v2  }
0x109: {  	v2 =	vmax.f32 v52, v55;
	v44 =	vmin.f32 v40, v43;
	v46 =	vmax.f32 v3, v45  }
0x10a: {  	v54 =	vld [tilespmem:$0x1FF50];
	v3 =	vmin.f32 v3, v45;
	v48 =	vmax.f32 v0, v24;
	v0 =	vmin.f32 v0, v24  }
0x10b: {  	v6 =	vmin.f32 v4, v2;
	v2 =	vmax.f32 v4, v2;
	v47 =	vmin.f32 v44, v46  }
0x10c: {  	v49 =	vmax.f32 v3, v48;
	v3 =	vmin.f32 v3, v48;
	v51 =	vmax.f32 v0, v21  }
0x10d: {  	v58 =	vld [tilespmem:$0x1FF60];
	v0 =	vmin.f32 v0, v21;
	v1 =	vmin.f32 v1, v2;
	v2 =	vmax.f32 v56, v59  }
0x10e: {  	v50 =	vmin.f32 v47, v49;
	v52 =	vmax.f32 v3, v51;
	v3 =	vmin.f32 v3, v51  }
0x10f: {  	v55 =	vmax.f32 v0, v54;
	v0 =	vmin.f32 v0, v54;
	v5 =	vmin.f32 v6, v2  }
0x110: {  	v2 =	vmax.f32 v6, v2;
	v53 =	vmin.f32 v50, v52;
	v56 =	vmax.f32 v3, v55  }
0x111: {  	v3 =	vmin.f32 v3, v55;
	v1 =	vmin.f32 v1, v2;
	v2 =	vmax.f32 v60, v62  }
0x112: {  	v59 =	vmax.f32 v0, v58;
	v62 =	vld [tilespmem:$0x1FF70];
	v4 =	vmin.f32 v5, v2;
	v2 =	vmax.f32 v5, v2  }
0x113: {  	v0 =	vmin.f32 v0, v58;
	v1 =	vmin.f32 v1, v2;
	v2 =	vmax.f32 v63, v10  }
0x114: {  	v57 =	vmin.f32 v53, v56;
	v6 =	vmin.f32 v4, v2;
	v2 =	vmax.f32 v4, v2  }
0x115: {  	v60 =	vmax.f32 v3, v59;
	v1 =	vmin.f32 v1, v2;
	v2 =	vmax.f32 v13, v20  }
0x116: {  	v3 =	vmin.f32 v3, v59;
	v61 =	vmin.f32 v57, v60;
	v5 =	vmin.f32 v6, v2  }
0x117: {  	v2 =	vmax.f32 v6, v2;
	v63 =	vmax.f32 v0, v62;
	v0 =	vmin.f32 v0, v62  }
0x118: {  	v1 =	vmin.f32 v1, v2;
	v2 =	vmax.f32 v22, v27;
	v8 =	vmax.f32 v3, v63  }
0x119: {  	v3 =	vmin.f32 v3, v63;
	v10 =	vmax.f32 v0, v17;
	v0 =	vmin.f32 v0, v17  }
0x11a: {  	v4 =	vmin.f32 v5, v2;
	v2 =	vmax.f32 v5, v2;
	v9 =	vmin.f32 v61, v8  }
0x11b: {  	v13 =	vmax.f32 v3, v10;
	v3 =	vmin.f32 v3, v10;
	v19 =	vmax.f32 v0, v14  }
0x11c: {  	v0 =	vmin.f32 v0, v14;
	v1 =	vmin.f32 v1, v2;
	v2 =	vmax.f32 v28, v31  }
0x11d: {  	v17 =	vmin.f32 v9, v13;
	v20 =	vmax.f32 v3, v19;
	v3 =	vmin.f32 v3, v19  }
0x11e: {  	v22 =	vmax.f32 v0, v16;
	v0 =	vmin.f32 v0, v16;
	v6 =	vmin.f32 v4, v2  }
0x11f: {  	v2 =	vmax.f32 v4, v2;
	v21 =	vmin.f32 v17, v20;
	v23 =	vmax.f32 v3, v22  }
0x120: {  	v3 =	vmin.f32 v3, v22;
	v25 =	vmax.f32 v0, v15;
	v0 =	vmin.f32 v0, v15  }
0x121: {  	v31 =	vld [tilespmem:$0x1FF80];
	v1 =	vmin.f32 v1, v2;
	v2 =	vmax.f32 v32, v35;
	v24 =	vmin.f32 v21, v23  }
0x122: {  	v26 =	vmax.f32 v3, v25;
	v3 =	vmin.f32 v3, v25;
	v28 =	vmax.f32 v0, v18  }
0x123: {  	v0 =	vmin.f32 v0, v18;
	v5 =	vmin.f32 v6, v2;
	v2 =	vmax.f32 v6, v2  }
0x124: {  	v27 =	vmin.f32 v24, v26;
	v29 =	vmax.f32 v3, v28;
	v3 =	vmin.f32 v3, v28  }
0x125: {  	v1 =	vmin.f32 v1, v2;
	v2 =	vmax.f32 v36, v39;
	v30 =	vmin.f32 v27, v29  }
0x126: {  	v35 =	vld [tilespmem:$0x1FF90];
	v4 =	vmin.f32 v5, v2;
	v2 =	vmax.f32 v5, v2;
	v32 =	vmax.f32 v0, v31  }
0x127: {  	v0 =	vmin.f32 v0, v31;
	v1 =	vmin.f32 v1, v2;
	v2 =	vmax.f32 v40, v43  }
0x128: {  	v33 =	vmax.f32 v3, v32;
	v6 =	vmin.f32 v4, v2;
	v2 =	vmax.f32 v4, v2  }
0x129: {  	v3 =	vmin.f32 v3, v32;
	v1 =	vmin.f32 v1, v2;
	v2 =	vmax.f32 v44, v46  }
0x12a: {  	v34 =	vmin.f32 v30, v33;
	v5 =	vmin.f32 v6, v2;
	v2 =	vmax.f32 v6, v2  }
0x12b: {  	v39 =	vld [tilespmem:$0x1FFA0];
	v36 =	vmax.f32 v0, v35;
	v1 =	vmin.f32 v1, v2;
	v2 =	vmax.f32 v47, v49  }
0x12c: {  	v0 =	vmin.f32 v0, v35;
	v4 =	vmin.f32 v5, v2;
	v2 =	vmax.f32 v5, v2  }
0x12d: {  	v37 =	vmax.f32 v3, v36;
	v1 =	vmin.f32 v1, v2;
	v2 =	vmax.f32 v50, v52  }
0x12e: {  	v3 =	vmin.f32 v3, v36;
	v6 =	vmin.f32 v4, v2;
	v2 =	vmax.f32 v4, v2  }
0x12f: {  	v38 =	vmin.f32 v34, v37;
	v1 =	vmin.f32 v1, v2;
	v2 =	vmax.f32 v53, v56  }
0x130: {  	v43 =	vld [tilespmem:$0x1FFB0];
	v40 =	vmax.f32 v0, v39;
	v5 =	vmin.f32 v6, v2;
	v2 =	vmax.f32 v6, v2  }
0x131: {  	v0 =	vmin.f32 v0, v39;
	v1 =	vmin.f32 v1, v2;
	v2 =	vmax.f32 v57, v60  }
0x132: {  	v41 =	vmax.f32 v3, v40;
	v4 =	vmin.f32 v5, v2;
	v2 =	vmax.f32 v5, v2  }
0x133: {  	v3 =	vmin.f32 v3, v40;
	v1 =	vmin.f32 v1, v2;
	v2 =	vmax.f32 v61, v8  }
0x134: {  	v42 =	vmin.f32 v38, v41;
	v6 =	vmin.f32 v4, v2;
	v2 =	vmax.f32 v4, v2  }
0x135: {  	v47 =	vld [tilespmem:$0x1FFC0];
	v44 =	vmax.f32 v0, v43;
	v1 =	vmin.f32 v1, v2;
	v2 =	vmax.f32 v9, v13  }
0x136: {  	v0 =	vmin.f32 v0, v43;
	v5 =	vmin.f32 v6, v2;
	v2 =	vmax.f32 v6, v2  }
0x137: {  	v45 =	vmax.f32 v3, v44;
	v1 =	vmin.f32 v1, v2;
	v2 =	vmax.f32 v17, v20  }
0x138: {  	v3 =	vmin.f32 v3, v44;
	v4 =	vmin.f32 v5, v2;
	v2 =	vmax.f32 v5, v2  }
0x139: {  	v51 =	vld [tilespmem:$0x1FFD0];
	v46 =	vmin.f32 v42, v45;
	v1 =	vmin.f32 v1, v2;
	v2 =	vmax.f32 v21, v23  }
0x13a: {  	v48 =	vmax.f32 v0, v47;
	v6 =	vmin.f32 v4, v2;
	v2 =	vmax.f32 v4, v2  }
0x13b: {  	v0 =	vmin.f32 v0, v47;
	v1 =	vmin.f32 v1, v2;
	v2 =	vmax.f32 v24, v26  }
0x13c: {  	v49 =	vmax.f32 v3, v48;
	v5 =	vmin.f32 v6, v2;
	v2 =	vmax.f32 v6, v2  }
0x13d: {  	v3 =	vmin.f32 v3, v48;
	v1 =	vmin.f32 v1, v2;
	v2 =	vmax.f32 v27, v29  }
0x13e: {  	v52 =	vmax.f32 v0, v51;
	v4 =	vmin.f32 v5, v2;
	v2 =	vmax.f32 v5, v2  }
0x13f: {  	v0 =	vmin.f32 v0, v51;
	v1 =	vmin.f32 v1, v2;
	v2 =	vmax.f32 v30, v33  }
0x140: {  	v50 =	vmin.f32 v46, v49;
	v6 =	vmin.f32 v4, v2;
	v2 =	vmax.f32 v4, v2  }
0x141: {  	v53 =	vmax.f32 v3, v52;
	v1 =	vmin.f32 v1, v2;
	v2 =	vmax.f32 v34, v37  }
0x142: {  	v3 =	vmin.f32 v3, v52;
	v5 =	vmin.f32 v6, v2;
	v2 =	vmax.f32 v6, v2  }
0x143: {  	v55 =	vmax.f32 v0, v12;
	v1 =	vmin.f32 v1, v2;
	v2 =	vmax.f32 v38, v41  }
0x144: {  	v0 =	vmin.f32 v0, v12;
	v4 =	vmin.f32 v5, v2;
	v2 =	vmax.f32 v5, v2  }
0x145: {  	v54 =	vmin.f32 v50, v53;
	v1 =	vmin.f32 v1, v2;
	v2 =	vmax.f32 v42, v45  }
0x146: {  	v56 =	vmax.f32 v3, v55;
	v6 =	vmin.f32 v4, v2;
	v2 =	vmax.f32 v4, v2  }
0x147: {  	v3 =	vmin.f32 v3, v55;
	v1 =	vmin.f32 v1, v2;
	v2 =	vmax.f32 v46, v49  }
0x148: {  	v58 =	vmax.f32 v0, v11;
	v5 =	vmin.f32 v6, v2;
	v2 =	vmax.f32 v6, v2  }
0x149: {  	v43 =	vmin.f32 v0, v11;
	v1 =	vmin.f32 v1, v2;
	v2 =	vmax.f32 v50, v53  }
.Ltmp8:
0x14a: {  	v57 =	vmax.f32 v54, v56;
	v4 =	vmin.f32 v5, v2;
	v2 =	vmax.f32 v5, v2;
	(pc) =	sbr.rel .LBB2_5-.Ltmp8, $4  }
0x14b: {  	v60 =	vmax.f32 v3, v58;
	v1 =	vmin.f32 v1, v2;
	v2 =	vmin.f32 v54, v56  }
0x14c: {  	v59 =	vmax.f32 v4, v57;
	v4 =	vmin.f32 v4, v57;
	v61 =	vmax.f32 v2, v60  }
0x14d: {  	v1 =	vmin.f32 v1, v59;
	v62 =	vmax.f32 v4, v61;
	v63 =	vmin.f32 v4, v61  }
0x14e: {  	v42 =	vmin.f32 v3, v58;
	v41 =	vmin.f32 v2, v60;
	[tilespmem:$0x1FFE0] =	vst v63;
	v38 =	vmin.f32 v1, v62  }
.LBB2_6:
0x14f: {  	p1 =	seq.s32 s20, $0x7  }
0x150: {  	s21 =	sshll.u32 @!p1 s20, $0x1  }
0x151: {  	s21 =	sadd.s32 @!p1 $0x2, s21  }
0x152: {  	s22 =	sshll.u32 @!p1 s21, $0xF  }
0x153: {  	s21 =	sshll.u32 @!p1 s21, $0x7;
	s22 =	sand.u32 @!p1 $0xC0000, s22  }
0x154: {  	s21 =	sand.u32 @!p1 $0x300, s21;
	s22 =	sadd.s32 @!p1 s4, s22  }
0x155: {  	s21 =	sor.u32 @!p1 s21, s22  }
0x156: {  	s23 =	simm.s32 @!p1 $0x400;
	s24 =	simm.s32 @!p1 $0x0;
	s21 =	sshrl.u32 @!p1 s21, $0x3  }
.Ltmp9:
0x157: {  	s22 =	simm.s32 @!p1 $0x80;
	s21 =	sadd.s32 @!p1 s1, s21;
	(pc) =	sbr.rel .LBB2_7-.Ltmp9, $4  }
0x158: {  	[tilespmem:s24], [sflag:$0x1] =	stream.strided.gather @!p1 [hbm4b:s21+s22], $0x8000, s23, s22, $0x38;
	[tilespmem:$0x10580] =	vst v63  }
0x159: {  	_ =	swait.ge [sflag:s14], $0x8000  }
0x15a: {  	[sflag:s14] =	ssyncset.done $0x0  }
0x15b: {  	s21 =	simm.s32 $0x0;
	[sflag:s14] =	ssyncadd.s32 $0xFFFF8000  }
.LBB2_9:
0x15c: {  	s21 =	sadd.s32 $0x1000, s21  }
0x15d: {  	p1 =	sne.s32 s21, $0x20000  }
.Ltmp10:
0x15e: {  	_ = 	snop;
	(pc) =	sbr.rel @!p1 .LBB2_10-.Ltmp10, $1  }
0x15f: {  	_ =	sdelay $0x3  }
.LBB2_7:
0x160: {  	s22 =	sshra.s32 s21, $0x2  }
0x161: {  	v6 =	vld [tilespmem:s22+$0x8000]  }
0x162: {  	v5 =	vld [tilespmem:s22+$0x8010]  }
0x163: {  	v4 =	vld [tilespmem:s22+$0x8020]  }
0x164: {  	v3 =	vld [tilespmem:s22+$0x8030]  }
0x165: {  	v2 =	vld [tilespmem:s22+$0x8040]  }
0x166: {  	v0 =	vld [tilespmem:s22+$0x8050]  }
0x167: {  	v1 =	vld [tilespmem:s22+$0x8060]  }
0x168: {  	v63 =	vld [tilespmem:s22+$0x8070]  }
0x169: {  	v62 =	vld [tilespmem:s22+$0x8080]  }
0x16a: {  	v61 =	vld [tilespmem:s22+$0x8090]  }
0x16b: {  	v60 =	vld [tilespmem:s22+$0x80A0]  }
0x16c: {  	v59 =	vld [tilespmem:s22+$0x80B0]  }
0x16d: {  	v58 =	vld [tilespmem:s22+$0x80C0]  }
0x16e: {  	v57 =	vld [tilespmem:s22+$0x80D0]  }
0x16f: {  	v56 =	vld [tilespmem:s22+$0x80E0]  }
0x170: {  	v55 =	vld [tilespmem:s22+$0x80F0]  }
0x171: {  	v54 =	vld [tilespmem:s22+$0x8100]  }
0x172: {  	v53 =	vld [tilespmem:s22+$0x8110]  }
0x173: {  	v52 =	vld [tilespmem:s22+$0x8120]  }
0x174: {  	v51 =	vld [tilespmem:s22+$0x8130]  }
0x175: {  	v50 =	vld [tilespmem:s22+$0x8140]  }
0x176: {  	v49 =	vld [tilespmem:s22+$0x8150]  }
0x177: {  	v48 =	vld [tilespmem:s22+$0x8160]  }
0x178: {  	v47 =	vld [tilespmem:s22+$0x8170]  }
0x179: {  	v46 =	vld [tilespmem:s22+$0x8180]  }
0x17a: {  	v45 =	vld [tilespmem:s22+$0x8190]  }
0x17b: {  	v44 =	vld [tilespmem:s22+$0x81A0]  }
0x17c: {  	v40 =	vld [tilespmem:s22+$0x81B0]  }
0x17d: {  	v39 =	vld [tilespmem:s22+$0x81C0]  }
0x17e: {  	v37 =	vld [tilespmem:s22+$0x81D0]  }
0x17f: {  	v36 =	vld [tilespmem:s22+$0x81E0]  }
0x180: {  	v35 =	vld [tilespmem:s22+$0x81F0]  }
0x181: {  	v34 =	vld [tilespmem:s22+$0x8200]  }
0x182: {  	v33 =	vld [tilespmem:s22+$0x8210]  }
0x183: {  	v32 =	vld [tilespmem:s22+$0x8220]  }
0x184: {  	v31 =	vld [tilespmem:s22+$0x8230]  }
0x185: {  	v30 =	vld [tilespmem:s22+$0x8240]  }
0x186: {  	v29 =	vld [tilespmem:s22+$0x8250]  }
0x187: {  	v28 =	vld [tilespmem:s22+$0x8260]  }
0x188: {  	v27 =	vld [tilespmem:s22+$0x8270]  }
0x189: {  	v12 =	vld [tilespmem:s22+$0x8280]  }
0x18a: {  	v26 =	vld [tilespmem:s22+$0x8290]  }
0x18b: {  	v25 =	vld [tilespmem:s22+$0x82A0]  }
0x18c: {  	v11 =	vld [tilespmem:s22+$0x82B0]  }
0x18d: {  	v24 =	vld [tilespmem:s22+$0x82C0]  }
0x18e: {  	v23 =	vld [tilespmem:s22+$0x82D0]  }
0x18f: {  	v22 =	vld [tilespmem:s22+$0x8300]  }
0x190: {  	v20 =	vld [tilespmem:s22+$0x8310];
	v7 =	vmin.f32 v6, v62  }
0x191: {  	v19 =	vld [tilespmem:s22+$0x8320];
	v8 =	vmin.f32 v5, v61;
	v9 =	vmin.f32 v4, v60;
	v10 =	vmin.f32 v3, v59  }
0x192: {  	v18 =	vld [tilespmem:s22+$0x8330];
	v13 =	vmin.f32 v2, v58;
	v7 =	vmin.f32 v7, v54;
	v8 =	vmin.f32 v8, v53  }
0x193: {  	v17 =	vld [tilespmem:s22+$0x8340];
	v15 =	vmin.f32 v9, v52;
	v16 =	vmin.f32 v10, v51;
	v13 =	vmin.f32 v13, v50  }
0x194: {  	v14 =	vld [tilespmem:s22+$0x8380];
	v21 =	vmin.f32 v7, v46;
	v8 =	vmin.f32 v8, v45;
	v15 =	vmin.f32 v15, v44  }
0x195: {  	v9 =	vld [tilespmem:s22+$0x8390];
	v16 =	vmin.f32 v16, v40;
	v13 =	vmin.f32 v13, v39;
	v21 =	vmin.f32 v21, v34  }
0x196: {  	[tilespmem:$0x1FDC0] =	vst v12;
	v10 =	vld [tilespmem:s22+$0x83A0];
	v8 =	vmin.f32 v8, v33;
	v15 =	vmin.f32 v15, v32;
	v16 =	vmin.f32 v16, v31  }
0x197: {  	[tilespmem:$0x1FDF0] =	vst v11;
	v13 =	vmin.f32 v13, v30;
	v21 =	vmin.f32 v21, v12;
	v12 =	vld [tilespmem:s22+$0x83B0];
	v8 =	vmin.f32 v8, v26  }
0x198: {  	[tilespmem:$0x1FE00] =	vst v24;
	v15 =	vmin.f32 v15, v25;
	v16 =	vmin.f32 v16, v11;
	v11 =	vld [tilespmem:s22+$0x83C0];
	v13 =	vmin.f32 v13, v24  }
0x199: {  	[tilespmem:$0x1FE40] =	vst v14;
	v24 =	vld [tilespmem:s22+$0x82E0];
	v7 =	vmin.f32 v21, v22;
	v8 =	vmin.f32 v8, v20;
	v15 =	vmin.f32 v15, v19  }
0x19a: {  	v21 =	vld [tilespmem:s22+$0x82F0];
	v7 =	vmin.f32 v7, v14;
	v14 =	vmov v17;
	[tilespmem:$0x1FE50] =	vst v9;
	v8 =	vmin.f32 v8, v9  }
0x19b: {  	v9 =	vmin.f32 v16, v18;
	v16 =	vld [tilespmem:s22+$0x8350];
	[tilespmem:$0x1FE60] =	vst v10;
	v10 =	vmin.f32 v15, v10;
	v7 =	vmin.f32 v7, v8  }
0x19c: {  	v15 =	vld [tilespmem:s22+$0x8360];
	v8 =	vmin.f32 v13, v14;
	v7 =	vmin.f32 v7, v10;
	v10 =	vmin.f32 v0, v57  }
0x19d: {  	v17 =	vmovc v18;
	v18 =	vld [tilespmem:s22+$0x8370];
	v9 =	vmin.f32 v9, v12;
	v8 =	vmin.f32 v8, v11;
	v10 =	vmin.f32 v10, v49  }
0x19e: {  	[tilespmem:$0x1FE80] =	vst v11;
	v11 =	vld [tilespmem:s22+$0x83D0];
	v7 =	vmin.f32 v7, v9;
	v9 =	vmin.f32 v1, v56;
	v10 =	vmin.f32 v10, v37  }
0x19f: {  	v13 =	vld [tilespmem:s22+$0x83E0];
	v7 =	vmin.f32 v7, v8;
	v9 =	vmin.f32 v9, v48;
	v8 =	vmin.f32 v63, v55  }
0x1a0: {  	[tilespmem:$0x1FE70] =	vst v12;
	v12 =	vld [tilespmem:s22+$0x83F0];
	v10 =	vmin.f32 v10, v29;
	v8 =	vmin.f32 v8, v47;
	v9 =	vmin.f32 v9, v36  }
0x1a1: {  	v10 =	vmin.f32 v10, v23;
	v8 =	vmin.f32 v8, v35;
	v9 =	vmin.f32 v9, v28  }
0x1a2: {  	v10 =	vmin.f32 v10, v16;
	v8 =	vmin.f32 v8, v27;
	v9 =	vmin.f32 v9, v24  }
0x1a3: {  	v10 =	vmin.f32 v10, v11;
	v8 =	vmin.f32 v8, v21;
	v9 =	vmin.f32 v9, v15  }
0x1a4: {  	v7 =	vmin.f32 v7, v10;
	v8 =	vmin.f32 v8, v18;
	v9 =	vmin.f32 v9, v13  }
0x1a5: {  	v7 =	vmin.f32 v7, v9;
	v8 =	vmin.f32 v8, v12  }
0x1a6: {  	v7 =	vmin.f32 v7, v8  }
0x1a7: {  	vm0 =	vlt.f32 v7, v38;
	v7 =	vimm.f32 $0.0e+00  }
0x1a8: {  	v7 =	vsel vm0, $0x3F800000, v7  }
0x1a9: {  	(xrf0) =	vmax.scan.msk.f32 $0xffff, v7;
	_ =	sdelay $0x5  }
0x1aa: {  	v7, _, _ =	vpop (xrf0)  }
0x1ab: {  	(v2sf) =	vpush v7, $0xF;
	_ =	sdelay $0xa  }
0x1ac: {  	[tilespmem:$0x1FD70] =	vst v34  }
0x1ad: {  	[tilespmem:$0x1FD80] =	vst v33  }
0x1ae: {  	[tilespmem:$0x1FD90] =	vst v32  }
0x1af: {  	[tilespmem:$0x1FDA0] =	vst v31  }
0x1b0: {  	[tilespmem:$0x1FDB0] =	vst v30;
	s31 =	spop (v2sf)  }
0x1b1: {  	[tilespmem:$0x1FDD0] =	vst v26;
	p1 =	sgt.f32 s31, $0.0e+00  }
.Ltmp11:
0x1b2: {  	[tilespmem:$0x1FDE0] =	vst v25;
	(pc) =	sbr.rel @!p1 .LBB2_9-.Ltmp11, $4  }
0x1b3: {  	[tilespmem:$0x1FE10] =	vst v22  }
0x1b4: {  	[tilespmem:$0x1FE20] =	vst v20  }
0x1b5: {  	[tilespmem:$0x1FE30] =	vst v19  }
0x1b6: {  	[tilespmem:$0x1FE90] =	vst v11;
	v11 =	vmov v12  }
0x1b7: {  	v7 =	vmax.f32 v43, v6  }
0x1b8: {  	v43 =	vmin.f32 v43, v6;
	v8 =	vmax.f32 v42, v7  }
0x1b9: {  	v19 =	vld [tilespmem:$0x1FFE0];
	v7 =	vmin.f32 v42, v7;
	v20 =	vmax.f32 v43, v5;
	v22 =	vmin.f32 v43, v5  }
0x1ba: {  	v9 =	vmin.f32 v41, v8;
	v8 =	vmax.f32 v41, v8;
	v25 =	vmax.f32 v7, v20  }
0x1bb: {  	v7 =	vmin.f32 v7, v20;
	v30 =	vmax.f32 v22, v4;
	v31 =	vmin.f32 v22, v4  }
0x1bc: {  	v12 =	vmovc v13;
	v26 =	vmin.f32 v9, v25;
	v6 =	vmax.f32 v9, v25;
	v32 =	vmax.f32 v7, v30  }
0x1bd: {  	v13 =	vmovc v39;
	v7 =	vmin.f32 v7, v30;
	v39 =	vmin.f32 v31, v3;
	v33 =	vmin.f32 v26, v32  }
0x1be: {  	v5 =	vmax.f32 v26, v32;
	v20 =	vmin.f32 v39, v2;
	v10 =	vmin.f32 v19, v8  }
0x1bf: {  	v8 =	vmax.f32 v19, v8;
	v19 =	vmax.f32 v39, v2;
	v30 =	vmax.f32 v20, v0  }
0x1c0: {  	v8 =	vmin.f32 v38, v8;
	v9 =	vmin.f32 v10, v6;
	v6 =	vmax.f32 v10, v6  }
0x1c1: {  	v38 =	vmax.f32 v31, v3;
	v31 =	vmin.f32 v20, v0;
	v6 =	vmin.f32 v8, v6  }
0x1c2: {  	v34 =	vmin.f32 v9, v5;
	v5 =	vmax.f32 v9, v5;
	v41 =	vmax.f32 v7, v38  }
0x1c3: {  	v42 =	vmin.f32 v7, v38;
	v38 =	vmax.f32 v31, v1;
	v0 =	vmin.f32 v31, v1  }
0x1c4: {  	v5 =	vmin.f32 v6, v5;
	v43 =	vmin.f32 v33, v41;
	v4 =	vmax.f32 v33, v41  }
0x1c5: {  	v22 =	vmax.f32 v42, v19;
	v25 =	vmin.f32 v42, v19;
	v8 =	vmin.f32 v34, v4  }
0x1c6: {  	v4 =	vmax.f32 v34, v4;
	v26 =	vmin.f32 v43, v22;
	v3 =	vmax.f32 v43, v22  }
0x1c7: {  	v32 =	vmax.f32 v25, v30;
	v33 =	vmin.f32 v25, v30;
	v43 =	vmax.f32 v0, v63  }
0x1c8: {  	v0 =	vmin.f32 v0, v63;
	v4 =	vmin.f32 v5, v4;
	v7 =	vmin.f32 v8, v3  }
0x1c9: {  	v3 =	vmax.f32 v8, v3;
	v34 =	vmin.f32 v26, v32;
	v2 =	vmax.f32 v26, v32  }
0x1ca: {  	v39 =	vmax.f32 v33, v38;
	v41 =	vmin.f32 v33, v38;
	v10 =	vmax.f32 v0, v62  }
0x1cb: {  	v0 =	vmin.f32 v0, v62;
	v3 =	vmin.f32 v4, v3;
	v6 =	vmin.f32 v7, v2  }
0x1cc: {  	v2 =	vmax.f32 v7, v2;
	v42 =	vmin.f32 v34, v39;
	v1 =	vmax.f32 v34, v39  }
0x1cd: {  	v63 =	vmax.f32 v41, v43;
	v22 =	vmax.f32 v0, v61;
	v0 =	vmin.f32 v0, v61  }
0x1ce: {  	v2 =	vmin.f32 v3, v2;
	v5 =	vmin.f32 v6, v1;
	v1 =	vmax.f32 v6, v1  }
0x1cf: {  	v3 =	vmin.f32 v41, v43;
	v9 =	vmin.f32 v42, v63;
	v30 =	vmax.f32 v0, v60  }
0x1d0: {  	v0 =	vmin.f32 v0, v60;
	v1 =	vmin.f32 v2, v1;
	v2 =	vmax.f32 v42, v63  }
0x1d1: {  	v19 =	vmax.f32 v3, v10;
	v3 =	vmin.f32 v3, v10;
	v33 =	vmax.f32 v0, v59  }
0x1d2: {  	v0 =	vmin.f32 v0, v59;
	v4 =	vmin.f32 v5, v2;
	v2 =	vmax.f32 v5, v2  }
0x1d3: {  	v20 =	vmin.f32 v9, v19;
	v25 =	vmax.f32 v3, v22;
	v3 =	vmin.f32 v3, v22  }
0x1d4: {  	v39 =	vmax.f32 v0, v58;
	v0 =	vmin.f32 v0, v58;
	v1 =	vmin.f32 v1, v2  }
0x1d5: {  	v2 =	vmax.f32 v9, v19;
	v26 =	vmin.f32 v20, v25;
	v31 =	vmax.f32 v3, v30  }
0x1d6: {  	v3 =	vmin.f32 v3, v30;
	v43 =	vmax.f32 v0, v57;
	v0 =	vmin.f32 v0, v57  }
0x1d7: {  	v6 =	vmin.f32 v4, v2;
	v2 =	vmax.f32 v4, v2;
	v32 =	vmin.f32 v26, v31  }
0x1d8: {  	v34 =	vmax.f32 v3, v33;
	v3 =	vmin.f32 v3, v33;
	v60 =	vmax.f32 v0, v56  }
0x1d9: {  	v0 =	vmin.f32 v0, v56;
	v1 =	vmin.f32 v1, v2;
	v2 =	vmax.f32 v20, v25  }
0x1da: {  	v38 =	vmin.f32 v32, v34;
	v41 =	vmax.f32 v3, v39;
	v3 =	vmin.f32 v3, v39  }
0x1db: {  	v63 =	vmax.f32 v0, v55;
	v0 =	vmin.f32 v0, v55;
	v5 =	vmin.f32 v6, v2  }
0x1dc: {  	v2 =	vmax.f32 v6, v2;
	v42 =	vmin.f32 v38, v41;
	v58 =	vmax.f32 v3, v43  }
0x1dd: {  	v3 =	vmin.f32 v3, v43;
	v10 =	vmax.f32 v0, v54;
	v0 =	vmin.f32 v0, v54  }
0x1de: {  	v1 =	vmin.f32 v1, v2;
	v2 =	vmax.f32 v26, v31;
	v59 =	vmin.f32 v42, v58  }
0x1df: {  	v61 =	vmax.f32 v3, v60;
	v3 =	vmin.f32 v3, v60;
	v22 =	vmax.f32 v0, v53  }
0x1e0: {  	v0 =	vmin.f32 v0, v53;
	v4 =	vmin.f32 v5, v2;
	v2 =	vmax.f32 v5, v2  }
0x1e1: {  	v62 =	vmin.f32 v59, v61;
	v8 =	vmax.f32 v3, v63;
	v3 =	vmin.f32 v3, v63  }
0x1e2: {  	v30 =	vmax.f32 v0, v52;
	v0 =	vmin.f32 v0, v52;
	v1 =	vmin.f32 v1, v2  }
0x1e3: {  	v2 =	vmax.f32 v32, v34;
	v9 =	vmin.f32 v62, v8;
	v19 =	vmax.f32 v3, v10  }
0x1e4: {  	v3 =	vmin.f32 v3, v10;
	v33 =	vmax.f32 v0, v51;
	v0 =	vmin.f32 v0, v51  }
0x1e5: {  	v6 =	vmin.f32 v4, v2;
	v2 =	vmax.f32 v4, v2;
	v20 =	vmin.f32 v9, v19  }
0x1e6: {  	v25 =	vmax.f32 v3, v22;
	v3 =	vmin.f32 v3, v22;
	v39 =	vmax.f32 v0, v50  }
0x1e7: {  	v0 =	vmin.f32 v0, v50;
	v1 =	vmin.f32 v1, v2;
	v2 =	vmax.f32 v38, v41  }
0x1e8: {  	v26 =	vmin.f32 v20, v25;
	v31 =	vmax.f32 v3, v30;
	v3 =	vmin.f32 v3, v30  }
0x1e9: {  	v43 =	vmax.f32 v0, v49;
	v0 =	vmin.f32 v0, v49;
	v5 =	vmin.f32 v6, v2  }
0x1ea: {  	v2 =	vmax.f32 v6, v2;
	v32 =	vmin.f32 v26, v31;
	v34 =	vmax.f32 v3, v33  }
0x1eb: {  	v3 =	vmin.f32 v3, v33;
	v52 =	vmax.f32 v0, v48;
	v0 =	vmin.f32 v0, v48  }
0x1ec: {  	v1 =	vmin.f32 v1, v2;
	v2 =	vmax.f32 v42, v58;
	v38 =	vmin.f32 v32, v34  }
0x1ed: {  	v41 =	vmax.f32 v3, v39;
	v3 =	vmin.f32 v3, v39;
	v55 =	vmax.f32 v0, v47  }
0x1ee: {  	v0 =	vmin.f32 v0, v47;
	v4 =	vmin.f32 v5, v2;
	v2 =	vmax.f32 v5, v2  }
0x1ef: {  	v42 =	vmin.f32 v38, v41;
	v50 =	vmax.f32 v3, v43;
	v3 =	vmin.f32 v3, v43  }
0x1f0: {  	v58 =	vmax.f32 v0, v46;
	v0 =	vmin.f32 v0, v46;
	v1 =	vmin.f32 v1, v2  }
0x1f1: {  	v2 =	vmax.f32 v59, v61;
	v51 =	vmin.f32 v42, v50;
	v53 =	vmax.f32 v3, v52  }
0x1f2: {  	v3 =	vmin.f32 v3, v52;
	v61 =	vmax.f32 v0, v45;
	v0 =	vmin.f32 v0, v45  }
0x1f3: {  	v6 =	vmin.f32 v4, v2;
	v2 =	vmax.f32 v4, v2;
	v54 =	vmin.f32 v51, v53  }
0x1f4: {  	v56 =	vmax.f32 v3, v55;
	v3 =	vmin.f32 v3, v55;
	v1 =	vmin.f32 v1, v2  }
0x1f5: {  	v2 =	vmax.f32 v62, v8;
	v57 =	vmin.f32 v54, v56;
	v59 =	vmax.f32 v3, v58  }
0x1f6: {  	v3 =	vmin.f32 v3, v58;
	v8 =	vmax.f32 v0, v44;
	v0 =	vmin.f32 v0, v44  }
0x1f7: {  	v5 =	vmin.f32 v6, v2;
	v2 =	vmax.f32 v6, v2;
	v60 =	vmin.f32 v57, v59  }
0x1f8: {  	v62 =	vmax.f32 v3, v61;
	v3 =	vmin.f32 v3, v61;
	v1 =	vmin.f32 v1, v2  }
0x1f9: {  	v2 =	vmax.f32 v9, v19;
	v63 =	vmin.f32 v60, v62;
	v9 =	vmax.f32 v3, v8  }
0x1fa: {  	v3 =	vmin.f32 v3, v8;
	v19 =	vmax.f32 v0, v40;
	v0 =	vmin.f32 v0, v40  }
0x1fb: {  	v4 =	vmin.f32 v5, v2;
	v2 =	vmax.f32 v5, v2;
	v10 =	vmin.f32 v63, v9  }
0x1fc: {  	v1 =	vmin.f32 v1, v2;
	v2 =	vmax.f32 v20, v25;
	v20 =	vmax.f32 v3, v19  }
0x1fd: {  	v3 =	vmin.f32 v3, v19;
	v25 =	vmax.f32 v0, v13;
	v0 =	vmin.f32 v0, v13  }
0x1fe: {  	v6 =	vmin.f32 v4, v2;
	v2 =	vmax.f32 v4, v2;
	v22 =	vmin.f32 v10, v20  }
0x1ff: {  	v1 =	vmin.f32 v1, v2;
	v2 =	vmax.f32 v26, v31;
	v26 =	vmax.f32 v3, v25  }
0x200: {  	v3 =	vmin.f32 v3, v25;
	v31 =	vmax.f32 v0, v37;
	v0 =	vmin.f32 v0, v37  }
0x201: {  	v5 =	vmin.f32 v6, v2;
	v2 =	vmax.f32 v6, v2;
	v30 =	vmin.f32 v22, v26  }
0x202: {  	v1 =	vmin.f32 v1, v2;
	v2 =	vmax.f32 v32, v34;
	v32 =	vmax.f32 v3, v31  }
0x203: {  	v3 =	vmin.f32 v3, v31;
	v34 =	vmax.f32 v0, v36;
	v0 =	vmin.f32 v0, v36  }
0x204: {  	v4 =	vmin.f32 v5, v2;
	v2 =	vmax.f32 v5, v2;
	v33 =	vmin.f32 v30, v32  }
0x205: {  	v36 =	vmax.f32 v3, v34;
	v3 =	vmin.f32 v3, v34;
	v1 =	vmin.f32 v1, v2  }
0x206: {  	v2 =	vmax.f32 v38, v41;
	v37 =	vmin.f32 v33, v36;
	v38 =	vmax.f32 v0, v35;
	v41 =	vld [tilespmem:$0x1FD70]  }
0x207: {  	v0 =	vmin.f32 v0, v35;
	v6 =	vmin.f32 v4, v2;
	v2 =	vmax.f32 v4, v2  }
0x208: {  	v45 =	vld [tilespmem:$0x1FD80];
	v39 =	vmax.f32 v3, v38;
	v1 =	vmin.f32 v1, v2;
	v2 =	vmax.f32 v42, v50  }
0x209: {  	v3 =	vmin.f32 v3, v38;
	v5 =	vmin.f32 v6, v2;
	v2 =	vmax.f32 v6, v2  }
0x20a: {  	v40 =	vmin.f32 v37, v39;
	v1 =	vmin.f32 v1, v2;
	v2 =	vmax.f32 v51, v53  }
0x20b: {  	v49 =	vld [tilespmem:$0x1FD90];
	v4 =	vmin.f32 v5, v2;
	v2 =	vmax.f32 v5, v2;
	v42 =	vmax.f32 v0, v41  }
0x20c: {  	v0 =	vmin.f32 v0, v41;
	v1 =	vmin.f32 v1, v2;
	v2 =	vmax.f32 v54, v56  }
0x20d: {  	v43 =	vmax.f32 v3, v42;
	v3 =	vmin.f32 v3, v42;
	v46 =	vmax.f32 v0, v45  }
0x20e: {  	v53 =	vld [tilespmem:$0x1FDA0];
	v0 =	vmin.f32 v0, v45;
	v6 =	vmin.f32 v4, v2;
	v2 =	vmax.f32 v4, v2  }
0x20f: {  	v44 =	vmin.f32 v40, v43;
	v47 =	vmax.f32 v3, v46;
	v3 =	vmin.f32 v3, v46  }
0x210: {  	v50 =	vmax.f32 v0, v49;
	v0 =	vmin.f32 v0, v49;
	v1 =	vmin.f32 v1, v2  }
0x211: {  	v2 =	vmax.f32 v57, v59;
	v48 =	vmin.f32 v44, v47;
	v51 =	vmax.f32 v3, v50  }
0x212: {  	v3 =	vmin.f32 v3, v50;
	v57 =	vld [tilespmem:$0x1FDB0];
	v5 =	vmin.f32 v6, v2;
	v2 =	vmax.f32 v6, v2  }
0x213: {  	v52 =	vmin.f32 v48, v51;
	v54 =	vmax.f32 v0, v53;
	v0 =	vmin.f32 v0, v53  }
0x214: {  	v1 =	vmin.f32 v1, v2;
	v2 =	vmax.f32 v60, v62;
	v55 =	vmax.f32 v3, v54  }
0x215: {  	v3 =	vmin.f32 v3, v54;
	v4 =	vmin.f32 v5, v2;
	v2 =	vmax.f32 v5, v2  }
0x216: {  	v56 =	vmin.f32 v52, v55;
	v1 =	vmin.f32 v1, v2;
	v2 =	vmax.f32 v63, v9  }
0x217: {  	v6 =	vmin.f32 v4, v2;
	v2 =	vmax.f32 v4, v2;
	v58 =	vmax.f32 v0, v57  }
0x218: {  	v0 =	vmin.f32 v0, v57;
	v1 =	vmin.f32 v1, v2;
	v2 =	vmax.f32 v10, v20  }
0x219: {  	v59 =	vmax.f32 v3, v58;
	v3 =	vmin.f32 v3, v58;
	v61 =	vmax.f32 v0, v29  }
0x21a: {  	v0 =	vmin.f32 v0, v29;
	v5 =	vmin.f32 v6, v2;
	v2 =	vmax.f32 v6, v2  }
0x21b: {  	v25 =	vld [tilespmem:$0x1FDC0];
	v60 =	vmin.f32 v56, v59;
	v62 =	vmax.f32 v3, v61;
	v3 =	vmin.f32 v3, v61  }
0x21c: {  	v9 =	vmax.f32 v0, v28;
	v0 =	vmin.f32 v0, v28;
	v1 =	vmin.f32 v1, v2  }
0x21d: {  	v2 =	vmax.f32 v22, v26;
	v63 =	vmin.f32 v60, v62;
	v10 =	vmax.f32 v3, v9  }
0x21e: {  	v3 =	vmin.f32 v3, v9;
	v19 =	vmax.f32 v0, v27;
	v0 =	vmin.f32 v0, v27  }
0x21f: {  	v29 =	vld [tilespmem:$0x1FDD0];
	v4 =	vmin.f32 v5, v2;
	v2 =	vmax.f32 v5, v2;
	v13 =	vmin.f32 v63, v10  }
0x220: {  	v20 =	vmax.f32 v3, v19;
	v3 =	vmin.f32 v3, v19;
	v26 =	vmax.f32 v0, v25  }
0x221: {  	v0 =	vmin.f32 v0, v25;
	v1 =	vmin.f32 v1, v2;
	v2 =	vmax.f32 v30, v32  }
0x222: {  	v22 =	vmin.f32 v13, v20;
	v27 =	vmax.f32 v3, v26;
	v3 =	vmin.f32 v3, v26  }
0x223: {  	v6 =	vmin.f32 v4, v2;
	v2 =	vmax.f32 v4, v2;
	v28 =	vmin.f32 v22, v27  }
0x224: {  	v30 =	vmax.f32 v0, v29;
	v1 =	vmin.f32 v1, v2;
	v2 =	vmax.f32 v33, v36;
	v33 =	vld [tilespmem:$0x1FDE0]  }
0x225: {  	v0 =	vmin.f32 v0, v29;
	v5 =	vmin.f32 v6, v2;
	v2 =	vmax.f32 v6, v2  }
0x226: {  	v31 =	vmax.f32 v3, v30;
	v1 =	vmin.f32 v1, v2;
	v2 =	vmax.f32 v37, v39  }
0x227: {  	v3 =	vmin.f32 v3, v30;
	v37 =	vld [tilespmem:$0x1FDF0];
	v4 =	vmin.f32 v5, v2;
	v2 =	vmax.f32 v5, v2  }
0x228: {  	v32 =	vmin.f32 v28, v31;
	v1 =	vmin.f32 v1, v2;
	v2 =	vmax.f32 v40, v43  }
0x229: {  	v41 =	vld [tilespmem:$0x1FE00];
	v6 =	vmin.f32 v4, v2;
	v2 =	vmax.f32 v4, v2;
	v34 =	vmax.f32 v0, v33  }
0x22a: {  	v0 =	vmin.f32 v0, v33;
	v1 =	vmin.f32 v1, v2;
	v2 =	vmax.f32 v44, v47  }
0x22b: {  	v35 =	vmax.f32 v3, v34;
	v3 =	vmin.f32 v3, v34;
	v5 =	vmin.f32 v6, v2  }
0x22c: {  	v2 =	vmax.f32 v6, v2;
	v36 =	vmin.f32 v32, v35;
	v38 =	vmax.f32 v0, v37  }
0x22d: {  	v0 =	vmin.f32 v0, v37;
	v1 =	vmin.f32 v1, v2;
	v2 =	vmax.f32 v48, v51  }
0x22e: {  	v39 =	vmax.f32 v3, v38;
	v3 =	vmin.f32 v3, v38;
	v42 =	vmax.f32 v0, v41  }
0x22f: {  	v0 =	vmin.f32 v0, v41;
	v4 =	vmin.f32 v5, v2;
	v2 =	vmax.f32 v5, v2  }
0x230: {  	v40 =	vmin.f32 v36, v39;
	v43 =	vmax.f32 v3, v42;
	v3 =	vmin.f32 v3, v42  }
0x231: {  	v45 =	vmax.f32 v0, v23;
	v0 =	vmin.f32 v0, v23;
	v1 =	vmin.f32 v1, v2  }
0x232: {  	v2 =	vmax.f32 v52, v55;
	v44 =	vmin.f32 v40, v43;
	v46 =	vmax.f32 v3, v45  }
0x233: {  	v54 =	vld [tilespmem:$0x1FE10];
	v3 =	vmin.f32 v3, v45;
	v48 =	vmax.f32 v0, v24;
	v0 =	vmin.f32 v0, v24  }
0x234: {  	v6 =	vmin.f32 v4, v2;
	v2 =	vmax.f32 v4, v2;
	v47 =	vmin.f32 v44, v46  }
0x235: {  	v49 =	vmax.f32 v3, v48;
	v3 =	vmin.f32 v3, v48;
	v51 =	vmax.f32 v0, v21  }
0x236: {  	v58 =	vld [tilespmem:$0x1FE20];
	v0 =	vmin.f32 v0, v21;
	v1 =	vmin.f32 v1, v2;
	v2 =	vmax.f32 v56, v59  }
0x237: {  	v50 =	vmin.f32 v47, v49;
	v52 =	vmax.f32 v3, v51;
	v3 =	vmin.f32 v3, v51  }
0x238: {  	v55 =	vmax.f32 v0, v54;
	v0 =	vmin.f32 v0, v54;
	v5 =	vmin.f32 v6, v2  }
0x239: {  	v2 =	vmax.f32 v6, v2;
	v53 =	vmin.f32 v50, v52;
	v56 =	vmax.f32 v3, v55  }
0x23a: {  	v3 =	vmin.f32 v3, v55;
	v1 =	vmin.f32 v1, v2;
	v2 =	vmax.f32 v60, v62  }
0x23b: {  	v59 =	vmax.f32 v0, v58;
	v62 =	vld [tilespmem:$0x1FE30];
	v4 =	vmin.f32 v5, v2;
	v2 =	vmax.f32 v5, v2  }
0x23c: {  	v0 =	vmin.f32 v0, v58;
	v1 =	vmin.f32 v1, v2;
	v2 =	vmax.f32 v63, v10  }
0x23d: {  	v57 =	vmin.f32 v53, v56;
	v6 =	vmin.f32 v4, v2;
	v2 =	vmax.f32 v4, v2  }
0x23e: {  	v60 =	vmax.f32 v3, v59;
	v1 =	vmin.f32 v1, v2;
	v2 =	vmax.f32 v13, v20  }
0x23f: {  	v3 =	vmin.f32 v3, v59;
	v61 =	vmin.f32 v57, v60;
	v5 =	vmin.f32 v6, v2  }
0x240: {  	v2 =	vmax.f32 v6, v2;
	v63 =	vmax.f32 v0, v62;
	v0 =	vmin.f32 v0, v62  }
0x241: {  	v1 =	vmin.f32 v1, v2;
	v2 =	vmax.f32 v22, v27;
	v8 =	vmax.f32 v3, v63  }
0x242: {  	v3 =	vmin.f32 v3, v63;
	v10 =	vmax.f32 v0, v17;
	v0 =	vmin.f32 v0, v17  }
0x243: {  	v4 =	vmin.f32 v5, v2;
	v2 =	vmax.f32 v5, v2;
	v9 =	vmin.f32 v61, v8  }
0x244: {  	v13 =	vmax.f32 v3, v10;
	v3 =	vmin.f32 v3, v10;
	v19 =	vmax.f32 v0, v14  }
0x245: {  	v0 =	vmin.f32 v0, v14;
	v1 =	vmin.f32 v1, v2;
	v2 =	vmax.f32 v28, v31  }
0x246: {  	v17 =	vmin.f32 v9, v13;
	v20 =	vmax.f32 v3, v19;
	v3 =	vmin.f32 v3, v19  }
0x247: {  	v22 =	vmax.f32 v0, v16;
	v0 =	vmin.f32 v0, v16;
	v6 =	vmin.f32 v4, v2  }
0x248: {  	v2 =	vmax.f32 v4, v2;
	v21 =	vmin.f32 v17, v20;
	v23 =	vmax.f32 v3, v22  }
0x249: {  	v3 =	vmin.f32 v3, v22;
	v25 =	vmax.f32 v0, v15;
	v0 =	vmin.f32 v0, v15  }
0x24a: {  	v31 =	vld [tilespmem:$0x1FE40];
	v1 =	vmin.f32 v1, v2;
	v2 =	vmax.f32 v32, v35;
	v24 =	vmin.f32 v21, v23  }
0x24b: {  	v26 =	vmax.f32 v3, v25;
	v3 =	vmin.f32 v3, v25;
	v28 =	vmax.f32 v0, v18  }
0x24c: {  	v0 =	vmin.f32 v0, v18;
	v5 =	vmin.f32 v6, v2;
	v2 =	vmax.f32 v6, v2  }
0x24d: {  	v27 =	vmin.f32 v24, v26;
	v29 =	vmax.f32 v3, v28;
	v3 =	vmin.f32 v3, v28  }
0x24e: {  	v1 =	vmin.f32 v1, v2;
	v2 =	vmax.f32 v36, v39;
	v30 =	vmin.f32 v27, v29  }
0x24f: {  	v35 =	vld [tilespmem:$0x1FE50];
	v4 =	vmin.f32 v5, v2;
	v2 =	vmax.f32 v5, v2;
	v32 =	vmax.f32 v0, v31  }
0x250: {  	v0 =	vmin.f32 v0, v31;
	v1 =	vmin.f32 v1, v2;
	v2 =	vmax.f32 v40, v43  }
0x251: {  	v33 =	vmax.f32 v3, v32;
	v6 =	vmin.f32 v4, v2;
	v2 =	vmax.f32 v4, v2  }
0x252: {  	v3 =	vmin.f32 v3, v32;
	v1 =	vmin.f32 v1, v2;
	v2 =	vmax.f32 v44, v46  }
0x253: {  	v34 =	vmin.f32 v30, v33;
	v5 =	vmin.f32 v6, v2;
	v2 =	vmax.f32 v6, v2  }
0x254: {  	v39 =	vld [tilespmem:$0x1FE60];
	v36 =	vmax.f32 v0, v35;
	v1 =	vmin.f32 v1, v2;
	v2 =	vmax.f32 v47, v49  }
0x255: {  	v0 =	vmin.f32 v0, v35;
	v4 =	vmin.f32 v5, v2;
	v2 =	vmax.f32 v5, v2  }
0x256: {  	v37 =	vmax.f32 v3, v36;
	v1 =	vmin.f32 v1, v2;
	v2 =	vmax.f32 v50, v52  }
0x257: {  	v3 =	vmin.f32 v3, v36;
	v6 =	vmin.f32 v4, v2;
	v2 =	vmax.f32 v4, v2  }
0x258: {  	v38 =	vmin.f32 v34, v37;
	v1 =	vmin.f32 v1, v2;
	v2 =	vmax.f32 v53, v56  }
0x259: {  	v43 =	vld [tilespmem:$0x1FE70];
	v40 =	vmax.f32 v0, v39;
	v5 =	vmin.f32 v6, v2;
	v2 =	vmax.f32 v6, v2  }
0x25a: {  	v0 =	vmin.f32 v0, v39;
	v1 =	vmin.f32 v1, v2;
	v2 =	vmax.f32 v57, v60  }
0x25b: {  	v41 =	vmax.f32 v3, v40;
	v4 =	vmin.f32 v5, v2;
	v2 =	vmax.f32 v5, v2  }
0x25c: {  	v3 =	vmin.f32 v3, v40;
	v1 =	vmin.f32 v1, v2;
	v2 =	vmax.f32 v61, v8  }
0x25d: {  	v42 =	vmin.f32 v38, v41;
	v6 =	vmin.f32 v4, v2;
	v2 =	vmax.f32 v4, v2  }
0x25e: {  	v47 =	vld [tilespmem:$0x1FE80];
	v44 =	vmax.f32 v0, v43;
	v1 =	vmin.f32 v1, v2;
	v2 =	vmax.f32 v9, v13  }
0x25f: {  	v0 =	vmin.f32 v0, v43;
	v5 =	vmin.f32 v6, v2;
	v2 =	vmax.f32 v6, v2  }
0x260: {  	v45 =	vmax.f32 v3, v44;
	v1 =	vmin.f32 v1, v2;
	v2 =	vmax.f32 v17, v20  }
0x261: {  	v3 =	vmin.f32 v3, v44;
	v4 =	vmin.f32 v5, v2;
	v2 =	vmax.f32 v5, v2  }
0x262: {  	v51 =	vld [tilespmem:$0x1FE90];
	v46 =	vmin.f32 v42, v45;
	v1 =	vmin.f32 v1, v2;
	v2 =	vmax.f32 v21, v23  }
0x263: {  	v48 =	vmax.f32 v0, v47;
	v6 =	vmin.f32 v4, v2;
	v2 =	vmax.f32 v4, v2  }
0x264: {  	v0 =	vmin.f32 v0, v47;
	v1 =	vmin.f32 v1, v2;
	v2 =	vmax.f32 v24, v26  }
0x265: {  	v49 =	vmax.f32 v3, v48;
	v5 =	vmin.f32 v6, v2;
	v2 =	vmax.f32 v6, v2  }
0x266: {  	v3 =	vmin.f32 v3, v48;
	v1 =	vmin.f32 v1, v2;
	v2 =	vmax.f32 v27, v29  }
0x267: {  	v52 =	vmax.f32 v0, v51;
	v4 =	vmin.f32 v5, v2;
	v2 =	vmax.f32 v5, v2  }
0x268: {  	v0 =	vmin.f32 v0, v51;
	v1 =	vmin.f32 v1, v2;
	v2 =	vmax.f32 v30, v33  }
0x269: {  	v50 =	vmin.f32 v46, v49;
	v6 =	vmin.f32 v4, v2;
	v2 =	vmax.f32 v4, v2  }
0x26a: {  	v53 =	vmax.f32 v3, v52;
	v1 =	vmin.f32 v1, v2;
	v2 =	vmax.f32 v34, v37  }
0x26b: {  	v3 =	vmin.f32 v3, v52;
	v5 =	vmin.f32 v6, v2;
	v2 =	vmax.f32 v6, v2  }
0x26c: {  	v55 =	vmax.f32 v0, v12;
	v1 =	vmin.f32 v1, v2;
	v2 =	vmax.f32 v38, v41  }
0x26d: {  	v0 =	vmin.f32 v0, v12;
	v4 =	vmin.f32 v5, v2;
	v2 =	vmax.f32 v5, v2  }
0x26e: {  	v54 =	vmin.f32 v50, v53;
	v1 =	vmin.f32 v1, v2;
	v2 =	vmax.f32 v42, v45  }
0x26f: {  	v56 =	vmax.f32 v3, v55;
	v6 =	vmin.f32 v4, v2;
	v2 =	vmax.f32 v4, v2  }
0x270: {  	v3 =	vmin.f32 v3, v55;
	v1 =	vmin.f32 v1, v2;
	v2 =	vmax.f32 v46, v49  }
0x271: {  	v58 =	vmax.f32 v0, v11;
	v5 =	vmin.f32 v6, v2;
	v2 =	vmax.f32 v6, v2  }
0x272: {  	v43 =	vmin.f32 v0, v11;
	v1 =	vmin.f32 v1, v2;
	v2 =	vmax.f32 v50, v53  }
.Ltmp12:
0x273: {  	v57 =	vmax.f32 v54, v56;
	v4 =	vmin.f32 v5, v2;
	v2 =	vmax.f32 v5, v2;
	(pc) =	sbr.rel .LBB2_9-.Ltmp12, $4  }
0x274: {  	v60 =	vmax.f32 v3, v58;
	v1 =	vmin.f32 v1, v2;
	v2 =	vmin.f32 v54, v56  }
0x275: {  	v59 =	vmax.f32 v4, v57;
	v4 =	vmin.f32 v4, v57;
	v61 =	vmax.f32 v2, v60  }
0x276: {  	v1 =	vmin.f32 v1, v59;
	v62 =	vmax.f32 v4, v61;
	v63 =	vmin.f32 v4, v61  }
0x277: {  	v42 =	vmin.f32 v3, v58;
	v41 =	vmin.f32 v2, v60;
	[tilespmem:$0x1FFE0] =	vst v63;
	v38 =	vmin.f32 v1, v62  }
.LBB2_12:
0x278: {  	[tilespmem:s17], [sflag:$0x3] =	stream.linear.gather [spmem:s7], $0x400, $0x38;
	[tilespmem:$0x10580] =	vst v63  }
0x279: {  	_ =	swait.ge [sflag:s16], $0x400  }
0x27a: {  	[sflag:s16] =	ssyncset.done $0x0  }
0x27b: {  	[sflag:s16] =	ssyncadd.s32 $0xFFFFFC00  }
0x27c: {  	v0 =	vld [tilespmem:$0x10080]  }
0x27d: {  	v1 =	vld [tilespmem:$0x10090]  }
0x27e: {  	v2 =	vld [tilespmem:$0x100A0];
	_ =	sdelay $0x1  }
0x27f: {  	v3 =	vld [tilespmem:$0x100B0];
	_ =	sdelay $0x1  }
0x280: {  	v7 =	vld [tilespmem:$0x100C0];
	v4 =	vmax.f32 v0, $+Inf;
	v5 =	vmin.f32 v0, v1;
	v0 =	vmax.f32 v0, v1  }
0x281: {  	v1 =	vmin.f32 v4, v0;
	v0 =	vmax.f32 v4, v0;
	v6 =	vmax.f32 v5, v2  }
0x282: {  	v8 =	vld [tilespmem:$0x10100];
	v2 =	vmin.f32 v5, v2;
	v0 =	vmin.f32 v4, v0;
	v56 =	vmax.f32 v1, v6  }
0x283: {  	v1 =	vmin.f32 v1, v6;
	v58 =	vmax.f32 v2, v3;
	v2 =	vmin.f32 v2, v3  }
0x284: {  	v57 =	vmax.f32 v0, v56;
	v4 =	vmin.f32 v0, v56;
	v59 =	vmax.f32 v1, v58  }
0x285: {  	v9 =	vld [tilespmem:$0x10110];
	v1 =	vmin.f32 v1, v58;
	v62 =	vmax.f32 v2, v7;
	v2 =	vmin.f32 v2, v7  }
0x286: {  	v0 =	vmin.f32 v0, v57;
	v60 =	vmax.f32 v4, v59;
	v4 =	vmin.f32 v4, v59  }
0x287: {  	v63 =	vmax.f32 v1, v62;
	v1 =	vmin.f32 v1, v62;
	v7 =	vmax.f32 v2, v8  }
0x288: {  	v13 =	vld [tilespmem:$0x10120];
	v2 =	vmin.f32 v2, v8;
	v61 =	vmax.f32 v0, v60;
	v3 =	vmin.f32 v0, v60  }
0x289: {  	v10 =	vmax.f32 v4, v63;
	v4 =	vmin.f32 v4, v63;
	v12 =	vmax.f32 v1, v7  }
0x28a: {  	v1 =	vmin.f32 v1, v7;
	v8 =	vmax.f32 v2, v9;
	v2 =	vmin.f32 v2, v9  }
0x28b: {  	v17 =	vld [tilespmem:$0x10130];
	v0 =	vmin.f32 v0, v61;
	v11 =	vmax.f32 v3, v10;
	v3 =	vmin.f32 v3, v10  }
0x28c: {  	v14 =	vmax.f32 v4, v12;
	v4 =	vmin.f32 v4, v12;
	v16 =	vmax.f32 v1, v8  }
0x28d: {  	v1 =	vmin.f32 v1, v8;
	v9 =	vmax.f32 v2, v13;
	v2 =	vmin.f32 v2, v13  }
0x28e: {  	v21 =	vld [tilespmem:$0x10140];
	v0 =	vmin.f32 v0, v11;
	v15 =	vmax.f32 v3, v14;
	v3 =	vmin.f32 v3, v14  }
0x28f: {  	v18 =	vmax.f32 v4, v16;
	v4 =	vmin.f32 v4, v16;
	v20 =	vmax.f32 v1, v9  }
0x290: {  	v1 =	vmin.f32 v1, v9;
	v24 =	vmax.f32 v2, v17;
	v2 =	vmin.f32 v2, v17  }
0x291: {  	v26 =	vld [tilespmem:$0x10180];
	v0 =	vmin.f32 v0, v15;
	v19 =	vmax.f32 v3, v18;
	v3 =	vmin.f32 v3, v18  }
0x292: {  	v22 =	vmax.f32 v4, v20;
	v4 =	vmin.f32 v4, v20;
	v25 =	vmax.f32 v1, v24  }
0x293: {  	v1 =	vmin.f32 v1, v24;
	v29 =	vmax.f32 v2, v21;
	v2 =	vmin.f32 v2, v21  }
0x294: {  	v31 =	vld [tilespmem:$0x10190];
	v0 =	vmin.f32 v0, v19;
	v23 =	vmax.f32 v3, v22;
	v3 =	vmin.f32 v3, v22  }
0x295: {  	v27 =	vmax.f32 v4, v25;
	v4 =	vmin.f32 v4, v25;
	v30 =	vmax.f32 v1, v29  }
0x296: {  	v1 =	vmin.f32 v1, v29;
	v34 =	vmax.f32 v2, v26;
	v2 =	vmin.f32 v2, v26  }
0x297: {  	v36 =	vld [tilespmem:$0x101A0];
	v0 =	vmin.f32 v0, v23;
	v28 =	vmax.f32 v3, v27;
	v3 =	vmin.f32 v3, v27  }
0x298: {  	v32 =	vmax.f32 v4, v30;
	v4 =	vmin.f32 v4, v30;
	v35 =	vmax.f32 v1, v34  }
0x299: {  	v1 =	vmin.f32 v1, v34;
	v39 =	vmax.f32 v2, v31;
	v2 =	vmin.f32 v2, v31  }
0x29a: {  	v41 =	vld [tilespmem:$0x101B0];
	v0 =	vmin.f32 v0, v28;
	v33 =	vmax.f32 v3, v32;
	v3 =	vmin.f32 v3, v32  }
0x29b: {  	v37 =	vmax.f32 v4, v35;
	v4 =	vmin.f32 v4, v35;
	v40 =	vmax.f32 v1, v39  }
0x29c: {  	v1 =	vmin.f32 v1, v39;
	v44 =	vmax.f32 v2, v36;
	v8 =	vmin.f32 v2, v36  }
0x29d: {  	v46 =	vld [tilespmem:$0x101C0];
	v0 =	vmin.f32 v0, v33;
	v38 =	vmax.f32 v3, v37;
	v3 =	vmin.f32 v3, v37  }
0x29e: {  	v42 =	vmax.f32 v4, v40;
	v4 =	vmin.f32 v4, v40;
	v45 =	vmax.f32 v1, v44  }
0x29f: {  	v1 =	vmin.f32 v1, v44;
	v11 =	vmax.f32 v8, v41;
	v6 =	vmin.f32 v8, v41  }
0x2a0: {  	v48 =	vld [tilespmem:$0x10200];
	v0 =	vmin.f32 v0, v38;
	v43 =	vmax.f32 v3, v42;
	v3 =	vmin.f32 v3, v42  }
0x2a1: {  	v47 =	vmax.f32 v4, v45;
	v4 =	vmin.f32 v4, v45;
	v49 =	vmax.f32 v1, v11  }
0x2a2: {  	v50 =	vld [tilespmem:$0x10210];
	v1 =	vmin.f32 v1, v11;
	v51 =	vmin.f32 v6, v46;
	v6 =	vmax.f32 v6, v46  }
0x2a3: {  	v5 =	vmin.f32 v0, v43;
	v10 =	vmax.f32 v3, v47;
	v0 =	vmin.f32 v3, v47  }
0x2a4: {  	v52 =	vld [tilespmem:$0x10220];
	v8 =	vmin.f32 v4, v49;
	v3 =	vmax.f32 v4, v49;
	v53 =	vmin.f32 v1, v6  }
0x2a5: {  	v55 =	vld [tilespmem:$0x10230];
	v1 =	vmax.f32 v1, v6;
	v54 =	vmax.f32 v51, v48;
	v4 =	vmin.f32 v51, v48  }
0x2a6: {  	v2 =	vmin.f32 v5, v10;
	v12 =	vmin.f32 v8, v1;
	v9 =	vmax.f32 v53, v54  }
0x2a7: {  	v14 =	vld [tilespmem:$0x10240];
	v6 =	vmin.f32 v53, v54;
	v13 =	vmax.f32 v4, v50;
	v4 =	vmin.f32 v4, v50  }
0x2a8: {  	v10 =	vmin.f32 v12, v9;
	v56 =	vmin.f32 v6, v13;
	v6 =	vmax.f32 v6, v13  }
0x2a9: {  	v57 =	vld [tilespmem:$0x10280];
	v15 =	vmin.f32 v4, v52;
	v4 =	vmax.f32 v4, v52;
	v13 =	vmin.f32 v10, v6  }
0x2aa: {  	v17 =	vld [tilespmem:$0x10290];
	v16 =	vmin.f32 v56, v4;
	v4 =	vmax.f32 v56, v4;
	v58 =	vmax.f32 v15, v55  }
0x2ab: {  	v11 =	vmin.f32 v15, v55;
	v18 =	vmin.f32 v13, v4;
	v15 =	vmax.f32 v16, v58  }
0x2ac: {  	v20 =	vld [tilespmem:$0x102A0];
	v5 =	vmin.f32 v16, v58;
	v19 =	vmax.f32 v11, v14;
	v11 =	vmin.f32 v11, v14  }
0x2ad: {  	v60 =	vld [tilespmem:$0x102B0];
	v16 =	vmin.f32 v18, v15;
	v59 =	vmin.f32 v5, v19;
	v5 =	vmax.f32 v5, v19  }
0x2ae: {  	v61 =	vld [tilespmem:$0x102C0];
	v22 =	vmin.f32 v11, v57;
	v7 =	vmax.f32 v11, v57;
	v21 =	vmin.f32 v16, v5  }
0x2af: {  	v24 =	vld [tilespmem:$0x10300];
	v23 =	vmin.f32 v59, v7;
	v7 =	vmax.f32 v59, v7;
	v62 =	vmax.f32 v22, v17  }
0x2b0: {  	v26 =	vld [tilespmem:$0x10310];
	v17 =	vmin.f32 v22, v17;
	v25 =	vmin.f32 v21, v7;
	v63 =	vmin.f32 v23, v62  }
0x2b1: {  	v48 =	vld [tilespmem:$0x10320];
	v14 =	vmax.f32 v23, v62;
	v47 =	vmin.f32 v17, v20;
	v17 =	vmax.f32 v17, v20  }
0x2b2: {  	v49 =	vld [tilespmem:$0x10330];
	v27 =	vmin.f32 v63, v17;
	v28 =	vmin.f32 v47, v60;
	v19 =	vmax.f32 v47, v60  }
0x2b3: {  	v50 =	vld [tilespmem:$0x10340];
	v29 =	vmin.f32 v27, v19;
	v30 =	vmin.f32 v28, v61;
	v11 =	vmax.f32 v28, v61  }
0x2b4: {  	v51 =	vld [tilespmem:$0x10380];
	v31 =	vmin.f32 v29, v11;
	v32 =	vmin.f32 v30, v24;
	v24 =	vmax.f32 v30, v24  }
0x2b5: {  	v52 =	vld [tilespmem:$0x10390];
	v33 =	vmin.f32 v31, v24;
	v34 =	vmin.f32 v32, v26;
	v26 =	vmax.f32 v32, v26  }
0x2b6: {  	v53 =	vld [tilespmem:$0x103A0];
	v35 =	vmin.f32 v33, v26;
	v36 =	vmin.f32 v34, v48;
	v20 =	vmax.f32 v34, v48  }
0x2b7: {  	v54 =	vld [tilespmem:$0x103B0];
	v37 =	vmin.f32 v35, v20;
	v38 =	vmin.f32 v36, v49;
	v23 =	vmax.f32 v36, v49  }
0x2b8: {  	v55 =	vld [tilespmem:$0x103C0];
	v39 =	vmin.f32 v37, v23;
	v40 =	vmin.f32 v38, v50;
	v28 =	vmax.f32 v38, v50  }
0x2b9: {  	v56 =	vld [tilespmem:$0x10400];
	v41 =	vmin.f32 v39, v28;
	v42 =	vmin.f32 v40, v51;
	v30 =	vmax.f32 v40, v51  }
0x2ba: {  	v57 =	vld [tilespmem:$0x10410];
	v43 =	vmin.f32 v41, v30;
	v44 =	vmin.f32 v42, v52;
	v32 =	vmax.f32 v42, v52  }
0x2bb: {  	v58 =	vld [tilespmem:$0x10420];
	v45 =	vmin.f32 v43, v32;
	v46 =	vmin.f32 v44, v53;
	v34 =	vmax.f32 v44, v53  }
0x2bc: {  	v59 =	vld [tilespmem:$0x10430];
	v47 =	vmin.f32 v45, v34;
	v48 =	vmin.f32 v46, v54;
	v36 =	vmax.f32 v46, v54  }
0x2bd: {  	v60 =	vld [tilespmem:$0x10440];
	v49 =	vmin.f32 v47, v36;
	v50 =	vmin.f32 v48, v55;
	v38 =	vmax.f32 v48, v55  }
0x2be: {  	v51 =	vmin.f32 v49, v38;
	v52 =	vmin.f32 v50, v56;
	v40 =	vmax.f32 v50, v56  }
0x2bf: {  	v50 =	vmin.f32 v51, v40;
	v53 =	vmin.f32 v52, v57;
	v42 =	vmax.f32 v52, v57  }
0x2c0: {  	v52 =	vmin.f32 v50, v42;
	v54 =	vmin.f32 v53, v58;
	v44 =	vmax.f32 v53, v58  }
0x2c1: {  	v53 =	vmin.f32 v52, v44;
	v55 =	vmin.f32 v54, v59;
	v46 =	vmax.f32 v54, v59  }
0x2c2: {  	v61 =	vmin.f32 v55, v60;
	v48 =	vmax.f32 v55, v60;
	v55 =	vmin.f32 v53, v46  }
0x2c3: {  	v17 =	vmax.f32 v63, v17;
	v62 =	vmin.f32 v55, v48;
	(xrf1) =	vsort.ascd.msk.f32 $0xffff, v61, v61  }
0x2c4: {  	v22 =	vmin.f32 v25, v14;
	v54 =	vmin.f32 v0, v3;
	(xrf1) =	vsort.ascd.msk.f32 $0xffff, v62, v62  }
0x2c5: {  	v0 =	vmax.f32 v0, v3;
	v3 =	vmax.f32 v27, v19;
	v19 =	vmin.f32 v22, v17  }
0x2c6: {  	v1 =	vmax.f32 v8, v1;
	v11 =	vmax.f32 v29, v11;
	v8 =	vmin.f32 v19, v3  }
0x2c7: {  	v9 =	vmax.f32 v12, v9;
	v24 =	vmax.f32 v31, v24;
	v29 =	vmin.f32 v8, v11  }
0x2c8: {  	v6 =	vmax.f32 v10, v6;
	v26 =	vmax.f32 v33, v26;
	v12 =	vmin.f32 v29, v24  }
0x2c9: {  	v4 =	vmax.f32 v13, v4;
	v20 =	vmax.f32 v35, v20;
	v33 =	vmin.f32 v12, v26  }
0x2ca: {  	v15 =	vmax.f32 v18, v15;
	v23 =	vmax.f32 v37, v23;
	v10 =	vmin.f32 v33, v20  }
0x2cb: {  	v5 =	vmax.f32 v16, v5;
	v28 =	vmax.f32 v39, v28;
	v37 =	vmin.f32 v10, v23  }
0x2cc: {  	v7 =	vmax.f32 v21, v7;
	v30 =	vmax.f32 v41, v30;
	v13 =	vmin.f32 v37, v28  }
0x2cd: {  	v14 =	vmax.f32 v25, v14;
	v32 =	vmax.f32 v43, v32;
	v41 =	vmin.f32 v13, v30  }
0x2ce: {  	v34 =	vmax.f32 v45, v34;
	v36 =	vmax.f32 v47, v36;
	v56 =	vld [tilespmem:$0x1FFF0];
	v18 =	vmin.f32 v41, v32  }
0x2cf: {  	v38 =	vmax.f32 v49, v38;
	v40 =	vmax.f32 v51, v40;
	v45 =	vmin.f32 v18, v34  }
0x2d0: {  	v42 =	vmax.f32 v50, v42;
	v27 =	vmin.f32 v54, v1;
	v16 =	vmin.f32 v45, v36  }
0x2d1: {  	v44 =	vmax.f32 v52, v44;
	v31 =	vmin.f32 v27, v9;
	v21 =	vmin.f32 v16, v38;
	v63, _, _ =	vpop (xrf1)  }
0x2d2: {  	v46 =	vmax.f32 v53, v46;
	v35 =	vmin.f32 v31, v6;
	v60 =	vmin.f32 v21, v40;
	v61, _, _ =	vpop (xrf1)  }
0x2d3: {  	v39 =	vmin.f32 v35, v4;
	v50 =	vmin.f32 v60, v42;
	v49 =	vperm.xlane v61, v56  }
0x2d4: {  	v48 =	vmax.f32 v55, v48;
	v43 =	vmin.f32 v39, v15;
	v52 =	vmin.f32 v50, v44  }
0x2d5: {  	v62 =	vmin.f32 v43, v5;
	v53 =	vmin.f32 v52, v46;
	v47 =	vmin.f32 v63, v49  }
0x2d6: {  	v49 =	vmin.f32 v62, v7;
	v63 =	vmin.f32 v53, v48;
	(xrf1) =	vsort.ascd.msk.f32 $0xffff, v47, v47  }
0x2d7: {  	v17 =	vmax.f32 v22, v17;
	v22 =	vmin.f32 v49, v14;
	(xrf1) =	vsort.ascd.msk.f32 $0xffff, v63, v63  }
0x2d8: {  	v0 =	vmin.f32 v2, v0;
	v2 =	vmax.f32 v19, v3;
	v3 =	vmin.f32 v22, v17  }
0x2d9: {  	v1 =	vmax.f32 v54, v1;
	v8 =	vmax.f32 v8, v11;
	v11 =	vmin.f32 v3, v2  }
0x2da: {  	v0 =	vmin.f32 v0, v1;
	v1 =	vmax.f32 v29, v24;
	v19 =	vmin.f32 v11, v8  }
0x2db: {  	v9 =	vmax.f32 v27, v9;
	v12 =	vmax.f32 v12, v26;
	v24 =	vmin.f32 v19, v1  }
0x2dc: {  	v0 =	vmin.f32 v0, v9;
	v9 =	vmax.f32 v33, v20;
	v20 =	vmin.f32 v24, v12  }
0x2dd: {  	v6 =	vmax.f32 v31, v6;
	v10 =	vmax.f32 v10, v23;
	v47 =	vmin.f32 v20, v9  }
0x2de: {  	v0 =	vmin.f32 v0, v6;
	v6 =	vmax.f32 v37, v28;
	v26 =	vmin.f32 v47, v10  }
0x2df: {  	v4 =	vmax.f32 v35, v4;
	v13 =	vmax.f32 v13, v30;
	v27 =	vmin.f32 v26, v6  }
0x2e0: {  	v0 =	vmin.f32 v0, v4;
	v4 =	vmax.f32 v41, v32;
	v28 =	vmin.f32 v27, v13  }
0x2e1: {  	v15 =	vmax.f32 v39, v15;
	v18 =	vmax.f32 v18, v34;
	v29 =	vmin.f32 v28, v4  }
0x2e2: {  	v0 =	vmin.f32 v0, v15;
	v15 =	vmax.f32 v45, v36;
	v30 =	vmin.f32 v29, v18  }
0x2e3: {  	v5 =	vmax.f32 v43, v5;
	v16 =	vmax.f32 v16, v38;
	v54 =	vmin.f32 v30, v15  }
0x2e4: {  	v0 =	vmin.f32 v0, v5;
	v21 =	vmax.f32 v21, v40;
	v55 =	vmin.f32 v54, v16;
	v57, _, _ =	vpop (xrf1)  }
0x2e5: {  	v25 =	vmax.f32 v60, v42;
	v60 =	vmax.f32 v50, v44;
	v58 =	vmin.f32 v55, v21;
	v59, _, _ =	vpop (xrf1)  }
0x2e6: {  	v40 =	vmax.f32 v53, v48;
	v61 =	vmin.f32 v58, v25;
	v34 =	vperm.xlane v59, v56  }
0x2e7: {  	v7 =	vmax.f32 v62, v7;
	v62 =	vmax.f32 v52, v46;
	v63 =	vmin.f32 v61, v60  }
0x2e8: {  	v0 =	vmin.f32 v0, v7;
	v41 =	vmin.f32 v63, v62;
	v32 =	vmin.f32 v57, v34  }
0x2e9: {  	v14 =	vmax.f32 v49, v14;
	v42 =	vmin.f32 v41, v40;
	(xrf1) =	vsort.ascd.msk.f32 $0xffff, v32, v32  }
0x2ea: {  	v0 =	vmin.f32 v0, v14;
	v43 =	vmax.f32 v22, v17;
	(xrf1) =	vsort.ascd.msk.f32 $0xffff, v42, v42  }
0x2eb: {  	v0 =	vmin.f32 v0, v43;
	v2 =	vmax.f32 v3, v2  }
0x2ec: {  	v0 =	vmin.f32 v0, v2;
	v44 =	vmax.f32 v11, v8  }
0x2ed: {  	v0 =	vmin.f32 v0, v44;
	v1 =	vmax.f32 v19, v1  }
0x2ee: {  	v0 =	vmin.f32 v0, v1;
	v45 =	vmax.f32 v24, v12  }
0x2ef: {  	v0 =	vmin.f32 v0, v45;
	v46 =	vmax.f32 v20, v9  }
0x2f0: {  	v0 =	vmin.f32 v0, v46;
	v47 =	vmax.f32 v47, v10  }
0x2f1: {  	v0 =	vmin.f32 v0, v47;
	v48 =	vmax.f32 v26, v6  }
0x2f2: {  	v0 =	vmin.f32 v0, v48;
	v49 =	vmax.f32 v27, v13  }
0x2f3: {  	v0 =	vmin.f32 v0, v49;
	v50 =	vmax.f32 v28, v4  }
0x2f4: {  	v0 =	vmin.f32 v0, v50;
	v51 =	vmax.f32 v29, v18  }
0x2f5: {  	v0 =	vmin.f32 v0, v51;
	v52 =	vmax.f32 v30, v15  }
0x2f6: {  	v0 =	vmin.f32 v0, v52;
	v53 =	vmax.f32 v54, v16  }
0x2f7: {  	v0 =	vmin.f32 v0, v53;
	v54 =	vmax.f32 v55, v21;
	v55, _, _ =	vpop (xrf1)  }
0x2f8: {  	v0 =	vmin.f32 v0, v54;
	v57 =	vmax.f32 v58, v25;
	v58, _, _ =	vpop (xrf1)  }
0x2f9: {  	v59 =	vmax.f32 v61, v60;
	v0 =	vmin.f32 v0, v57;
	v3 =	vperm.xlane v58, v56  }
0x2fa: {  	v60 =	vmax.f32 v63, v62;
	v0 =	vmin.f32 v0, v59  }
0x2fb: {  	v61 =	vmax.f32 v41, v40;
	v0 =	vmin.f32 v0, v60;
	v2 =	vmin.f32 v55, v3  }
0x2fc: {  	v0 =	vmin.f32 v0, v61;
	(xrf1) =	vsort.ascd.msk.f32 $0xffff, v2, v2  }
0x2fd: {  	(xrf1) =	vsort.ascd.msk.f32 $0xffff, v0, v0;
	_ =	sdelay $0xc  }
0x2fe: {  	v62, _, _ =	vpop (xrf1)  }
0x2ff: {  	v63, _, _ =	vpop (xrf1)  }
0x300: {  	v1 =	vperm.xlane v63, v56;
	_ =	sdelay $0x1  }
0x301: {  	v0 =	vmin.f32 v62, v1  }
0x302: {  	(xrf1) =	vsort.ascd.msk.f32 $0xffff, v0, v0;
	_ =	sdelay $0xd  }
0x303: {  	v0, _, _ =	vpop (xrf1)  }
0x304: {  	(xrf2) =	vadd.scan.msk.f32 $0xffff, v0;
	_ =	sdelay $0x9  }
0x305: {  	v0, _, _ =	vpop (xrf2)  }
.Ltmp13:
0x306: {  	[tilespmem:$0x10480] =	vst v0;
	(pc) =	sbr.rel .LBB2_13-.Ltmp13, $4  }
0x307: {  	[hbm4b:s8+s3] =	stream.linear.scatter [tilespmem:s18], [sflag:$0x3], $0x80, $0x38;
	[tilespmem:$0x10580] =	vst v63  }
0x308: {  	_ =	swait.ge [sflag:s16], $0x80  }
0x309: {  	[sflag:s16] =	ssyncset.done $0x0  }
0x30a: {  	[sflag:s16] =	ssyncadd.s32 $0xFFFFFF80  }
.LBB2_14:
0x30b: {  	_ =	sfence.sel $0x180000  }
0x30c: {  	[bflag:$0x0] =	sbarrier.arrive $0xFFFF  }
0x30d: {  	p0 =	sne.s32 s2, $0x0;
	_ =	strace $0x90000047  }
0x30e: {  	s0 =	sadd.s32 @!p0 $0x100000, s0;
	[bflag:$0x2] =	sbarrier.arrive $0xFFFF  }
0x30f: {  	[sflag:s0] =	ssyncadd.tile.s32 @!p0 $0x1;
	_ =	shalt  }
.Lfunc_end2:
_tile_overlayer_lowered:
.L_overlay_start_2:
0x310: {  	(tag) =	ssettag $0x2  }
0x311: {  	s0 =	rddreg [dreg:$0x0];
	s2 =	stileid.u32  }
0x312: {  	s1 =	rddreg [dreg:$0x1];
	p0 =	sne.s32 s2, $0x0  }
0x313: {  	s3 =	rddreg [dreg:$0x2];
	[bflag:$0x3] =	sbarrier.arrive $0xFFFF;
	s2 =	simm.s32 @!p0 $0x1C03  }
0x314: {  	[timem:s3], [sflag:s2] =	dma.local @!p0 [hbm:s0], s1  }
0x315: {  	s0 =	simm.s32 @!p0 $0x3  }
0x316: {  	_ =	swait.ge @!p0 [sflag:s0], s1  }
0x317: {  	s1 =	ssub.s32 @!p0 $0x0, s1;
	[sflag:s0] =	ssyncset.done @!p0 $0x0  }
0x318: {  	[sflag:s0] =	ssyncadd.s32 @!p0 s1  }
0x319: {  	[bflag:$0x3] =	sbarrier.arrive $0xFFFF  }
0x31a: {  	_ =	shalt  }

</sc_bundles>
